<compile_context>
chip_gen: v7x
topology: tpu7x:2x2x1
jax: 0.10.2.dev20260603
libtpu: 0.0.44.dev20260713+nightly
codegen_flags: <defaults>
</compile_context>

<pallas_src>
import jax
import jax.numpy as jnp
from jax import lax
from jax.experimental import pallas as pl
from jax.experimental.pallas import tpu as pltpu
from jax.experimental.pallas import tpu_sc as plsc

N = 10000
E = 320000
D = 128

NC = 2
NS = 16
NW = NC * NS
CH = 125
RINGCH = E // (NW * CH)
NCHUNK = NW * RINGCH
DEGW = 8

ROWS_BIG = 640
ROWS_LAST = N - 15 * ROWS_BIG

_sc_mesh = plsc.VectorSubcoreMesh(core_axis_name="c", subcore_axis_name="s")


def _segsum_body(with_deg, a_hbm, ei_hbm, zr_hbm, zd_hbm, ones_hbm,
                 rows_out, deg_out, src_v, dst_v, rb0, rb1, rb2, rb3,
                 sg0, sg1, sg2, sg3, ss0, ss1, ss2, ss3,
                 ones_v, acc_sh, deg_sh):
    c = lax.axis_index("c")
    s = lax.axis_index("s")

    @pl.when(s < NS - 1)
    def _():
        pltpu.sync_copy(zr_hbm, acc_sh.at[pl.ds(s * ROWS_BIG, ROWS_BIG)])
        if with_deg:
            pltpu.sync_copy(zd_hbm, deg_sh.at[pl.ds(s * ROWS_BIG, ROWS_BIG)])

    @pl.when(s == NS - 1)
    def _():
        pltpu.sync_copy(zr_hbm.at[pl.ds(0, ROWS_LAST)],
                        acc_sh.at[pl.ds(15 * ROWS_BIG, ROWS_LAST)])
        if with_deg:
            pltpu.sync_copy(zd_hbm.at[pl.ds(0, ROWS_LAST)],
                            deg_sh.at[pl.ds(15 * ROWS_BIG, ROWS_LAST)])

    w = c * NS + s
    pltpu.sync_copy(ei_hbm.at[0].at[pl.ds(w * RINGCH, RINGCH)], src_v)
    pltpu.sync_copy(ei_hbm.at[1].at[pl.ds(w * RINGCH, RINGCH)], dst_v)

    if with_deg:
        pltpu.sync_copy(ones_hbm, ones_v)

    plsc.subcore_barrier()

    table = a_hbm
    RB = (rb0, rb1, rb2, rb3)
    SG = (sg0, sg1, sg2, sg3)
    SS = (ss0, ss1, ss2, ss3)

    def gather_start(g, j):
        pltpu.async_copy(table.at[src_v.at[g]], RB[j], SG[j])

    def gather_wait(g, j):
        pltpu.make_async_copy(table.at[src_v.at[g]], RB[j], SG[j]).wait()

    def scat_start(g, j):
        pltpu.async_copy(RB[j], acc_sh.at[dst_v.at[g]], SS[j], add=True)
        if with_deg:
            pltpu.sync_copy(ones_v, deg_sh.at[dst_v.at[g]], add=True)

    def scat_wait(g, j):
        pltpu.make_async_copy(RB[j], acc_sh.at[dst_v.at[g]], SS[j]).wait()

    def ring(i, carry):
        for j in range(4):
            g = i * 4 + j

            @pl.when(i > 0)
            def _():
                scat_wait(g - 4, j)
            gather_start(g, j)
            jm = (j + 2) % 4
            if j < 2:
                @pl.when(i > 0)
                def _():
                    gather_wait(g - 2, jm)
                    scat_start(g - 2, jm)
            else:
                gather_wait(g - 2, jm)
                scat_start(g - 2, jm)
        return carry

    lax.fori_loop(0, RINGCH // 4, ring, 0)

    for g in (RINGCH - 2, RINGCH - 1):
        gather_wait(g, g % 4)
        scat_start(g, g % 4)
    for g in range(RINGCH - 4, RINGCH):
        scat_wait(g, g % 4)

    plsc.subcore_barrier()

    @pl.when(s < NS - 1)
    def _():
        r0 = s * ROWS_BIG
        pltpu.sync_copy(acc_sh.at[pl.ds(r0, ROWS_BIG)],
                        rows_out.at[pl.ds(r0, ROWS_BIG), pl.ds(c * D, D)])
        if with_deg:
            pltpu.sync_copy(deg_sh.at[pl.ds(r0, ROWS_BIG)],
                            deg_out.at[c].at[pl.ds(r0, ROWS_BIG)])

    @pl.when(s == NS - 1)
    def _():
        r0 = 15 * ROWS_BIG
        pltpu.sync_copy(acc_sh.at[pl.ds(r0, ROWS_LAST)],
                        rows_out.at[pl.ds(r0, ROWS_LAST), pl.ds(c * D, D)])
        if with_deg:
            pltpu.sync_copy(deg_sh.at[pl.ds(r0, ROWS_LAST)],
                            deg_out.at[c].at[pl.ds(r0, ROWS_LAST)])


def _make_segsum(with_deg):
    out_type = [jax.ShapeDtypeStruct((N, NC * D), jnp.bfloat16)]
    if with_deg:
        out_type.append(jax.ShapeDtypeStruct((NC, N, DEGW), jnp.float32))
    scratch = [
        pltpu.VMEM((RINGCH, CH), jnp.int32),
        pltpu.VMEM((RINGCH, CH), jnp.int32),
        pltpu.VMEM((CH, D), jnp.bfloat16),
        pltpu.VMEM((CH, D), jnp.bfloat16),
        pltpu.VMEM((CH, D), jnp.bfloat16),
        pltpu.VMEM((CH, D), jnp.bfloat16),
        pltpu.SemaphoreType.DMA,
        pltpu.SemaphoreType.DMA,
        pltpu.SemaphoreType.DMA,
        pltpu.SemaphoreType.DMA,
        pltpu.SemaphoreType.DMA,
        pltpu.SemaphoreType.DMA,
        pltpu.SemaphoreType.DMA,
        pltpu.SemaphoreType.DMA,
        pltpu.VMEM((CH, DEGW), jnp.float32),
        pltpu.VMEM_SHARED((N, D), jnp.bfloat16),
        pltpu.VMEM_SHARED((N, DEGW), jnp.float32),
    ]

    def body(a_hbm, ei_hbm, zr_hbm, zd_hbm, ones_hbm, *refs):
        if with_deg:
            rows_out, deg_out = refs[0], refs[1]
            rest = refs[2:]
        else:
            rows_out, deg_out = refs[0], None
            rest = refs[1:]
        _segsum_body(with_deg, a_hbm, ei_hbm, zr_hbm, zd_hbm,
                     ones_hbm, rows_out, deg_out, *rest)

    return pl.kernel(body,
                     out_type=tuple(out_type) if with_deg else out_type[0],
                     mesh=_sc_mesh, scratch_types=scratch,
                     compiler_params=pltpu.CompilerParams(
                         use_tc_tiling_on_sc=False))


_segsum_deg = _make_segsum(True)
_segsum = _make_segsum(False)



_RB = 1000
_GRID = N // _RB


def _fold_body(w2_ref, w3_ref, b3_ref, lw_ref, lb_ref, w32p_ref, bp_ref):
    lw = lw_ref[0]
    w32p_ref[0, :, :D] = jnp.dot(w3_ref[0], lw,
                                 preferred_element_type=jnp.float32)
    w32p_ref[0, :, D:] = jnp.dot(w2_ref[0], lw,
                                 preferred_element_type=jnp.float32)
    bp_ref[0] = (jnp.dot(b3_ref[0], lw, preferred_element_type=jnp.float32)
                 + lb_ref[0])


def _fold(W2s, W3s, b3s, lWs, lbs):
    return pl.pallas_call(
        _fold_body,
        grid=(3,),
        in_specs=[pl.BlockSpec((1, D, D), lambda i: (i, 0, 0)),
                  pl.BlockSpec((1, D, D), lambda i: (i, 0, 0)),
                  pl.BlockSpec((1, 1, D), lambda i: (i, 0, 0)),
                  pl.BlockSpec((1, D, D), lambda i: (i, 0, 0)),
                  pl.BlockSpec((1, 1, D), lambda i: (i, 0, 0))],
        out_specs=[pl.BlockSpec((1, D, 2 * D), lambda i: (i, 0, 0)),
                   pl.BlockSpec((1, 1, D), lambda i: (i, 0, 0))],
        out_shape=[jax.ShapeDtypeStruct((3, D, 2 * D), jnp.float32),
                   jax.ShapeDtypeStruct((3, 1, D), jnp.float32)],
    )(W2s, W3s, b3s, lWs, lbs)


def _midA_body(x_ref, w_ref, o_ref):
    o_ref[...] = jnp.dot(x_ref[...], w_ref[...],
                         preferred_element_type=jnp.float32)


def _midA(x, w32p):
    return pl.pallas_call(
        _midA_body,
        grid=(_GRID,),
        in_specs=[pl.BlockSpec((_RB, D), lambda i: (i, 0)),
                  pl.BlockSpec((D, 2 * D), lambda i: (0, 0))],
        out_specs=pl.BlockSpec((_RB, 2 * D), lambda i: (i, 0)),
        out_shape=jax.ShapeDtypeStruct((N, 2 * D), jnp.float32),
    )(x, w32p)


def _pre_body(x_ref, w_ref, b_ref, o_ref):
    t = (jnp.dot(x_ref[...], w_ref[...],
                 preferred_element_type=jnp.float32) + b_ref[...])
    o_ref[...] = t.astype(jnp.bfloat16)


def _pre(x, W1, b1):
    return pl.pallas_call(
        _pre_body,
        grid=(_GRID,),
        in_specs=[pl.BlockSpec((_RB, D), lambda i: (i, 0)),
                  pl.BlockSpec((D, D), lambda i: (0, 0)),
                  pl.BlockSpec((1, D), lambda i: (0, 0))],
        out_specs=pl.BlockSpec((_RB, D), lambda i: (i, 0)),
        out_shape=jax.ShapeDtypeStruct((N, D), jnp.bfloat16),
    )(x, W1, b1.reshape(1, D))


def _mid_body(s_ref, t_ref, deg_ref, lw_ref, bp_ref, w1n_ref, b1n_ref,
              h_ref, a_ref):
    sblk = (s_ref[:, :D].astype(jnp.float32)
            + s_ref[:, D:].astype(jnp.float32))
    t32 = t_ref[...]
    d = deg_ref[0, :, :1] + deg_ref[1, :, :1]
    t = jnp.dot(sblk, lw_ref[...], preferred_element_type=jnp.float32)
    t = t + t32[:, :D] - d * t32[:, D:]
    h = jnp.maximum(t + bp_ref[...], 0.0)
    h_ref[...] = h
    a = (jnp.dot(h, w1n_ref[...], preferred_element_type=jnp.float32)
         + b1n_ref[...])
    a_ref[...] = a.astype(jnp.bfloat16)


def _mid(S, t32, deg1, lW, bp, W1n, b1n):
    return pl.pallas_call(
        _mid_body,
        grid=(_GRID,),
        in_specs=[pl.BlockSpec((_RB, NC * D), lambda i: (i, 0)),
                  pl.BlockSpec((_RB, 2 * D), lambda i: (i, 0)),
                  pl.BlockSpec((NC, _RB, DEGW), lambda i: (0, i, 0)),
                  pl.BlockSpec((D, D), lambda i: (0, 0)),
                  pl.BlockSpec((1, D), lambda i: (0, 0)),
                  pl.BlockSpec((D, D), lambda i: (0, 0)),
                  pl.BlockSpec((1, D), lambda i: (0, 0))],
        out_specs=[pl.BlockSpec((_RB, D), lambda i: (i, 0)),
                   pl.BlockSpec((_RB, D), lambda i: (i, 0))],
        out_shape=[jax.ShapeDtypeStruct((N, D), jnp.float32),
                   jax.ShapeDtypeStruct((N, D), jnp.bfloat16)],
    )(S, t32, deg1, lW, bp, W1n, b1n.reshape(1, D))


def _post_body(s_ref, t_ref, deg_ref, lw_ref, bp_ref, h_ref):
    sblk = (s_ref[:, :D].astype(jnp.float32)
            + s_ref[:, D:].astype(jnp.float32))
    t32 = t_ref[...]
    d = deg_ref[0, :, :1] + deg_ref[1, :, :1]
    t = jnp.dot(sblk, lw_ref[...], preferred_element_type=jnp.float32)
    t = t + t32[:, :D] - d * t32[:, D:]
    h_ref[...] = jnp.maximum(t + bp_ref[...], 0.0)


def _post(S, t32, deg1, lW, bp):
    return pl.pallas_call(
        _post_body,
        grid=(_GRID,),
        in_specs=[pl.BlockSpec((_RB, NC * D), lambda i: (i, 0)),
                  pl.BlockSpec((_RB, 2 * D), lambda i: (i, 0)),
                  pl.BlockSpec((NC, _RB, DEGW), lambda i: (0, i, 0)),
                  pl.BlockSpec((D, D), lambda i: (0, 0)),
                  pl.BlockSpec((1, D), lambda i: (0, 0))],
        out_specs=pl.BlockSpec((_RB, D), lambda i: (i, 0)),
        out_shape=jax.ShapeDtypeStruct((N, D), jnp.float32),
    )(S, t32, deg1, lW, bp)


def kernel(x, edge_index, c1_W1, c1_b1, c1_W2, c1_W3, c1_b3, l1_W, l1_b,
           c2_W1, c2_b1, c2_W2, c2_W3, c2_b3, l2_W, l2_b,
           c3_W1, c3_b1, c3_W2, c3_W3, c3_b3, l3_W, l3_b):
    eir = edge_index.reshape(2, NCHUNK, CH)

    zr = jnp.zeros((ROWS_BIG, D), jnp.bfloat16)
    zd = jnp.zeros((ROWS_BIG, DEGW), jnp.float32)
    ones = jnp.ones((CH, DEGW), jnp.float32)

    w32p, bps = _fold(jnp.stack([c1_W2, c2_W2, c3_W2]),
                      jnp.stack([c1_W3, c2_W3, c3_W3]),
                      jnp.stack([c1_b3, c2_b3, c3_b3]).reshape(3, 1, D),
                      jnp.stack([l1_W, l2_W, l3_W]),
                      jnp.stack([l1_b, l2_b, l3_b]).reshape(3, 1, D))

    a1 = _pre(x, c1_W1, c1_b1)
    S1, deg1 = _segsum_deg(a1, eir, zr, zd, ones)
    t1 = _midA(x, w32p[0])
    h1, a2 = _mid(S1, t1, deg1, l1_W, bps[0], c2_W1, c2_b1)
    S2 = _segsum(a2, eir, zr, zd, ones)
    t2 = _midA(h1, w32p[1])
    h2, a3 = _mid(S2, t2, deg1, l2_W, bps[1], c3_W1, c3_b1)
    S3 = _segsum(a3, eir, zr, zd, ones)
    t3 = _midA(h2, w32p[2])
    h3 = _post(S3, t3, deg1, l3_W, bps[2])
    return h3

# --- scband reference (transcript-rebuilt; emitter-appended) ---
"""Pipeline reference for scband-encoder-leconv-80015240725026 (READ-ONLY COPY).

The authoritative reference and input builder live on the scoring server;
editing this copy changes nothing except your own understanding.
"""

import jax, jax.numpy as jnp
import numpy as np

N = 10000
E = 320000
D = 128
H = 128

def _p(k, shape, s=0.05):
    return jax.random.normal(k, shape, dtype=jnp.float32) * s

def setup_inputs(seed: int = 0):
    key = jax.random.key(seed)
    ks = jax.random.split(key, 32)
    inp = {}
    inp['x'] = jax.random.normal(ks[0], (N, D), dtype=jnp.float32)
    inp['edge_index'] = jax.random.randint(ks[1], (2, E), 0, N, dtype=jnp.int32)
    i = 2
    for li, din in ((1, D), (2, H), (3, H)):
        inp['c%d_W1' % li] = _p(ks[i], (din, H)); i += 1
        inp['c%d_b1' % li] = _p(ks[i], (H,)); i += 1
        inp['c%d_W2' % li] = _p(ks[i], (din, H)); i += 1
        inp['c%d_W3' % li] = _p(ks[i], (din, H)); i += 1
        inp['c%d_b3' % li] = _p(ks[i], (H,)); i += 1
        inp['l%d_W' % li] = _p(ks[i], (H, H)); i += 1
        inp['l%d_b' % li] = _p(ks[i], (H,)); i += 1
    return inp

def _leconv(x, src, dst, W1, b1, W2, W3, b3):
    # LEConv: out_i = sum_{j in N(i)} (W1 x_j + b1 - W2 x_i) + W3 x_i + b3
    a = x @ W1 + b1
    b = x @ W2
    msg = a[src] - b[dst]
    agg = jax.ops.segment_sum(msg, dst, num_segments=x.shape[0])
    return agg + x @ W3 + b3

def reference(x, edge_index, c1_W1, c1_b1, c1_W2, c1_W3, c1_b3, l1_W, l1_b, c2_W1, c2_b1, c2_W2, c2_W3, c2_b3, l2_W, l2_b, c3_W1, c3_b1, c3_W2, c3_W3, c3_b3, l3_W, l3_b):
    src = edge_index[0]
    dst = edge_index[1]
    h = _leconv(x, src, dst, c1_W1, c1_b1, c1_W2, c1_W3, c1_b3)
    h = jax.nn.relu(h @ l1_W + l1_b)
    h = _leconv(h, src, dst, c2_W1, c2_b1, c2_W2, c2_W3, c2_b3)
    h = jax.nn.relu(h @ l2_W + l2_b)
    h = _leconv(h, src, dst, c3_W1, c3_b1, c3_W2, c3_W3, c3_b3)
    h = jax.nn.relu(h @ l3_W + l3_b)
    return h

if __name__ == "__main__":
    import jax
    _d = setup_inputs()
    print(jax.jit(kernel)(*tuple(_d.values())))

</pallas_src>

<mosaic_0001>
#map = affine_map<(d0, d1) -> (0, 0)>
#map1 = affine_map<(d0, d1) -> (0, 0, 0)>
module attributes {stable_mosaic.version = 14 : i64} {
  func.func @body(%arg0: i32, %arg1: i32, %arg2: memref<10000x128xbf16, #tpu.memory_space<hbm>>, %arg3: memref<2x2560x125xi32, #tpu.memory_space<hbm>>, %arg4: memref<640x128xbf16, #tpu.memory_space<hbm>>, %arg5: memref<640x8xf32, #tpu.memory_space<hbm>>, %arg6: memref<125x8xf32, #tpu.memory_space<hbm>>, %arg7: memref<10000x256xbf16, #tpu.memory_space<hbm>>, %arg8: memref<80x125xi32, #tpu.memory_space<vmem>>, %arg9: memref<80x125xi32, #tpu.memory_space<vmem>>, %arg10: memref<125x128xbf16, #tpu.memory_space<vmem>>, %arg11: memref<125x128xbf16, #tpu.memory_space<vmem>>, %arg12: memref<125x128xbf16, #tpu.memory_space<vmem>>, %arg13: memref<125x128xbf16, #tpu.memory_space<vmem>>, %arg14: memref<!tpu.dma_semaphore, #tpu.memory_space<semaphore_mem>>, %arg15: memref<!tpu.dma_semaphore, #tpu.memory_space<semaphore_mem>>, %arg16: memref<!tpu.dma_semaphore, #tpu.memory_space<semaphore_mem>>, %arg17: memref<!tpu.dma_semaphore, #tpu.memory_space<semaphore_mem>>, %arg18: memref<!tpu.dma_semaphore, #tpu.memory_space<semaphore_mem>>, %arg19: memref<!tpu.dma_semaphore, #tpu.memory_space<semaphore_mem>>, %arg20: memref<!tpu.dma_semaphore, #tpu.memory_space<semaphore_mem>>, %arg21: memref<!tpu.dma_semaphore, #tpu.memory_space<semaphore_mem>>, %arg22: memref<125x8xf32, #tpu.memory_space<vmem>>, %arg23: memref<10000x128xbf16, #tpu.memory_space<vmem_shared>>, %arg24: memref<10000x8xf32, #tpu.memory_space<vmem_shared>>) attributes {dimension_semantics = [#tpu.dimension_semantics<core_parallel>, #tpu.dimension_semantics<subcore_parallel>], iteration_bounds = array<i64: 2, 16>, scalar_prefetch = 0 : i64, scratch_operands = 17 : i64, tpu.core_type = #tpu.core_type<sc_vector_subcore>, window_params = [{transform_indices = #map}, {transform_indices = #map1}, {transform_indices = #map}, {transform_indices = #map}, {transform_indices = #map}, {transform_indices = #map}]} {
    %lt3A = arith.constant 15 : i32
    %lt3A_0 = arith.cmpi slt, %arg1, %lt3A : i32
    %convert_element_type3A = arith.extui %lt3A_0 : i1 to i32
    %cond3A = arith.constant 0 : i32
    %cond3A_1 = arith.cmpi ne, %convert_element_type3A, %cond3A : i32
    scf.if %cond3A_1 {
      %mul3A_82 = arith.constant 640 : i32
      %mul3A_83 = arith.muli %arg1, %mul3A_82 : i32
      "tpu.region"() ({
        %run_scoped3A_84 = tpu.sem_alloc : memref<!tpu.dma_semaphore, #tpu.memory_space<semaphore_mem>>
        %dma_start3A_85 = arith.constant 0 : i32
        %dma_start3A_86 = tpu.memref_slice %arg23[%mul3A_83, %dma_start3A_85] : memref<10000x128xbf16, #tpu.memory_space<vmem_shared>> -> memref<640x128xbf16, #tpu.memory_space<vmem_shared>>
        tpu.enqueue_dma source(%arg4 : memref<640x128xbf16, #tpu.memory_space<hbm>>) target(%dma_start3A_86 : memref<640x128xbf16, #tpu.memory_space<vmem_shared>>) target_semaphore(%run_scoped3A_84 : memref<!tpu.dma_semaphore, #tpu.memory_space<semaphore_mem>>)
        %dma_wait3A_87 = arith.constant 0 : i32
        %dma_wait3A_88 = tpu.memref_slice %arg23[%mul3A_83, %dma_wait3A_87] : memref<10000x128xbf16, #tpu.memory_space<vmem_shared>> -> memref<640x128xbf16, #tpu.memory_space<vmem_shared>>
        tpu.wait_dma2 semaphore(%run_scoped3A_84 : memref<!tpu.dma_semaphore, #tpu.memory_space<semaphore_mem>>) src(%arg4 : memref<640x128xbf16, #tpu.memory_space<hbm>>) dst(%dma_wait3A_88 : memref<640x128xbf16, #tpu.memory_space<vmem_shared>>)
        tpu.yield
      }) : () -> ()
    } else {
    }
    %eq3A = arith.constant 15 : i32
    %eq3A_2 = arith.cmpi eq, %arg1, %eq3A : i32
    %convert_element_type3A_3 = arith.extui %eq3A_2 : i1 to i32
    %cond3A_4 = arith.constant 0 : i32
    %cond3A_5 = arith.cmpi ne, %convert_element_type3A_3, %cond3A_4 : i32
    scf.if %cond3A_5 {
      "tpu.region"() ({
        %run_scoped3A_82 = tpu.sem_alloc : memref<!tpu.dma_semaphore, #tpu.memory_space<semaphore_mem>>
        %dma_start3A_83 = arith.constant 9600 : i32
        %dma_start3A_84 = arith.constant 0 : i32
        %dma_start3A_85 = tpu.memref_slice %arg23[%dma_start3A_83, %dma_start3A_84] : memref<10000x128xbf16, #tpu.memory_space<vmem_shared>> -> memref<400x128xbf16, #tpu.memory_space<vmem_shared>>
        %dma_start3A_86 = arith.constant 0 : i32
        %dma_start3A_87 = arith.constant 0 : i32
        %dma_start3A_88 = tpu.memref_slice %arg4[%dma_start3A_86, %dma_start3A_87] : memref<640x128xbf16, #tpu.memory_space<hbm>> -> memref<400x128xbf16, #tpu.memory_space<hbm>>
        tpu.enqueue_dma source(%dma_start3A_88 : memref<400x128xbf16, #tpu.memory_space<hbm>>) target(%dma_start3A_85 : memref<400x128xbf16, #tpu.memory_space<vmem_shared>>) target_semaphore(%run_scoped3A_82 : memref<!tpu.dma_semaphore, #tpu.memory_space<semaphore_mem>>)
        %dma_wait3A_89 = arith.constant 9600 : i32
        %dma_wait3A_90 = arith.constant 0 : i32
        %dma_wait3A_91 = tpu.memref_slice %arg23[%dma_wait3A_89, %dma_wait3A_90] : memref<10000x128xbf16, #tpu.memory_space<vmem_shared>> -> memref<400x128xbf16, #tpu.memory_space<vmem_shared>>
        %dma_wait3A_92 = arith.constant 0 : i32
        %dma_wait3A_93 = arith.constant 0 : i32
        %dma_wait3A_94 = tpu.memref_slice %arg4[%dma_wait3A_92, %dma_wait3A_93] : memref<640x128xbf16, #tpu.memory_space<hbm>> -> memref<400x128xbf16, #tpu.memory_space<hbm>>
        tpu.wait_dma2 semaphore(%run_scoped3A_82 : memref<!tpu.dma_semaphore, #tpu.memory_space<semaphore_mem>>) src(%dma_wait3A_94 : memref<400x128xbf16, #tpu.memory_space<hbm>>) dst(%dma_wait3A_91 : memref<400x128xbf16, #tpu.memory_space<vmem_shared>>)
        tpu.yield
      }) : () -> ()
    } else {
    }
    %mul3A = arith.constant 16 : i32
    %mul3A_6 = arith.muli %arg0, %mul3A : i32
    %add3A = arith.addi %mul3A_6, %arg1 : i32
    %mul3A_7 = arith.constant 80 : i32
    %mul3A_8 = arith.muli %add3A, %mul3A_7 : i32
    %run_scoped3A = arith.constant 0 : i32
    "tpu.region"() ({
      %run_scoped3A_82 = tpu.sem_alloc : memref<!tpu.dma_semaphore, #tpu.memory_space<semaphore_mem>>
      %dma_start3A_83 = arith.constant 0 : i32
      %dma_start3A_84 = arith.constant 0 : i32
      %dma_start3A_85 = tpu.memref_slice %arg3[%run_scoped3A, %dma_start3A_83, %dma_start3A_84] : memref<2x2560x125xi32, #tpu.memory_space<hbm>> -> memref<1x2560x125xi32, #tpu.memory_space<hbm>>
      %dma_start3A_86 = tpu.memref_squeeze %dma_start3A_85 : memref<1x2560x125xi32, #tpu.memory_space<hbm>> -> memref<2560x125xi32, #tpu.memory_space<hbm>>
      %dma_start3A_87 = arith.constant 0 : i32
      %dma_start3A_88 = tpu.memref_slice %dma_start3A_86[%mul3A_8, %dma_start3A_87] : memref<2560x125xi32, #tpu.memory_space<hbm>> -> memref<80x125xi32, #tpu.memory_space<hbm>>
      %dma_start3A_89 = arith.constant 0 : i32
      %dma_start3A_90 = arith.constant 0 : i32
      %dma_start3A_91 = tpu.memref_slice %arg3[%run_scoped3A, %dma_start3A_89, %dma_start3A_90] : memref<2x2560x125xi32, #tpu.memory_space<hbm>> -> memref<1x2560x125xi32, #tpu.memory_space<hbm>>
      %dma_start3A_92 = tpu.memref_squeeze %dma_start3A_91 : memref<1x2560x125xi32, #tpu.memory_space<hbm>> -> memref<2560x125xi32, #tpu.memory_space<hbm>>
      %dma_start3A_93 = arith.constant 0 : i32
      %dma_start3A_94 = tpu.memref_slice %dma_start3A_92[%mul3A_8, %dma_start3A_93] : memref<2560x125xi32, #tpu.memory_space<hbm>> -> memref<80x125xi32, #tpu.memory_space<hbm>>
      tpu.enqueue_dma source(%dma_start3A_94 : memref<80x125xi32, #tpu.memory_space<hbm>>) target(%arg8 : memref<80x125xi32, #tpu.memory_space<vmem>>) target_semaphore(%run_scoped3A_82 : memref<!tpu.dma_semaphore, #tpu.memory_space<semaphore_mem>>)
      %dma_wait3A_95 = arith.constant 0 : i32
      %dma_wait3A_96 = arith.constant 0 : i32
      %dma_wait3A_97 = tpu.memref_slice %arg3[%run_scoped3A, %dma_wait3A_95, %dma_wait3A_96] : memref<2x2560x125xi32, #tpu.memory_space<hbm>> -> memref<1x2560x125xi32, #tpu.memory_space<hbm>>
      %dma_wait3A_98 = tpu.memref_squeeze %dma_wait3A_97 : memref<1x2560x125xi32, #tpu.memory_space<hbm>> -> memref<2560x125xi32, #tpu.memory_space<hbm>>
      %dma_wait3A_99 = arith.constant 0 : i32
      %dma_wait3A_100 = tpu.memref_slice %dma_wait3A_98[%mul3A_8, %dma_wait3A_99] : memref<2560x125xi32, #tpu.memory_space<hbm>> -> memref<80x125xi32, #tpu.memory_space<hbm>>
      %dma_wait3A_101 = arith.constant 0 : i32
      %dma_wait3A_102 = arith.constant 0 : i32
      %dma_wait3A_103 = tpu.memref_slice %arg3[%run_scoped3A, %dma_wait3A_101, %dma_wait3A_102] : memref<2x2560x125xi32, #tpu.memory_space<hbm>> -> memref<1x2560x125xi32, #tpu.memory_space<hbm>>
      %dma_wait3A_104 = tpu.memref_squeeze %dma_wait3A_103 : memref<1x2560x125xi32, #tpu.memory_space<hbm>> -> memref<2560x125xi32, #tpu.memory_space<hbm>>
      %dma_wait3A_105 = arith.constant 0 : i32
      %dma_wait3A_106 = tpu.memref_slice %dma_wait3A_104[%mul3A_8, %dma_wait3A_105] : memref<2560x125xi32, #tpu.memory_space<hbm>> -> memref<80x125xi32, #tpu.memory_space<hbm>>
      tpu.wait_dma2 semaphore(%run_scoped3A_82 : memref<!tpu.dma_semaphore, #tpu.memory_space<semaphore_mem>>) src(%dma_wait3A_106 : memref<80x125xi32, #tpu.memory_space<hbm>>) dst(%arg8 : memref<80x125xi32, #tpu.memory_space<vmem>>)
      tpu.yield
    }) : () -> ()
    %mul3A_9 = arith.constant 80 : i32
    %mul3A_10 = arith.muli %add3A, %mul3A_9 : i32
    %run_scoped3A_11 = arith.constant 1 : i32
    "tpu.region"() ({
      %run_scoped3A_82 = tpu.sem_alloc : memref<!tpu.dma_semaphore, #tpu.memory_space<semaphore_mem>>
      %dma_start3A_83 = arith.constant 0 : i32
      %dma_start3A_84 = arith.constant 0 : i32
      %dma_start3A_85 = tpu.memref_slice %arg3[%run_scoped3A_11, %dma_start3A_83, %dma_start3A_84] : memref<2x2560x125xi32, #tpu.memory_space<hbm>> -> memref<1x2560x125xi32, #tpu.memory_space<hbm>>
      %dma_start3A_86 = tpu.memref_squeeze %dma_start3A_85 : memref<1x2560x125xi32, #tpu.memory_space<hbm>> -> memref<2560x125xi32, #tpu.memory_space<hbm>>
      %dma_start3A_87 = arith.constant 0 : i32
      %dma_start3A_88 = tpu.memref_slice %dma_start3A_86[%mul3A_10, %dma_start3A_87] : memref<2560x125xi32, #tpu.memory_space<hbm>> -> memref<80x125xi32, #tpu.memory_space<hbm>>
      %dma_start3A_89 = arith.constant 0 : i32
      %dma_start3A_90 = arith.constant 0 : i32
      %dma_start3A_91 = tpu.memref_slice %arg3[%run_scoped3A_11, %dma_start3A_89, %dma_start3A_90] : memref<2x2560x125xi32, #tpu.memory_space<hbm>> -> memref<1x2560x125xi32, #tpu.memory_space<hbm>>
      %dma_start3A_92 = tpu.memref_squeeze %dma_start3A_91 : memref<1x2560x125xi32, #tpu.memory_space<hbm>> -> memref<2560x125xi32, #tpu.memory_space<hbm>>
      %dma_start3A_93 = arith.constant 0 : i32
      %dma_start3A_94 = tpu.memref_slice %dma_start3A_92[%mul3A_10, %dma_start3A_93] : memref<2560x125xi32, #tpu.memory_space<hbm>> -> memref<80x125xi32, #tpu.memory_space<hbm>>
      tpu.enqueue_dma source(%dma_start3A_94 : memref<80x125xi32, #tpu.memory_space<hbm>>) target(%arg9 : memref<80x125xi32, #tpu.memory_space<vmem>>) target_semaphore(%run_scoped3A_82 : memref<!tpu.dma_semaphore, #tpu.memory_space<semaphore_mem>>)
      %dma_wait3A_95 = arith.constant 0 : i32
      %dma_wait3A_96 = arith.constant 0 : i32
      %dma_wait3A_97 = tpu.memref_slice %arg3[%run_scoped3A_11, %dma_wait3A_95, %dma_wait3A_96] : memref<2x2560x125xi32, #tpu.memory_space<hbm>> -> memref<1x2560x125xi32, #tpu.memory_space<hbm>>
      %dma_wait3A_98 = tpu.memref_squeeze %dma_wait3A_97 : memref<1x2560x125xi32, #tpu.memory_space<hbm>> -> memref<2560x125xi32, #tpu.memory_space<hbm>>
      %dma_wait3A_99 = arith.constant 0 : i32
      %dma_wait3A_100 = tpu.memref_slice %dma_wait3A_98[%mul3A_10, %dma_wait3A_99] : memref<2560x125xi32, #tpu.memory_space<hbm>> -> memref<80x125xi32, #tpu.memory_space<hbm>>
      %dma_wait3A_101 = arith.constant 0 : i32
      %dma_wait3A_102 = arith.constant 0 : i32
      %dma_wait3A_103 = tpu.memref_slice %arg3[%run_scoped3A_11, %dma_wait3A_101, %dma_wait3A_102] : memref<2x2560x125xi32, #tpu.memory_space<hbm>> -> memref<1x2560x125xi32, #tpu.memory_space<hbm>>
      %dma_wait3A_104 = tpu.memref_squeeze %dma_wait3A_103 : memref<1x2560x125xi32, #tpu.memory_space<hbm>> -> memref<2560x125xi32, #tpu.memory_space<hbm>>
      %dma_wait3A_105 = arith.constant 0 : i32
      %dma_wait3A_106 = tpu.memref_slice %dma_wait3A_104[%mul3A_10, %dma_wait3A_105] : memref<2560x125xi32, #tpu.memory_space<hbm>> -> memref<80x125xi32, #tpu.memory_space<hbm>>
      tpu.wait_dma2 semaphore(%run_scoped3A_82 : memref<!tpu.dma_semaphore, #tpu.memory_space<semaphore_mem>>) src(%dma_wait3A_106 : memref<80x125xi32, #tpu.memory_space<hbm>>) dst(%arg9 : memref<80x125xi32, #tpu.memory_space<vmem>>)
      tpu.yield
    }) : () -> ()
    %barrier3A = arith.constant 0 : index
    tpu.barrier barrier_id(%barrier3A)
    %scan3A = arith.constant 0 : i32
    %scan3A_12 = arith.constant 0 : i32
    %scan3A_13 = arith.constant 20 : i32
    %scan3A_14 = arith.addi %scan3A_12, %scan3A_13 : i32
    %scan3A_15 = arith.constant 1 : i32
    scf.for %scan3A_82 = %scan3A_12 to %scan3A_14 step %scan3A_15  : i32 {
      %mul3A_83 = arith.constant 4 : i32
      %mul3A_84 = arith.muli %scan3A_82, %mul3A_83 : i32
      %add3A_85 = arith.constant 0 : i32
      %add3A_86 = arith.addi %mul3A_84, %add3A_85 : i32
      %gt3A = arith.constant 0 : i32
      %gt3A_87 = arith.cmpi sgt, %scan3A_82, %gt3A : i32
      %convert_element_type3A_88 = arith.extui %gt3A_87 : i1 to i32
      %cond3A_89 = arith.constant 0 : i32
      %cond3A_90 = arith.cmpi ne, %convert_element_type3A_88, %cond3A_89 : i32
      scf.if %cond3A_90 {
        %sub3A_183 = arith.constant 4 : i32
        %sub3A_184 = arith.subi %add3A_86, %sub3A_183 : i32
        %dma_wait3A_185 = arith.constant 0 : i32
        %dma_wait3A_186 = tpu.memref_slice %arg9[%sub3A_184, %dma_wait3A_185] : memref<80x125xi32, #tpu.memory_space<vmem>> -> memref<1x125xi32, #tpu.memory_space<vmem>>
        %dma_wait3A_187 = tpu.memref_squeeze %dma_wait3A_186 : memref<1x125xi32, #tpu.memory_space<vmem>> -> memref<125xi32, #tpu.memory_space<vmem>>
        %dma_wait3A_188 = arith.constant 0 : i32
        %dma_wait3A_189 = arith.constant 0 : i32
        %dma_wait3A_190 = tpu.memref_slice %arg23[%dma_wait3A_188, %dma_wait3A_189] : memref<10000x128xbf16, #tpu.memory_space<vmem_shared>> -> memref<10000x128xbf16, #tpu.memory_space<vmem_shared>>
        tpu.wait_indirect_dma semaphore(%arg18 : memref<!tpu.dma_semaphore, #tpu.memory_space<semaphore_mem>>) src(%arg10 : memref<125x128xbf16, #tpu.memory_space<vmem>>) dst(%dma_wait3A_190 : memref<10000x128xbf16, #tpu.memory_space<vmem_shared>>)
      } else {
      }
      %dma_start3A_91 = arith.constant 0 : i32
      %dma_start3A_92 = tpu.memref_slice %arg8[%add3A_86, %dma_start3A_91] : memref<80x125xi32, #tpu.memory_space<vmem>> -> memref<1x125xi32, #tpu.memory_space<vmem>>
      %dma_start3A_93 = tpu.memref_squeeze %dma_start3A_92 : memref<1x125xi32, #tpu.memory_space<vmem>> -> memref<125xi32, #tpu.memory_space<vmem>>
      %dma_start3A_94 = arith.constant 0 : i32
      %dma_start3A_95 = arith.constant 0 : i32
      %dma_start3A_96 = tpu.memref_slice %arg2[%dma_start3A_94, %dma_start3A_95] : memref<10000x128xbf16, #tpu.memory_space<hbm>> -> memref<10000x128xbf16, #tpu.memory_space<hbm>>
      tpu.enqueue_indirect_dma source(%dma_start3A_96 : memref<10000x128xbf16, #tpu.memory_space<hbm>>) target(%arg10 : memref<125x128xbf16, #tpu.memory_space<vmem>>) offsets(%dma_start3A_93 : memref<125xi32, #tpu.memory_space<vmem>>) semaphore(%arg14 : memref<!tpu.dma_semaphore, #tpu.memory_space<semaphore_mem>>)
      %gt3A_97 = arith.constant 0 : i32
      %gt3A_98 = arith.cmpi sgt, %scan3A_82, %gt3A_97 : i32
      %convert_element_type3A_99 = arith.extui %gt3A_98 : i1 to i32
      %cond3A_100 = arith.constant 0 : i32
      %cond3A_101 = arith.cmpi ne, %convert_element_type3A_99, %cond3A_100 : i32
      scf.if %cond3A_101 {
        %sub3A_183 = arith.constant 2 : i32
        %sub3A_184 = arith.subi %add3A_86, %sub3A_183 : i32
        %dma_wait3A_185 = arith.constant 0 : i32
        %dma_wait3A_186 = tpu.memref_slice %arg8[%sub3A_184, %dma_wait3A_185] : memref<80x125xi32, #tpu.memory_space<vmem>> -> memref<1x125xi32, #tpu.memory_space<vmem>>
        %dma_wait3A_187 = tpu.memref_squeeze %dma_wait3A_186 : memref<1x125xi32, #tpu.memory_space<vmem>> -> memref<125xi32, #tpu.memory_space<vmem>>
        %dma_wait3A_188 = arith.constant 0 : i32
        %dma_wait3A_189 = arith.constant 0 : i32
        %dma_wait3A_190 = tpu.memref_slice %arg2[%dma_wait3A_188, %dma_wait3A_189] : memref<10000x128xbf16, #tpu.memory_space<hbm>> -> memref<10000x128xbf16, #tpu.memory_space<hbm>>
        tpu.wait_indirect_dma semaphore(%arg16 : memref<!tpu.dma_semaphore, #tpu.memory_space<semaphore_mem>>) src(%dma_wait3A_190 : memref<10000x128xbf16, #tpu.memory_space<hbm>>) dst(%arg12 : memref<125x128xbf16, #tpu.memory_space<vmem>>)
        %sub3A_191 = arith.constant 2 : i32
        %sub3A_192 = arith.subi %add3A_86, %sub3A_191 : i32
        %dma_start3A_193 = arith.constant 0 : i32
        %dma_start3A_194 = tpu.memref_slice %arg9[%sub3A_192, %dma_start3A_193] : memref<80x125xi32, #tpu.memory_space<vmem>> -> memref<1x125xi32, #tpu.memory_space<vmem>>
        %dma_start3A_195 = tpu.memref_squeeze %dma_start3A_194 : memref<1x125xi32, #tpu.memory_space<vmem>> -> memref<125xi32, #tpu.memory_space<vmem>>
        %dma_start3A_196 = arith.constant 0 : i32
        %dma_start3A_197 = arith.constant 0 : i32
        %dma_start3A_198 = tpu.memref_slice %arg23[%dma_start3A_196, %dma_start3A_197] : memref<10000x128xbf16, #tpu.memory_space<vmem_shared>> -> memref<10000x128xbf16, #tpu.memory_space<vmem_shared>>
        tpu.enqueue_indirect_dma source(%arg12 : memref<125x128xbf16, #tpu.memory_space<vmem>>) target(%dma_start3A_198 : memref<10000x128xbf16, #tpu.memory_space<vmem_shared>>) offsets(%dma_start3A_195 : memref<125xi32, #tpu.memory_space<vmem>>) semaphore(%arg20 : memref<!tpu.dma_semaphore, #tpu.memory_space<semaphore_mem>>) {add = true}
      } else {
      }
      %mul3A_102 = arith.constant 4 : i32
      %mul3A_103 = arith.muli %scan3A_82, %mul3A_102 : i32
      %add3A_104 = arith.constant 1 : i32
      %add3A_105 = arith.addi %mul3A_103, %add3A_104 : i32
      %gt3A_106 = arith.constant 0 : i32
      %gt3A_107 = arith.cmpi sgt, %scan3A_82, %gt3A_106 : i32
      %convert_element_type3A_108 = arith.extui %gt3A_107 : i1 to i32
      %cond3A_109 = arith.constant 0 : i32
      %cond3A_110 = arith.cmpi ne, %convert_element_type3A_108, %cond3A_109 : i32
      scf.if %cond3A_110 {
        %sub3A_183 = arith.constant 4 : i32
        %sub3A_184 = arith.subi %add3A_105, %sub3A_183 : i32
        %dma_wait3A_185 = arith.constant 0 : i32
        %dma_wait3A_186 = tpu.memref_slice %arg9[%sub3A_184, %dma_wait3A_185] : memref<80x125xi32, #tpu.memory_space<vmem>> -> memref<1x125xi32, #tpu.memory_space<vmem>>
        %dma_wait3A_187 = tpu.memref_squeeze %dma_wait3A_186 : memref<1x125xi32, #tpu.memory_space<vmem>> -> memref<125xi32, #tpu.memory_space<vmem>>
        %dma_wait3A_188 = arith.constant 0 : i32
        %dma_wait3A_189 = arith.constant 0 : i32
        %dma_wait3A_190 = tpu.memref_slice %arg23[%dma_wait3A_188, %dma_wait3A_189] : memref<10000x128xbf16, #tpu.memory_space<vmem_shared>> -> memref<10000x128xbf16, #tpu.memory_space<vmem_shared>>
        tpu.wait_indirect_dma semaphore(%arg19 : memref<!tpu.dma_semaphore, #tpu.memory_space<semaphore_mem>>) src(%arg11 : memref<125x128xbf16, #tpu.memory_space<vmem>>) dst(%dma_wait3A_190 : memref<10000x128xbf16, #tpu.memory_space<vmem_shared>>)
      } else {
      }
      %dma_start3A_111 = arith.constant 0 : i32
      %dma_start3A_112 = tpu.memref_slice %arg8[%add3A_105, %dma_start3A_111] : memref<80x125xi32, #tpu.memory_space<vmem>> -> memref<1x125xi32, #tpu.memory_space<vmem>>
      %dma_start3A_113 = tpu.memref_squeeze %dma_start3A_112 : memref<1x125xi32, #tpu.memory_space<vmem>> -> memref<125xi32, #tpu.memory_space<vmem>>
      %dma_start3A_114 = arith.constant 0 : i32
      %dma_start3A_115 = arith.constant 0 : i32
      %dma_start3A_116 = tpu.memref_slice %arg2[%dma_start3A_114, %dma_start3A_115] : memref<10000x128xbf16, #tpu.memory_space<hbm>> -> memref<10000x128xbf16, #tpu.memory_space<hbm>>
      tpu.enqueue_indirect_dma source(%dma_start3A_116 : memref<10000x128xbf16, #tpu.memory_space<hbm>>) target(%arg11 : memref<125x128xbf16, #tpu.memory_space<vmem>>) offsets(%dma_start3A_113 : memref<125xi32, #tpu.memory_space<vmem>>) semaphore(%arg15 : memref<!tpu.dma_semaphore, #tpu.memory_space<semaphore_mem>>)
      %gt3A_117 = arith.constant 0 : i32
      %gt3A_118 = arith.cmpi sgt, %scan3A_82, %gt3A_117 : i32
      %convert_element_type3A_119 = arith.extui %gt3A_118 : i1 to i32
      %cond3A_120 = arith.constant 0 : i32
      %cond3A_121 = arith.cmpi ne, %convert_element_type3A_119, %cond3A_120 : i32
      scf.if %cond3A_121 {
        %sub3A_183 = arith.constant 2 : i32
        %sub3A_184 = arith.subi %add3A_105, %sub3A_183 : i32
        %dma_wait3A_185 = arith.constant 0 : i32
        %dma_wait3A_186 = tpu.memref_slice %arg8[%sub3A_184, %dma_wait3A_185] : memref<80x125xi32, #tpu.memory_space<vmem>> -> memref<1x125xi32, #tpu.memory_space<vmem>>
        %dma_wait3A_187 = tpu.memref_squeeze %dma_wait3A_186 : memref<1x125xi32, #tpu.memory_space<vmem>> -> memref<125xi32, #tpu.memory_space<vmem>>
        %dma_wait3A_188 = arith.constant 0 : i32
        %dma_wait3A_189 = arith.constant 0 : i32
        %dma_wait3A_190 = tpu.memref_slice %arg2[%dma_wait3A_188, %dma_wait3A_189] : memref<10000x128xbf16, #tpu.memory_space<hbm>> -> memref<10000x128xbf16, #tpu.memory_space<hbm>>
        tpu.wait_indirect_dma semaphore(%arg17 : memref<!tpu.dma_semaphore, #tpu.memory_space<semaphore_mem>>) src(%dma_wait3A_190 : memref<10000x128xbf16, #tpu.memory_space<hbm>>) dst(%arg13 : memref<125x128xbf16, #tpu.memory_space<vmem>>)
        %sub3A_191 = arith.constant 2 : i32
        %sub3A_192 = arith.subi %add3A_105, %sub3A_191 : i32
        %dma_start3A_193 = arith.constant 0 : i32
        %dma_start3A_194 = tpu.memref_slice %arg9[%sub3A_192, %dma_start3A_193] : memref<80x125xi32, #tpu.memory_space<vmem>> -> memref<1x125xi32, #tpu.memory_space<vmem>>
        %dma_start3A_195 = tpu.memref_squeeze %dma_start3A_194 : memref<1x125xi32, #tpu.memory_space<vmem>> -> memref<125xi32, #tpu.memory_space<vmem>>
        %dma_start3A_196 = arith.constant 0 : i32
        %dma_start3A_197 = arith.constant 0 : i32
        %dma_start3A_198 = tpu.memref_slice %arg23[%dma_start3A_196, %dma_start3A_197] : memref<10000x128xbf16, #tpu.memory_space<vmem_shared>> -> memref<10000x128xbf16, #tpu.memory_space<vmem_shared>>
        tpu.enqueue_indirect_dma source(%arg13 : memref<125x128xbf16, #tpu.memory_space<vmem>>) target(%dma_start3A_198 : memref<10000x128xbf16, #tpu.memory_space<vmem_shared>>) offsets(%dma_start3A_195 : memref<125xi32, #tpu.memory_space<vmem>>) semaphore(%arg21 : memref<!tpu.dma_semaphore, #tpu.memory_space<semaphore_mem>>) {add = true}
      } else {
      }
      %mul3A_122 = arith.constant 4 : i32
      %mul3A_123 = arith.muli %scan3A_82, %mul3A_122 : i32
      %add3A_124 = arith.constant 2 : i32
      %add3A_125 = arith.addi %mul3A_123, %add3A_124 : i32
      %gt3A_126 = arith.constant 0 : i32
      %gt3A_127 = arith.cmpi sgt, %scan3A_82, %gt3A_126 : i32
      %convert_element_type3A_128 = arith.extui %gt3A_127 : i1 to i32
      %cond3A_129 = arith.constant 0 : i32
      %cond3A_130 = arith.cmpi ne, %convert_element_type3A_128, %cond3A_129 : i32
      scf.if %cond3A_130 {
        %sub3A_183 = arith.constant 4 : i32
        %sub3A_184 = arith.subi %add3A_125, %sub3A_183 : i32
        %dma_wait3A_185 = arith.constant 0 : i32
        %dma_wait3A_186 = tpu.memref_slice %arg9[%sub3A_184, %dma_wait3A_185] : memref<80x125xi32, #tpu.memory_space<vmem>> -> memref<1x125xi32, #tpu.memory_space<vmem>>
        %dma_wait3A_187 = tpu.memref_squeeze %dma_wait3A_186 : memref<1x125xi32, #tpu.memory_space<vmem>> -> memref<125xi32, #tpu.memory_space<vmem>>
        %dma_wait3A_188 = arith.constant 0 : i32
        %dma_wait3A_189 = arith.constant 0 : i32
        %dma_wait3A_190 = tpu.memref_slice %arg23[%dma_wait3A_188, %dma_wait3A_189] : memref<10000x128xbf16, #tpu.memory_space<vmem_shared>> -> memref<10000x128xbf16, #tpu.memory_space<vmem_shared>>
        tpu.wait_indirect_dma semaphore(%arg20 : memref<!tpu.dma_semaphore, #tpu.memory_space<semaphore_mem>>) src(%arg12 : memref<125x128xbf16, #tpu.memory_space<vmem>>) dst(%dma_wait3A_190 : memref<10000x128xbf16, #tpu.memory_space<vmem_shared>>)
      } else {
      }
      %dma_start3A_131 = arith.constant 0 : i32
      %dma_start3A_132 = tpu.memref_slice %arg8[%add3A_125, %dma_start3A_131] : memref<80x125xi32, #tpu.memory_space<vmem>> -> memref<1x125xi32, #tpu.memory_space<vmem>>
      %dma_start3A_133 = tpu.memref_squeeze %dma_start3A_132 : memref<1x125xi32, #tpu.memory_space<vmem>> -> memref<125xi32, #tpu.memory_space<vmem>>
      %dma_start3A_134 = arith.constant 0 : i32
      %dma_start3A_135 = arith.constant 0 : i32
      %dma_start3A_136 = tpu.memref_slice %arg2[%dma_start3A_134, %dma_start3A_135] : memref<10000x128xbf16, #tpu.memory_space<hbm>> -> memref<10000x128xbf16, #tpu.memory_space<hbm>>
      tpu.enqueue_indirect_dma source(%dma_start3A_136 : memref<10000x128xbf16, #tpu.memory_space<hbm>>) target(%arg12 : memref<125x128xbf16, #tpu.memory_space<vmem>>) offsets(%dma_start3A_133 : memref<125xi32, #tpu.memory_space<vmem>>) semaphore(%arg16 : memref<!tpu.dma_semaphore, #tpu.memory_space<semaphore_mem>>)
      %sub3A = arith.constant 2 : i32
      %sub3A_137 = arith.subi %add3A_125, %sub3A : i32
      %dma_wait3A_138 = arith.constant 0 : i32
      %dma_wait3A_139 = tpu.memref_slice %arg8[%sub3A_137, %dma_wait3A_138] : memref<80x125xi32, #tpu.memory_space<vmem>> -> memref<1x125xi32, #tpu.memory_space<vmem>>
      %dma_wait3A_140 = tpu.memref_squeeze %dma_wait3A_139 : memref<1x125xi32, #tpu.memory_space<vmem>> -> memref<125xi32, #tpu.memory_space<vmem>>
      %dma_wait3A_141 = arith.constant 0 : i32
      %dma_wait3A_142 = arith.constant 0 : i32
      %dma_wait3A_143 = tpu.memref_slice %arg2[%dma_wait3A_141, %dma_wait3A_142] : memref<10000x128xbf16, #tpu.memory_space<hbm>> -> memref<10000x128xbf16, #tpu.memory_space<hbm>>
      tpu.wait_indirect_dma semaphore(%arg14 : memref<!tpu.dma_semaphore, #tpu.memory_space<semaphore_mem>>) src(%dma_wait3A_143 : memref<10000x128xbf16, #tpu.memory_space<hbm>>) dst(%arg10 : memref<125x128xbf16, #tpu.memory_space<vmem>>)
      %sub3A_144 = arith.constant 2 : i32
      %sub3A_145 = arith.subi %add3A_125, %sub3A_144 : i32
      %dma_start3A_146 = arith.constant 0 : i32
      %dma_start3A_147 = tpu.memref_slice %arg9[%sub3A_145, %dma_start3A_146] : memref<80x125xi32, #tpu.memory_space<vmem>> -> memref<1x125xi32, #tpu.memory_space<vmem>>
      %dma_start3A_148 = tpu.memref_squeeze %dma_start3A_147 : memref<1x125xi32, #tpu.memory_space<vmem>> -> memref<125xi32, #tpu.memory_space<vmem>>
      %dma_start3A_149 = arith.constant 0 : i32
      %dma_start3A_150 = arith.constant 0 : i32
      %dma_start3A_151 = tpu.memref_slice %arg23[%dma_start3A_149, %dma_start3A_150] : memref<10000x128xbf16, #tpu.memory_space<vmem_shared>> -> memref<10000x128xbf16, #tpu.memory_space<vmem_shared>>
      tpu.enqueue_indirect_dma source(%arg10 : memref<125x128xbf16, #tpu.memory_space<vmem>>) target(%dma_start3A_151 : memref<10000x128xbf16, #tpu.memory_space<vmem_shared>>) offsets(%dma_start3A_148 : memref<125xi32, #tpu.memory_space<vmem>>) semaphore(%arg18 : memref<!tpu.dma_semaphore, #tpu.memory_space<semaphore_mem>>) {add = true}
      %mul3A_152 = arith.constant 4 : i32
      %mul3A_153 = arith.muli %scan3A_82, %mul3A_152 : i32
      %add3A_154 = arith.constant 3 : i32
      %add3A_155 = arith.addi %mul3A_153, %add3A_154 : i32
      %gt3A_156 = arith.constant 0 : i32
      %gt3A_157 = arith.cmpi sgt, %scan3A_82, %gt3A_156 : i32
      %convert_element_type3A_158 = arith.extui %gt3A_157 : i1 to i32
      %cond3A_159 = arith.constant 0 : i32
      %cond3A_160 = arith.cmpi ne, %convert_element_type3A_158, %cond3A_159 : i32
      scf.if %cond3A_160 {
        %sub3A_183 = arith.constant 4 : i32
        %sub3A_184 = arith.subi %add3A_155, %sub3A_183 : i32
        %dma_wait3A_185 = arith.constant 0 : i32
        %dma_wait3A_186 = tpu.memref_slice %arg9[%sub3A_184, %dma_wait3A_185] : memref<80x125xi32, #tpu.memory_space<vmem>> -> memref<1x125xi32, #tpu.memory_space<vmem>>
        %dma_wait3A_187 = tpu.memref_squeeze %dma_wait3A_186 : memref<1x125xi32, #tpu.memory_space<vmem>> -> memref<125xi32, #tpu.memory_space<vmem>>
        %dma_wait3A_188 = arith.constant 0 : i32
        %dma_wait3A_189 = arith.constant 0 : i32
        %dma_wait3A_190 = tpu.memref_slice %arg23[%dma_wait3A_188, %dma_wait3A_189] : memref<10000x128xbf16, #tpu.memory_space<vmem_shared>> -> memref<10000x128xbf16, #tpu.memory_space<vmem_shared>>
        tpu.wait_indirect_dma semaphore(%arg21 : memref<!tpu.dma_semaphore, #tpu.memory_space<semaphore_mem>>) src(%arg13 : memref<125x128xbf16, #tpu.memory_space<vmem>>) dst(%dma_wait3A_190 : memref<10000x128xbf16, #tpu.memory_space<vmem_shared>>)
      } else {
      }
      %dma_start3A_161 = arith.constant 0 : i32
      %dma_start3A_162 = tpu.memref_slice %arg8[%add3A_155, %dma_start3A_161] : memref<80x125xi32, #tpu.memory_space<vmem>> -> memref<1x125xi32, #tpu.memory_space<vmem>>
      %dma_start3A_163 = tpu.memref_squeeze %dma_start3A_162 : memref<1x125xi32, #tpu.memory_space<vmem>> -> memref<125xi32, #tpu.memory_space<vmem>>
      %dma_start3A_164 = arith.constant 0 : i32
      %dma_start3A_165 = arith.constant 0 : i32
      %dma_start3A_166 = tpu.memref_slice %arg2[%dma_start3A_164, %dma_start3A_165] : memref<10000x128xbf16, #tpu.memory_space<hbm>> -> memref<10000x128xbf16, #tpu.memory_space<hbm>>
      tpu.enqueue_indirect_dma source(%dma_start3A_166 : memref<10000x128xbf16, #tpu.memory_space<hbm>>) target(%arg13 : memref<125x128xbf16, #tpu.memory_space<vmem>>) offsets(%dma_start3A_163 : memref<125xi32, #tpu.memory_space<vmem>>) semaphore(%arg17 : memref<!tpu.dma_semaphore, #tpu.memory_space<semaphore_mem>>)
      %sub3A_167 = arith.constant 2 : i32
      %sub3A_168 = arith.subi %add3A_155, %sub3A_167 : i32
      %dma_wait3A_169 = arith.constant 0 : i32
      %dma_wait3A_170 = tpu.memref_slice %arg8[%sub3A_168, %dma_wait3A_169] : memref<80x125xi32, #tpu.memory_space<vmem>> -> memref<1x125xi32, #tpu.memory_space<vmem>>
      %dma_wait3A_171 = tpu.memref_squeeze %dma_wait3A_170 : memref<1x125xi32, #tpu.memory_space<vmem>> -> memref<125xi32, #tpu.memory_space<vmem>>
      %dma_wait3A_172 = arith.constant 0 : i32
      %dma_wait3A_173 = arith.constant 0 : i32
      %dma_wait3A_174 = tpu.memref_slice %arg2[%dma_wait3A_172, %dma_wait3A_173] : memref<10000x128xbf16, #tpu.memory_space<hbm>> -> memref<10000x128xbf16, #tpu.memory_space<hbm>>
      tpu.wait_indirect_dma semaphore(%arg15 : memref<!tpu.dma_semaphore, #tpu.memory_space<semaphore_mem>>) src(%dma_wait3A_174 : memref<10000x128xbf16, #tpu.memory_space<hbm>>) dst(%arg11 : memref<125x128xbf16, #tpu.memory_space<vmem>>)
      %sub3A_175 = arith.constant 2 : i32
      %sub3A_176 = arith.subi %add3A_155, %sub3A_175 : i32
      %dma_start3A_177 = arith.constant 0 : i32
      %dma_start3A_178 = tpu.memref_slice %arg9[%sub3A_176, %dma_start3A_177] : memref<80x125xi32, #tpu.memory_space<vmem>> -> memref<1x125xi32, #tpu.memory_space<vmem>>
      %dma_start3A_179 = tpu.memref_squeeze %dma_start3A_178 : memref<1x125xi32, #tpu.memory_space<vmem>> -> memref<125xi32, #tpu.memory_space<vmem>>
      %dma_start3A_180 = arith.constant 0 : i32
      %dma_start3A_181 = arith.constant 0 : i32
      %dma_start3A_182 = tpu.memref_slice %arg23[%dma_start3A_180, %dma_start3A_181] : memref<10000x128xbf16, #tpu.memory_space<vmem_shared>> -> memref<10000x128xbf16, #tpu.memory_space<vmem_shared>>
      tpu.enqueue_indirect_dma source(%arg11 : memref<125x128xbf16, #tpu.memory_space<vmem>>) target(%dma_start3A_182 : memref<10000x128xbf16, #tpu.memory_space<vmem_shared>>) offsets(%dma_start3A_179 : memref<125xi32, #tpu.memory_space<vmem>>) semaphore(%arg19 : memref<!tpu.dma_semaphore, #tpu.memory_space<semaphore_mem>>) {add = true}
    }
    %scan3A_16 = arith.constant 20 : i32
    %dma_wait3A = arith.constant 78 : i32
    %dma_wait3A_17 = arith.constant 0 : i32
    %dma_wait3A_18 = tpu.memref_slice %arg8[%dma_wait3A, %dma_wait3A_17] : memref<80x125xi32, #tpu.memory_space<vmem>> -> memref<1x125xi32, #tpu.memory_space<vmem>>
    %dma_wait3A_19 = tpu.memref_squeeze %dma_wait3A_18 : memref<1x125xi32, #tpu.memory_space<vmem>> -> memref<125xi32, #tpu.memory_space<vmem>>
    %dma_wait3A_20 = arith.constant 0 : i32
    %dma_wait3A_21 = arith.constant 0 : i32
    %dma_wait3A_22 = tpu.memref_slice %arg2[%dma_wait3A_20, %dma_wait3A_21] : memref<10000x128xbf16, #tpu.memory_space<hbm>> -> memref<10000x128xbf16, #tpu.memory_space<hbm>>
    tpu.wait_indirect_dma semaphore(%arg16 : memref<!tpu.dma_semaphore, #tpu.memory_space<semaphore_mem>>) src(%dma_wait3A_22 : memref<10000x128xbf16, #tpu.memory_space<hbm>>) dst(%arg12 : memref<125x128xbf16, #tpu.memory_space<vmem>>)
    %dma_start3A = arith.constant 78 : i32
    %dma_start3A_23 = arith.constant 0 : i32
    %dma_start3A_24 = tpu.memref_slice %arg9[%dma_start3A, %dma_start3A_23] : memref<80x125xi32, #tpu.memory_space<vmem>> -> memref<1x125xi32, #tpu.memory_space<vmem>>
    %dma_start3A_25 = tpu.memref_squeeze %dma_start3A_24 : memref<1x125xi32, #tpu.memory_space<vmem>> -> memref<125xi32, #tpu.memory_space<vmem>>
    %dma_start3A_26 = arith.constant 0 : i32
    %dma_start3A_27 = arith.constant 0 : i32
    %dma_start3A_28 = tpu.memref_slice %arg23[%dma_start3A_26, %dma_start3A_27] : memref<10000x128xbf16, #tpu.memory_space<vmem_shared>> -> memref<10000x128xbf16, #tpu.memory_space<vmem_shared>>
    tpu.enqueue_indirect_dma source(%arg12 : memref<125x128xbf16, #tpu.memory_space<vmem>>) target(%dma_start3A_28 : memref<10000x128xbf16, #tpu.memory_space<vmem_shared>>) offsets(%dma_start3A_25 : memref<125xi32, #tpu.memory_space<vmem>>) semaphore(%arg20 : memref<!tpu.dma_semaphore, #tpu.memory_space<semaphore_mem>>) {add = true}
    %dma_wait3A_29 = arith.constant 79 : i32
    %dma_wait3A_30 = arith.constant 0 : i32
    %dma_wait3A_31 = tpu.memref_slice %arg8[%dma_wait3A_29, %dma_wait3A_30] : memref<80x125xi32, #tpu.memory_space<vmem>> -> memref<1x125xi32, #tpu.memory_space<vmem>>
    %dma_wait3A_32 = tpu.memref_squeeze %dma_wait3A_31 : memref<1x125xi32, #tpu.memory_space<vmem>> -> memref<125xi32, #tpu.memory_space<vmem>>
    %dma_wait3A_33 = arith.constant 0 : i32
    %dma_wait3A_34 = arith.constant 0 : i32
    %dma_wait3A_35 = tpu.memref_slice %arg2[%dma_wait3A_33, %dma_wait3A_34] : memref<10000x128xbf16, #tpu.memory_space<hbm>> -> memref<10000x128xbf16, #tpu.memory_space<hbm>>
    tpu.wait_indirect_dma semaphore(%arg17 : memref<!tpu.dma_semaphore, #tpu.memory_space<semaphore_mem>>) src(%dma_wait3A_35 : memref<10000x128xbf16, #tpu.memory_space<hbm>>) dst(%arg13 : memref<125x128xbf16, #tpu.memory_space<vmem>>)
    %dma_start3A_36 = arith.constant 79 : i32
    %dma_start3A_37 = arith.constant 0 : i32
    %dma_start3A_38 = tpu.memref_slice %arg9[%dma_start3A_36, %dma_start3A_37] : memref<80x125xi32, #tpu.memory_space<vmem>> -> memref<1x125xi32, #tpu.memory_space<vmem>>
    %dma_start3A_39 = tpu.memref_squeeze %dma_start3A_38 : memref<1x125xi32, #tpu.memory_space<vmem>> -> memref<125xi32, #tpu.memory_space<vmem>>
    %dma_start3A_40 = arith.constant 0 : i32
    %dma_start3A_41 = arith.constant 0 : i32
    %dma_start3A_42 = tpu.memref_slice %arg23[%dma_start3A_40, %dma_start3A_41] : memref<10000x128xbf16, #tpu.memory_space<vmem_shared>> -> memref<10000x128xbf16, #tpu.memory_space<vmem_shared>>
    tpu.enqueue_indirect_dma source(%arg13 : memref<125x128xbf16, #tpu.memory_space<vmem>>) target(%dma_start3A_42 : memref<10000x128xbf16, #tpu.memory_space<vmem_shared>>) offsets(%dma_start3A_39 : memref<125xi32, #tpu.memory_space<vmem>>) semaphore(%arg21 : memref<!tpu.dma_semaphore, #tpu.memory_space<semaphore_mem>>) {add = true}
    %dma_wait3A_43 = arith.constant 76 : i32
    %dma_wait3A_44 = arith.constant 0 : i32
    %dma_wait3A_45 = tpu.memref_slice %arg9[%dma_wait3A_43, %dma_wait3A_44] : memref<80x125xi32, #tpu.memory_space<vmem>> -> memref<1x125xi32, #tpu.memory_space<vmem>>
    %dma_wait3A_46 = tpu.memref_squeeze %dma_wait3A_45 : memref<1x125xi32, #tpu.memory_space<vmem>> -> memref<125xi32, #tpu.memory_space<vmem>>
    %dma_wait3A_47 = arith.constant 0 : i32
    %dma_wait3A_48 = arith.constant 0 : i32
    %dma_wait3A_49 = tpu.memref_slice %arg23[%dma_wait3A_47, %dma_wait3A_48] : memref<10000x128xbf16, #tpu.memory_space<vmem_shared>> -> memref<10000x128xbf16, #tpu.memory_space<vmem_shared>>
    tpu.wait_indirect_dma semaphore(%arg18 : memref<!tpu.dma_semaphore, #tpu.memory_space<semaphore_mem>>) src(%arg10 : memref<125x128xbf16, #tpu.memory_space<vmem>>) dst(%dma_wait3A_49 : memref<10000x128xbf16, #tpu.memory_space<vmem_shared>>)
    %dma_wait3A_50 = arith.constant 77 : i32
    %dma_wait3A_51 = arith.constant 0 : i32
    %dma_wait3A_52 = tpu.memref_slice %arg9[%dma_wait3A_50, %dma_wait3A_51] : memref<80x125xi32, #tpu.memory_space<vmem>> -> memref<1x125xi32, #tpu.memory_space<vmem>>
    %dma_wait3A_53 = tpu.memref_squeeze %dma_wait3A_52 : memref<1x125xi32, #tpu.memory_space<vmem>> -> memref<125xi32, #tpu.memory_space<vmem>>
    %dma_wait3A_54 = arith.constant 0 : i32
    %dma_wait3A_55 = arith.constant 0 : i32
    %dma_wait3A_56 = tpu.memref_slice %arg23[%dma_wait3A_54, %dma_wait3A_55] : memref<10000x128xbf16, #tpu.memory_space<vmem_shared>> -> memref<10000x128xbf16, #tpu.memory_space<vmem_shared>>
    tpu.wait_indirect_dma semaphore(%arg19 : memref<!tpu.dma_semaphore, #tpu.memory_space<semaphore_mem>>) src(%arg11 : memref<125x128xbf16, #tpu.memory_space<vmem>>) dst(%dma_wait3A_56 : memref<10000x128xbf16, #tpu.memory_space<vmem_shared>>)
    %dma_wait3A_57 = arith.constant 78 : i32
    %dma_wait3A_58 = arith.constant 0 : i32
    %dma_wait3A_59 = tpu.memref_slice %arg9[%dma_wait3A_57, %dma_wait3A_58] : memref<80x125xi32, #tpu.memory_space<vmem>> -> memref<1x125xi32, #tpu.memory_space<vmem>>
    %dma_wait3A_60 = tpu.memref_squeeze %dma_wait3A_59 : memref<1x125xi32, #tpu.memory_space<vmem>> -> memref<125xi32, #tpu.memory_space<vmem>>
    %dma_wait3A_61 = arith.constant 0 : i32
    %dma_wait3A_62 = arith.constant 0 : i32
    %dma_wait3A_63 = tpu.memref_slice %arg23[%dma_wait3A_61, %dma_wait3A_62] : memref<10000x128xbf16, #tpu.memory_space<vmem_shared>> -> memref<10000x128xbf16, #tpu.memory_space<vmem_shared>>
    tpu.wait_indirect_dma semaphore(%arg20 : memref<!tpu.dma_semaphore, #tpu.memory_space<semaphore_mem>>) src(%arg12 : memref<125x128xbf16, #tpu.memory_space<vmem>>) dst(%dma_wait3A_63 : memref<10000x128xbf16, #tpu.memory_space<vmem_shared>>)
    %dma_wait3A_64 = arith.constant 79 : i32
    %dma_wait3A_65 = arith.constant 0 : i32
    %dma_wait3A_66 = tpu.memref_slice %arg9[%dma_wait3A_64, %dma_wait3A_65] : memref<80x125xi32, #tpu.memory_space<vmem>> -> memref<1x125xi32, #tpu.memory_space<vmem>>
    %dma_wait3A_67 = tpu.memref_squeeze %dma_wait3A_66 : memref<1x125xi32, #tpu.memory_space<vmem>> -> memref<125xi32, #tpu.memory_space<vmem>>
    %dma_wait3A_68 = arith.constant 0 : i32
    %dma_wait3A_69 = arith.constant 0 : i32
    %dma_wait3A_70 = tpu.memref_slice %arg23[%dma_wait3A_68, %dma_wait3A_69] : memref<10000x128xbf16, #tpu.memory_space<vmem_shared>> -> memref<10000x128xbf16, #tpu.memory_space<vmem_shared>>
    tpu.wait_indirect_dma semaphore(%arg21 : memref<!tpu.dma_semaphore, #tpu.memory_space<semaphore_mem>>) src(%arg13 : memref<125x128xbf16, #tpu.memory_space<vmem>>) dst(%dma_wait3A_70 : memref<10000x128xbf16, #tpu.memory_space<vmem_shared>>)
    %barrier3A_71 = arith.constant 0 : index
    tpu.barrier barrier_id(%barrier3A_71)
    %lt3A_72 = arith.constant 15 : i32
    %lt3A_73 = arith.cmpi slt, %arg1, %lt3A_72 : i32
    %convert_element_type3A_74 = arith.extui %lt3A_73 : i1 to i32
    %cond3A_75 = arith.constant 0 : i32
    %cond3A_76 = arith.cmpi ne, %convert_element_type3A_74, %cond3A_75 : i32
    scf.if %cond3A_76 {
      %mul3A_82 = arith.constant 640 : i32
      %mul3A_83 = arith.muli %arg1, %mul3A_82 : i32
      %mul3A_84 = arith.constant 128 : i32
      %mul3A_85 = arith.muli %arg0, %mul3A_84 : i32
      "tpu.region"() ({
        %run_scoped3A_86 = tpu.sem_alloc : memref<!tpu.dma_semaphore, #tpu.memory_space<semaphore_mem>>
        %dma_start3A_87 = tpu.memref_slice %arg7[%mul3A_83, %mul3A_85] : memref<10000x256xbf16, #tpu.memory_space<hbm>> -> memref<640x128xbf16, #tpu.memory_space<hbm>>
        %dma_start3A_88 = arith.constant 0 : i32
        %dma_start3A_89 = tpu.memref_slice %arg23[%mul3A_83, %dma_start3A_88] : memref<10000x128xbf16, #tpu.memory_space<vmem_shared>> -> memref<640x128xbf16, #tpu.memory_space<vmem_shared>>
        tpu.enqueue_dma source(%dma_start3A_89 : memref<640x128xbf16, #tpu.memory_space<vmem_shared>>) target(%dma_start3A_87 : memref<640x128xbf16, #tpu.memory_space<hbm>>) target_semaphore(%run_scoped3A_86 : memref<!tpu.dma_semaphore, #tpu.memory_space<semaphore_mem>>)
        %dma_wait3A_90 = tpu.memref_slice %arg7[%mul3A_83, %mul3A_85] : memref<10000x256xbf16, #tpu.memory_space<hbm>> -> memref<640x128xbf16, #tpu.memory_space<hbm>>
        %dma_wait3A_91 = arith.constant 0 : i32
        %dma_wait3A_92 = tpu.memref_slice %arg23[%mul3A_83, %dma_wait3A_91] : memref<10000x128xbf16, #tpu.memory_space<vmem_shared>> -> memref<640x128xbf16, #tpu.memory_space<vmem_shared>>
        tpu.wait_dma2 semaphore(%run_scoped3A_86 : memref<!tpu.dma_semaphore, #tpu.memory_space<semaphore_mem>>) src(%dma_wait3A_92 : memref<640x128xbf16, #tpu.memory_space<vmem_shared>>) dst(%dma_wait3A_90 : memref<640x128xbf16, #tpu.memory_space<hbm>>)
        tpu.yield
      }) : () -> ()
    } else {
    }
    %eq3A_77 = arith.constant 15 : i32
    %eq3A_78 = arith.cmpi eq, %arg1, %eq3A_77 : i32
    %convert_element_type3A_79 = arith.extui %eq3A_78 : i1 to i32
    %cond3A_80 = arith.constant 0 : i32
    %cond3A_81 = arith.cmpi ne, %convert_element_type3A_79, %cond3A_80 : i32
    scf.if %cond3A_81 {
      %mul3A_82 = arith.constant 128 : i32
      %mul3A_83 = arith.muli %arg0, %mul3A_82 : i32
      "tpu.region"() ({
        %run_scoped3A_84 = tpu.sem_alloc : memref<!tpu.dma_semaphore, #tpu.memory_space<semaphore_mem>>
        %dma_start3A_85 = arith.constant 9600 : i32
        %dma_start3A_86 = tpu.memref_slice %arg7[%dma_start3A_85, %mul3A_83] : memref<10000x256xbf16, #tpu.memory_space<hbm>> -> memref<400x128xbf16, #tpu.memory_space<hbm>>
        %dma_start3A_87 = arith.constant 9600 : i32
        %dma_start3A_88 = arith.constant 0 : i32
        %dma_start3A_89 = tpu.memref_slice %arg23[%dma_start3A_87, %dma_start3A_88] : memref<10000x128xbf16, #tpu.memory_space<vmem_shared>> -> memref<400x128xbf16, #tpu.memory_space<vmem_shared>>
        tpu.enqueue_dma source(%dma_start3A_89 : memref<400x128xbf16, #tpu.memory_space<vmem_shared>>) target(%dma_start3A_86 : memref<400x128xbf16, #tpu.memory_space<hbm>>) target_semaphore(%run_scoped3A_84 : memref<!tpu.dma_semaphore, #tpu.memory_space<semaphore_mem>>)
        %dma_wait3A_90 = arith.constant 9600 : i32
        %dma_wait3A_91 = tpu.memref_slice %arg7[%dma_wait3A_90, %mul3A_83] : memref<10000x256xbf16, #tpu.memory_space<hbm>> -> memref<400x128xbf16, #tpu.memory_space<hbm>>
        %dma_wait3A_92 = arith.constant 9600 : i32
        %dma_wait3A_93 = arith.constant 0 : i32
        %dma_wait3A_94 = tpu.memref_slice %arg23[%dma_wait3A_92, %dma_wait3A_93] : memref<10000x128xbf16, #tpu.memory_space<vmem_shared>> -> memref<400x128xbf16, #tpu.memory_space<vmem_shared>>
        tpu.wait_dma2 semaphore(%run_scoped3A_84 : memref<!tpu.dma_semaphore, #tpu.memory_space<semaphore_mem>>) src(%dma_wait3A_94 : memref<400x128xbf16, #tpu.memory_space<vmem_shared>>) dst(%dma_wait3A_91 : memref<400x128xbf16, #tpu.memory_space<hbm>>)
        tpu.yield
      }) : () -> ()
    } else {
    }
    return
  }
}

#map = affine_map<(d0, d1) -> (0, 0)>
#map1 = affine_map<(d0, d1) -> (0, 0, 0)>
module attributes {stable_mosaic.version = 14 : i64} {
  func.func @body(%arg0: i32, %arg1: i32, %arg2: memref<10000x128xbf16, #tpu.memory_space<hbm>>, %arg3: memref<2x2560x125xi32, #tpu.memory_space<hbm>>, %arg4: memref<640x128xbf16, #tpu.memory_space<hbm>>, %arg5: memref<640x8xf32, #tpu.memory_space<hbm>>, %arg6: memref<125x8xf32, #tpu.memory_space<hbm>>, %arg7: memref<10000x256xbf16, #tpu.memory_space<hbm>>, %arg8: memref<2x10000x8xf32, #tpu.memory_space<hbm>>, %arg9: memref<80x125xi32, #tpu.memory_space<vmem>>, %arg10: memref<80x125xi32, #tpu.memory_space<vmem>>, %arg11: memref<125x128xbf16, #tpu.memory_space<vmem>>, %arg12: memref<125x128xbf16, #tpu.memory_space<vmem>>, %arg13: memref<125x128xbf16, #tpu.memory_space<vmem>>, %arg14: memref<125x128xbf16, #tpu.memory_space<vmem>>, %arg15: memref<!tpu.dma_semaphore, #tpu.memory_space<semaphore_mem>>, %arg16: memref<!tpu.dma_semaphore, #tpu.memory_space<semaphore_mem>>, %arg17: memref<!tpu.dma_semaphore, #tpu.memory_space<semaphore_mem>>, %arg18: memref<!tpu.dma_semaphore, #tpu.memory_space<semaphore_mem>>, %arg19: memref<!tpu.dma_semaphore, #tpu.memory_space<semaphore_mem>>, %arg20: memref<!tpu.dma_semaphore, #tpu.memory_space<semaphore_mem>>, %arg21: memref<!tpu.dma_semaphore, #tpu.memory_space<semaphore_mem>>, %arg22: memref<!tpu.dma_semaphore, #tpu.memory_space<semaphore_mem>>, %arg23: memref<125x8xf32, #tpu.memory_space<vmem>>, %arg24: memref<10000x128xbf16, #tpu.memory_space<vmem_shared>>, %arg25: memref<10000x8xf32, #tpu.memory_space<vmem_shared>>) attributes {dimension_semantics = [#tpu.dimension_semantics<core_parallel>, #tpu.dimension_semantics<subcore_parallel>], iteration_bounds = array<i64: 2, 16>, scalar_prefetch = 0 : i64, scratch_operands = 17 : i64, tpu.core_type = #tpu.core_type<sc_vector_subcore>, window_params = [{transform_indices = #map}, {transform_indices = #map1}, {transform_indices = #map}, {transform_indices = #map}, {transform_indices = #map}, {transform_indices = #map}, {transform_indices = #map1}]} {
    %lt3A = arith.constant 15 : i32
    %lt3A_0 = arith.cmpi slt, %arg1, %lt3A : i32
    %convert_element_type3A = arith.extui %lt3A_0 : i1 to i32
    %cond3A = arith.constant 0 : i32
    %cond3A_1 = arith.cmpi ne, %convert_element_type3A, %cond3A : i32
    scf.if %cond3A_1 {
      %mul3A_84 = arith.constant 640 : i32
      %mul3A_85 = arith.muli %arg1, %mul3A_84 : i32
      "tpu.region"() ({
        %run_scoped3A_88 = tpu.sem_alloc : memref<!tpu.dma_semaphore, #tpu.memory_space<semaphore_mem>>
        %dma_start3A_89 = arith.constant 0 : i32
        %dma_start3A_90 = tpu.memref_slice %arg24[%mul3A_85, %dma_start3A_89] : memref<10000x128xbf16, #tpu.memory_space<vmem_shared>> -> memref<640x128xbf16, #tpu.memory_space<vmem_shared>>
        tpu.enqueue_dma source(%arg4 : memref<640x128xbf16, #tpu.memory_space<hbm>>) target(%dma_start3A_90 : memref<640x128xbf16, #tpu.memory_space<vmem_shared>>) target_semaphore(%run_scoped3A_88 : memref<!tpu.dma_semaphore, #tpu.memory_space<semaphore_mem>>)
        %dma_wait3A_91 = arith.constant 0 : i32
        %dma_wait3A_92 = tpu.memref_slice %arg24[%mul3A_85, %dma_wait3A_91] : memref<10000x128xbf16, #tpu.memory_space<vmem_shared>> -> memref<640x128xbf16, #tpu.memory_space<vmem_shared>>
        tpu.wait_dma2 semaphore(%run_scoped3A_88 : memref<!tpu.dma_semaphore, #tpu.memory_space<semaphore_mem>>) src(%arg4 : memref<640x128xbf16, #tpu.memory_space<hbm>>) dst(%dma_wait3A_92 : memref<640x128xbf16, #tpu.memory_space<vmem_shared>>)
        tpu.yield
      }) : () -> ()
      %mul3A_86 = arith.constant 640 : i32
      %mul3A_87 = arith.muli %arg1, %mul3A_86 : i32
      "tpu.region"() ({
        %run_scoped3A_88 = tpu.sem_alloc : memref<!tpu.dma_semaphore, #tpu.memory_space<semaphore_mem>>
        %dma_start3A_89 = arith.constant 0 : i32
        %dma_start3A_90 = tpu.memref_slice %arg25[%mul3A_87, %dma_start3A_89] : memref<10000x8xf32, #tpu.memory_space<vmem_shared>> -> memref<640x8xf32, #tpu.memory_space<vmem_shared>>
        tpu.enqueue_dma source(%arg5 : memref<640x8xf32, #tpu.memory_space<hbm>>) target(%dma_start3A_90 : memref<640x8xf32, #tpu.memory_space<vmem_shared>>) target_semaphore(%run_scoped3A_88 : memref<!tpu.dma_semaphore, #tpu.memory_space<semaphore_mem>>)
        %dma_wait3A_91 = arith.constant 0 : i32
        %dma_wait3A_92 = tpu.memref_slice %arg25[%mul3A_87, %dma_wait3A_91] : memref<10000x8xf32, #tpu.memory_space<vmem_shared>> -> memref<640x8xf32, #tpu.memory_space<vmem_shared>>
        tpu.wait_dma2 semaphore(%run_scoped3A_88 : memref<!tpu.dma_semaphore, #tpu.memory_space<semaphore_mem>>) src(%arg5 : memref<640x8xf32, #tpu.memory_space<hbm>>) dst(%dma_wait3A_92 : memref<640x8xf32, #tpu.memory_space<vmem_shared>>)
        tpu.yield
      }) : () -> ()
    } else {
    }
    %eq3A = arith.constant 15 : i32
    %eq3A_2 = arith.cmpi eq, %arg1, %eq3A : i32
    %convert_element_type3A_3 = arith.extui %eq3A_2 : i1 to i32
    %cond3A_4 = arith.constant 0 : i32
    %cond3A_5 = arith.cmpi ne, %convert_element_type3A_3, %cond3A_4 : i32
    scf.if %cond3A_5 {
      "tpu.region"() ({
        %run_scoped3A_84 = tpu.sem_alloc : memref<!tpu.dma_semaphore, #tpu.memory_space<semaphore_mem>>
        %dma_start3A_85 = arith.constant 9600 : i32
        %dma_start3A_86 = arith.constant 0 : i32
        %dma_start3A_87 = tpu.memref_slice %arg24[%dma_start3A_85, %dma_start3A_86] : memref<10000x128xbf16, #tpu.memory_space<vmem_shared>> -> memref<400x128xbf16, #tpu.memory_space<vmem_shared>>
        %dma_start3A_88 = arith.constant 0 : i32
        %dma_start3A_89 = arith.constant 0 : i32
        %dma_start3A_90 = tpu.memref_slice %arg4[%dma_start3A_88, %dma_start3A_89] : memref<640x128xbf16, #tpu.memory_space<hbm>> -> memref<400x128xbf16, #tpu.memory_space<hbm>>
        tpu.enqueue_dma source(%dma_start3A_90 : memref<400x128xbf16, #tpu.memory_space<hbm>>) target(%dma_start3A_87 : memref<400x128xbf16, #tpu.memory_space<vmem_shared>>) target_semaphore(%run_scoped3A_84 : memref<!tpu.dma_semaphore, #tpu.memory_space<semaphore_mem>>)
        %dma_wait3A_91 = arith.constant 9600 : i32
        %dma_wait3A_92 = arith.constant 0 : i32
        %dma_wait3A_93 = tpu.memref_slice %arg24[%dma_wait3A_91, %dma_wait3A_92] : memref<10000x128xbf16, #tpu.memory_space<vmem_shared>> -> memref<400x128xbf16, #tpu.memory_space<vmem_shared>>
        %dma_wait3A_94 = arith.constant 0 : i32
        %dma_wait3A_95 = arith.constant 0 : i32
        %dma_wait3A_96 = tpu.memref_slice %arg4[%dma_wait3A_94, %dma_wait3A_95] : memref<640x128xbf16, #tpu.memory_space<hbm>> -> memref<400x128xbf16, #tpu.memory_space<hbm>>
        tpu.wait_dma2 semaphore(%run_scoped3A_84 : memref<!tpu.dma_semaphore, #tpu.memory_space<semaphore_mem>>) src(%dma_wait3A_96 : memref<400x128xbf16, #tpu.memory_space<hbm>>) dst(%dma_wait3A_93 : memref<400x128xbf16, #tpu.memory_space<vmem_shared>>)
        tpu.yield
      }) : () -> ()
      "tpu.region"() ({
        %run_scoped3A_84 = tpu.sem_alloc : memref<!tpu.dma_semaphore, #tpu.memory_space<semaphore_mem>>
        %dma_start3A_85 = arith.constant 9600 : i32
        %dma_start3A_86 = arith.constant 0 : i32
        %dma_start3A_87 = tpu.memref_slice %arg25[%dma_start3A_85, %dma_start3A_86] : memref<10000x8xf32, #tpu.memory_space<vmem_shared>> -> memref<400x8xf32, #tpu.memory_space<vmem_shared>>
        %dma_start3A_88 = arith.constant 0 : i32
        %dma_start3A_89 = arith.constant 0 : i32
        %dma_start3A_90 = tpu.memref_slice %arg5[%dma_start3A_88, %dma_start3A_89] : memref<640x8xf32, #tpu.memory_space<hbm>> -> memref<400x8xf32, #tpu.memory_space<hbm>>
        tpu.enqueue_dma source(%dma_start3A_90 : memref<400x8xf32, #tpu.memory_space<hbm>>) target(%dma_start3A_87 : memref<400x8xf32, #tpu.memory_space<vmem_shared>>) target_semaphore(%run_scoped3A_84 : memref<!tpu.dma_semaphore, #tpu.memory_space<semaphore_mem>>)
        %dma_wait3A_91 = arith.constant 9600 : i32
        %dma_wait3A_92 = arith.constant 0 : i32
        %dma_wait3A_93 = tpu.memref_slice %arg25[%dma_wait3A_91, %dma_wait3A_92] : memref<10000x8xf32, #tpu.memory_space<vmem_shared>> -> memref<400x8xf32, #tpu.memory_space<vmem_shared>>
        %dma_wait3A_94 = arith.constant 0 : i32
        %dma_wait3A_95 = arith.constant 0 : i32
        %dma_wait3A_96 = tpu.memref_slice %arg5[%dma_wait3A_94, %dma_wait3A_95] : memref<640x8xf32, #tpu.memory_space<hbm>> -> memref<400x8xf32, #tpu.memory_space<hbm>>
        tpu.wait_dma2 semaphore(%run_scoped3A_84 : memref<!tpu.dma_semaphore, #tpu.memory_space<semaphore_mem>>) src(%dma_wait3A_96 : memref<400x8xf32, #tpu.memory_space<hbm>>) dst(%dma_wait3A_93 : memref<400x8xf32, #tpu.memory_space<vmem_shared>>)
        tpu.yield
      }) : () -> ()
    } else {
    }
    %mul3A = arith.constant 16 : i32
    %mul3A_6 = arith.muli %arg0, %mul3A : i32
    %add3A = arith.addi %mul3A_6, %arg1 : i32
    %mul3A_7 = arith.constant 80 : i32
    %mul3A_8 = arith.muli %add3A, %mul3A_7 : i32
    %run_scoped3A = arith.constant 0 : i32
    "tpu.region"() ({
      %run_scoped3A_84 = tpu.sem_alloc : memref<!tpu.dma_semaphore, #tpu.memory_space<semaphore_mem>>
      %dma_start3A_85 = arith.constant 0 : i32
      %dma_start3A_86 = arith.constant 0 : i32
      %dma_start3A_87 = tpu.memref_slice %arg3[%run_scoped3A, %dma_start3A_85, %dma_start3A_86] : memref<2x2560x125xi32, #tpu.memory_space<hbm>> -> memref<1x2560x125xi32, #tpu.memory_space<hbm>>
      %dma_start3A_88 = tpu.memref_squeeze %dma_start3A_87 : memref<1x2560x125xi32, #tpu.memory_space<hbm>> -> memref<2560x125xi32, #tpu.memory_space<hbm>>
      %dma_start3A_89 = arith.constant 0 : i32
      %dma_start3A_90 = tpu.memref_slice %dma_start3A_88[%mul3A_8, %dma_start3A_89] : memref<2560x125xi32, #tpu.memory_space<hbm>> -> memref<80x125xi32, #tpu.memory_space<hbm>>
      %dma_start3A_91 = arith.constant 0 : i32
      %dma_start3A_92 = arith.constant 0 : i32
      %dma_start3A_93 = tpu.memref_slice %arg3[%run_scoped3A, %dma_start3A_91, %dma_start3A_92] : memref<2x2560x125xi32, #tpu.memory_space<hbm>> -> memref<1x2560x125xi32, #tpu.memory_space<hbm>>
      %dma_start3A_94 = tpu.memref_squeeze %dma_start3A_93 : memref<1x2560x125xi32, #tpu.memory_space<hbm>> -> memref<2560x125xi32, #tpu.memory_space<hbm>>
      %dma_start3A_95 = arith.constant 0 : i32
      %dma_start3A_96 = tpu.memref_slice %dma_start3A_94[%mul3A_8, %dma_start3A_95] : memref<2560x125xi32, #tpu.memory_space<hbm>> -> memref<80x125xi32, #tpu.memory_space<hbm>>
      tpu.enqueue_dma source(%dma_start3A_96 : memref<80x125xi32, #tpu.memory_space<hbm>>) target(%arg9 : memref<80x125xi32, #tpu.memory_space<vmem>>) target_semaphore(%run_scoped3A_84 : memref<!tpu.dma_semaphore, #tpu.memory_space<semaphore_mem>>)
      %dma_wait3A_97 = arith.constant 0 : i32
      %dma_wait3A_98 = arith.constant 0 : i32
      %dma_wait3A_99 = tpu.memref_slice %arg3[%run_scoped3A, %dma_wait3A_97, %dma_wait3A_98] : memref<2x2560x125xi32, #tpu.memory_space<hbm>> -> memref<1x2560x125xi32, #tpu.memory_space<hbm>>
      %dma_wait3A_100 = tpu.memref_squeeze %dma_wait3A_99 : memref<1x2560x125xi32, #tpu.memory_space<hbm>> -> memref<2560x125xi32, #tpu.memory_space<hbm>>
      %dma_wait3A_101 = arith.constant 0 : i32
      %dma_wait3A_102 = tpu.memref_slice %dma_wait3A_100[%mul3A_8, %dma_wait3A_101] : memref<2560x125xi32, #tpu.memory_space<hbm>> -> memref<80x125xi32, #tpu.memory_space<hbm>>
      %dma_wait3A_103 = arith.constant 0 : i32
      %dma_wait3A_104 = arith.constant 0 : i32
      %dma_wait3A_105 = tpu.memref_slice %arg3[%run_scoped3A, %dma_wait3A_103, %dma_wait3A_104] : memref<2x2560x125xi32, #tpu.memory_space<hbm>> -> memref<1x2560x125xi32, #tpu.memory_space<hbm>>
      %dma_wait3A_106 = tpu.memref_squeeze %dma_wait3A_105 : memref<1x2560x125xi32, #tpu.memory_space<hbm>> -> memref<2560x125xi32, #tpu.memory_space<hbm>>
      %dma_wait3A_107 = arith.constant 0 : i32
      %dma_wait3A_108 = tpu.memref_slice %dma_wait3A_106[%mul3A_8, %dma_wait3A_107] : memref<2560x125xi32, #tpu.memory_space<hbm>> -> memref<80x125xi32, #tpu.memory_space<hbm>>
      tpu.wait_dma2 semaphore(%run_scoped3A_84 : memref<!tpu.dma_semaphore, #tpu.memory_space<semaphore_mem>>) src(%dma_wait3A_108 : memref<80x125xi32, #tpu.memory_space<hbm>>) dst(%arg9 : memref<80x125xi32, #tpu.memory_space<vmem>>)
      tpu.yield
    }) : () -> ()
    %mul3A_9 = arith.constant 80 : i32
    %mul3A_10 = arith.muli %add3A, %mul3A_9 : i32
    %run_scoped3A_11 = arith.constant 1 : i32
    "tpu.region"() ({
      %run_scoped3A_84 = tpu.sem_alloc : memref<!tpu.dma_semaphore, #tpu.memory_space<semaphore_mem>>
      %dma_start3A_85 = arith.constant 0 : i32
      %dma_start3A_86 = arith.constant 0 : i32
      %dma_start3A_87 = tpu.memref_slice %arg3[%run_scoped3A_11, %dma_start3A_85, %dma_start3A_86] : memref<2x2560x125xi32, #tpu.memory_space<hbm>> -> memref<1x2560x125xi32, #tpu.memory_space<hbm>>
      %dma_start3A_88 = tpu.memref_squeeze %dma_start3A_87 : memref<1x2560x125xi32, #tpu.memory_space<hbm>> -> memref<2560x125xi32, #tpu.memory_space<hbm>>
      %dma_start3A_89 = arith.constant 0 : i32
      %dma_start3A_90 = tpu.memref_slice %dma_start3A_88[%mul3A_10, %dma_start3A_89] : memref<2560x125xi32, #tpu.memory_space<hbm>> -> memref<80x125xi32, #tpu.memory_space<hbm>>
      %dma_start3A_91 = arith.constant 0 : i32
      %dma_start3A_92 = arith.constant 0 : i32
      %dma_start3A_93 = tpu.memref_slice %arg3[%run_scoped3A_11, %dma_start3A_91, %dma_start3A_92] : memref<2x2560x125xi32, #tpu.memory_space<hbm>> -> memref<1x2560x125xi32, #tpu.memory_space<hbm>>
      %dma_start3A_94 = tpu.memref_squeeze %dma_start3A_93 : memref<1x2560x125xi32, #tpu.memory_space<hbm>> -> memref<2560x125xi32, #tpu.memory_space<hbm>>
      %dma_start3A_95 = arith.constant 0 : i32
      %dma_start3A_96 = tpu.memref_slice %dma_start3A_94[%mul3A_10, %dma_start3A_95] : memref<2560x125xi32, #tpu.memory_space<hbm>> -> memref<80x125xi32, #tpu.memory_space<hbm>>
      tpu.enqueue_dma source(%dma_start3A_96 : memref<80x125xi32, #tpu.memory_space<hbm>>) target(%arg10 : memref<80x125xi32, #tpu.memory_space<vmem>>) target_semaphore(%run_scoped3A_84 : memref<!tpu.dma_semaphore, #tpu.memory_space<semaphore_mem>>)
      %dma_wait3A_97 = arith.constant 0 : i32
      %dma_wait3A_98 = arith.constant 0 : i32
      %dma_wait3A_99 = tpu.memref_slice %arg3[%run_scoped3A_11, %dma_wait3A_97, %dma_wait3A_98] : memref<2x2560x125xi32, #tpu.memory_space<hbm>> -> memref<1x2560x125xi32, #tpu.memory_space<hbm>>
      %dma_wait3A_100 = tpu.memref_squeeze %dma_wait3A_99 : memref<1x2560x125xi32, #tpu.memory_space<hbm>> -> memref<2560x125xi32, #tpu.memory_space<hbm>>
      %dma_wait3A_101 = arith.constant 0 : i32
      %dma_wait3A_102 = tpu.memref_slice %dma_wait3A_100[%mul3A_10, %dma_wait3A_101] : memref<2560x125xi32, #tpu.memory_space<hbm>> -> memref<80x125xi32, #tpu.memory_space<hbm>>
      %dma_wait3A_103 = arith.constant 0 : i32
      %dma_wait3A_104 = arith.constant 0 : i32
      %dma_wait3A_105 = tpu.memref_slice %arg3[%run_scoped3A_11, %dma_wait3A_103, %dma_wait3A_104] : memref<2x2560x125xi32, #tpu.memory_space<hbm>> -> memref<1x2560x125xi32, #tpu.memory_space<hbm>>
      %dma_wait3A_106 = tpu.memref_squeeze %dma_wait3A_105 : memref<1x2560x125xi32, #tpu.memory_space<hbm>> -> memref<2560x125xi32, #tpu.memory_space<hbm>>
      %dma_wait3A_107 = arith.constant 0 : i32
      %dma_wait3A_108 = tpu.memref_slice %dma_wait3A_106[%mul3A_10, %dma_wait3A_107] : memref<2560x125xi32, #tpu.memory_space<hbm>> -> memref<80x125xi32, #tpu.memory_space<hbm>>
      tpu.wait_dma2 semaphore(%run_scoped3A_84 : memref<!tpu.dma_semaphore, #tpu.memory_space<semaphore_mem>>) src(%dma_wait3A_108 : memref<80x125xi32, #tpu.memory_space<hbm>>) dst(%arg10 : memref<80x125xi32, #tpu.memory_space<vmem>>)
      tpu.yield
    }) : () -> ()
    "tpu.region"() ({
      %run_scoped3A_84 = tpu.sem_alloc : memref<!tpu.dma_semaphore, #tpu.memory_space<semaphore_mem>>
      tpu.enqueue_dma source(%arg6 : memref<125x8xf32, #tpu.memory_space<hbm>>) target(%arg23 : memref<125x8xf32, #tpu.memory_space<vmem>>) target_semaphore(%run_scoped3A_84 : memref<!tpu.dma_semaphore, #tpu.memory_space<semaphore_mem>>)
      tpu.wait_dma2 semaphore(%run_scoped3A_84 : memref<!tpu.dma_semaphore, #tpu.memory_space<semaphore_mem>>) src(%arg6 : memref<125x8xf32, #tpu.memory_space<hbm>>) dst(%arg23 : memref<125x8xf32, #tpu.memory_space<vmem>>)
      tpu.yield
    }) : () -> ()
    %barrier3A = arith.constant 0 : index
    tpu.barrier barrier_id(%barrier3A)
    %scan3A = arith.constant 0 : i32
    %scan3A_12 = arith.constant 0 : i32
    %scan3A_13 = arith.constant 20 : i32
    %scan3A_14 = arith.addi %scan3A_12, %scan3A_13 : i32
    %scan3A_15 = arith.constant 1 : i32
    scf.for %scan3A_84 = %scan3A_12 to %scan3A_14 step %scan3A_15  : i32 {
      %mul3A_85 = arith.constant 4 : i32
      %mul3A_86 = arith.muli %scan3A_84, %mul3A_85 : i32
      %add3A_87 = arith.constant 0 : i32
      %add3A_88 = arith.addi %mul3A_86, %add3A_87 : i32
      %gt3A = arith.constant 0 : i32
      %gt3A_89 = arith.cmpi sgt, %scan3A_84, %gt3A : i32
      %convert_element_type3A_90 = arith.extui %gt3A_89 : i1 to i32
      %cond3A_91 = arith.constant 0 : i32
      %cond3A_92 = arith.cmpi ne, %convert_element_type3A_90, %cond3A_91 : i32
      scf.if %cond3A_92 {
        %sub3A_185 = arith.constant 4 : i32
        %sub3A_186 = arith.subi %add3A_88, %sub3A_185 : i32
        %dma_wait3A_187 = arith.constant 0 : i32
        %dma_wait3A_188 = tpu.memref_slice %arg10[%sub3A_186, %dma_wait3A_187] : memref<80x125xi32, #tpu.memory_space<vmem>> -> memref<1x125xi32, #tpu.memory_space<vmem>>
        %dma_wait3A_189 = tpu.memref_squeeze %dma_wait3A_188 : memref<1x125xi32, #tpu.memory_space<vmem>> -> memref<125xi32, #tpu.memory_space<vmem>>
        %dma_wait3A_190 = arith.constant 0 : i32
        %dma_wait3A_191 = arith.constant 0 : i32
        %dma_wait3A_192 = tpu.memref_slice %arg24[%dma_wait3A_190, %dma_wait3A_191] : memref<10000x128xbf16, #tpu.memory_space<vmem_shared>> -> memref<10000x128xbf16, #tpu.memory_space<vmem_shared>>
        tpu.wait_indirect_dma semaphore(%arg19 : memref<!tpu.dma_semaphore, #tpu.memory_space<semaphore_mem>>) src(%arg11 : memref<125x128xbf16, #tpu.memory_space<vmem>>) dst(%dma_wait3A_192 : memref<10000x128xbf16, #tpu.memory_space<vmem_shared>>)
      } else {
      }
      %dma_start3A_93 = arith.constant 0 : i32
      %dma_start3A_94 = tpu.memref_slice %arg9[%add3A_88, %dma_start3A_93] : memref<80x125xi32, #tpu.memory_space<vmem>> -> memref<1x125xi32, #tpu.memory_space<vmem>>
      %dma_start3A_95 = tpu.memref_squeeze %dma_start3A_94 : memref<1x125xi32, #tpu.memory_space<vmem>> -> memref<125xi32, #tpu.memory_space<vmem>>
      %dma_start3A_96 = arith.constant 0 : i32
      %dma_start3A_97 = arith.constant 0 : i32
      %dma_start3A_98 = tpu.memref_slice %arg2[%dma_start3A_96, %dma_start3A_97] : memref<10000x128xbf16, #tpu.memory_space<hbm>> -> memref<10000x128xbf16, #tpu.memory_space<hbm>>
      tpu.enqueue_indirect_dma source(%dma_start3A_98 : memref<10000x128xbf16, #tpu.memory_space<hbm>>) target(%arg11 : memref<125x128xbf16, #tpu.memory_space<vmem>>) offsets(%dma_start3A_95 : memref<125xi32, #tpu.memory_space<vmem>>) semaphore(%arg15 : memref<!tpu.dma_semaphore, #tpu.memory_space<semaphore_mem>>)
      %gt3A_99 = arith.constant 0 : i32
      %gt3A_100 = arith.cmpi sgt, %scan3A_84, %gt3A_99 : i32
      %convert_element_type3A_101 = arith.extui %gt3A_100 : i1 to i32
      %cond3A_102 = arith.constant 0 : i32
      %cond3A_103 = arith.cmpi ne, %convert_element_type3A_101, %cond3A_102 : i32
      scf.if %cond3A_103 {
        %sub3A_185 = arith.constant 2 : i32
        %sub3A_186 = arith.subi %add3A_88, %sub3A_185 : i32
        %dma_wait3A_187 = arith.constant 0 : i32
        %dma_wait3A_188 = tpu.memref_slice %arg9[%sub3A_186, %dma_wait3A_187] : memref<80x125xi32, #tpu.memory_space<vmem>> -> memref<1x125xi32, #tpu.memory_space<vmem>>
        %dma_wait3A_189 = tpu.memref_squeeze %dma_wait3A_188 : memref<1x125xi32, #tpu.memory_space<vmem>> -> memref<125xi32, #tpu.memory_space<vmem>>
        %dma_wait3A_190 = arith.constant 0 : i32
        %dma_wait3A_191 = arith.constant 0 : i32
        %dma_wait3A_192 = tpu.memref_slice %arg2[%dma_wait3A_190, %dma_wait3A_191] : memref<10000x128xbf16, #tpu.memory_space<hbm>> -> memref<10000x128xbf16, #tpu.memory_space<hbm>>
        tpu.wait_indirect_dma semaphore(%arg17 : memref<!tpu.dma_semaphore, #tpu.memory_space<semaphore_mem>>) src(%dma_wait3A_192 : memref<10000x128xbf16, #tpu.memory_space<hbm>>) dst(%arg13 : memref<125x128xbf16, #tpu.memory_space<vmem>>)
        %sub3A_193 = arith.constant 2 : i32
        %sub3A_194 = arith.subi %add3A_88, %sub3A_193 : i32
        %dma_start3A_195 = arith.constant 0 : i32
        %dma_start3A_196 = tpu.memref_slice %arg10[%sub3A_194, %dma_start3A_195] : memref<80x125xi32, #tpu.memory_space<vmem>> -> memref<1x125xi32, #tpu.memory_space<vmem>>
        %dma_start3A_197 = tpu.memref_squeeze %dma_start3A_196 : memref<1x125xi32, #tpu.memory_space<vmem>> -> memref<125xi32, #tpu.memory_space<vmem>>
        %dma_start3A_198 = arith.constant 0 : i32
        %dma_start3A_199 = arith.constant 0 : i32
        %dma_start3A_200 = tpu.memref_slice %arg24[%dma_start3A_198, %dma_start3A_199] : memref<10000x128xbf16, #tpu.memory_space<vmem_shared>> -> memref<10000x128xbf16, #tpu.memory_space<vmem_shared>>
        tpu.enqueue_indirect_dma source(%arg13 : memref<125x128xbf16, #tpu.memory_space<vmem>>) target(%dma_start3A_200 : memref<10000x128xbf16, #tpu.memory_space<vmem_shared>>) offsets(%dma_start3A_197 : memref<125xi32, #tpu.memory_space<vmem>>) semaphore(%arg21 : memref<!tpu.dma_semaphore, #tpu.memory_space<semaphore_mem>>) {add = true}
        "tpu.region"() ({
          %run_scoped3A_201 = tpu.sem_alloc : memref<!tpu.dma_semaphore, #tpu.memory_space<semaphore_mem>>
          %dma_start3A_202 = arith.constant 0 : i32
          %dma_start3A_203 = tpu.memref_slice %arg10[%sub3A_194, %dma_start3A_202] : memref<80x125xi32, #tpu.memory_space<vmem>> -> memref<1x125xi32, #tpu.memory_space<vmem>>
          %dma_start3A_204 = tpu.memref_squeeze %dma_start3A_203 : memref<1x125xi32, #tpu.memory_space<vmem>> -> memref<125xi32, #tpu.memory_space<vmem>>
          %dma_start3A_205 = arith.constant 0 : i32
          %dma_start3A_206 = arith.constant 0 : i32
          %dma_start3A_207 = tpu.memref_slice %arg25[%dma_start3A_205, %dma_start3A_206] : memref<10000x8xf32, #tpu.memory_space<vmem_shared>> -> memref<10000x8xf32, #tpu.memory_space<vmem_shared>>
          tpu.enqueue_indirect_dma source(%arg23 : memref<125x8xf32, #tpu.memory_space<vmem>>) target(%dma_start3A_207 : memref<10000x8xf32, #tpu.memory_space<vmem_shared>>) offsets(%dma_start3A_204 : memref<125xi32, #tpu.memory_space<vmem>>) semaphore(%run_scoped3A_201 : memref<!tpu.dma_semaphore, #tpu.memory_space<semaphore_mem>>) {add = true}
          %dma_wait3A_208 = arith.constant 0 : i32
          %dma_wait3A_209 = tpu.memref_slice %arg10[%sub3A_194, %dma_wait3A_208] : memref<80x125xi32, #tpu.memory_space<vmem>> -> memref<1x125xi32, #tpu.memory_space<vmem>>
          %dma_wait3A_210 = tpu.memref_squeeze %dma_wait3A_209 : memref<1x125xi32, #tpu.memory_space<vmem>> -> memref<125xi32, #tpu.memory_space<vmem>>
          %dma_wait3A_211 = arith.constant 0 : i32
          %dma_wait3A_212 = arith.constant 0 : i32
          %dma_wait3A_213 = tpu.memref_slice %arg25[%dma_wait3A_211, %dma_wait3A_212] : memref<10000x8xf32, #tpu.memory_space<vmem_shared>> -> memref<10000x8xf32, #tpu.memory_space<vmem_shared>>
          tpu.wait_indirect_dma semaphore(%run_scoped3A_201 : memref<!tpu.dma_semaphore, #tpu.memory_space<semaphore_mem>>) src(%arg23 : memref<125x8xf32, #tpu.memory_space<vmem>>) dst(%dma_wait3A_213 : memref<10000x8xf32, #tpu.memory_space<vmem_shared>>)
          tpu.yield
        }) : () -> ()
      } else {
      }
      %mul3A_104 = arith.constant 4 : i32
      %mul3A_105 = arith.muli %scan3A_84, %mul3A_104 : i32
      %add3A_106 = arith.constant 1 : i32
      %add3A_107 = arith.addi %mul3A_105, %add3A_106 : i32
      %gt3A_108 = arith.constant 0 : i32
      %gt3A_109 = arith.cmpi sgt, %scan3A_84, %gt3A_108 : i32
      %convert_element_type3A_110 = arith.extui %gt3A_109 : i1 to i32
      %cond3A_111 = arith.constant 0 : i32
      %cond3A_112 = arith.cmpi ne, %convert_element_type3A_110, %cond3A_111 : i32
      scf.if %cond3A_112 {
        %sub3A_185 = arith.constant 4 : i32
        %sub3A_186 = arith.subi %add3A_107, %sub3A_185 : i32
        %dma_wait3A_187 = arith.constant 0 : i32
        %dma_wait3A_188 = tpu.memref_slice %arg10[%sub3A_186, %dma_wait3A_187] : memref<80x125xi32, #tpu.memory_space<vmem>> -> memref<1x125xi32, #tpu.memory_space<vmem>>
        %dma_wait3A_189 = tpu.memref_squeeze %dma_wait3A_188 : memref<1x125xi32, #tpu.memory_space<vmem>> -> memref<125xi32, #tpu.memory_space<vmem>>
        %dma_wait3A_190 = arith.constant 0 : i32
        %dma_wait3A_191 = arith.constant 0 : i32
        %dma_wait3A_192 = tpu.memref_slice %arg24[%dma_wait3A_190, %dma_wait3A_191] : memref<10000x128xbf16, #tpu.memory_space<vmem_shared>> -> memref<10000x128xbf16, #tpu.memory_space<vmem_shared>>
        tpu.wait_indirect_dma semaphore(%arg20 : memref<!tpu.dma_semaphore, #tpu.memory_space<semaphore_mem>>) src(%arg12 : memref<125x128xbf16, #tpu.memory_space<vmem>>) dst(%dma_wait3A_192 : memref<10000x128xbf16, #tpu.memory_space<vmem_shared>>)
      } else {
      }
      %dma_start3A_113 = arith.constant 0 : i32
      %dma_start3A_114 = tpu.memref_slice %arg9[%add3A_107, %dma_start3A_113] : memref<80x125xi32, #tpu.memory_space<vmem>> -> memref<1x125xi32, #tpu.memory_space<vmem>>
      %dma_start3A_115 = tpu.memref_squeeze %dma_start3A_114 : memref<1x125xi32, #tpu.memory_space<vmem>> -> memref<125xi32, #tpu.memory_space<vmem>>
      %dma_start3A_116 = arith.constant 0 : i32
      %dma_start3A_117 = arith.constant 0 : i32
      %dma_start3A_118 = tpu.memref_slice %arg2[%dma_start3A_116, %dma_start3A_117] : memref<10000x128xbf16, #tpu.memory_space<hbm>> -> memref<10000x128xbf16, #tpu.memory_space<hbm>>
      tpu.enqueue_indirect_dma source(%dma_start3A_118 : memref<10000x128xbf16, #tpu.memory_space<hbm>>) target(%arg12 : memref<125x128xbf16, #tpu.memory_space<vmem>>) offsets(%dma_start3A_115 : memref<125xi32, #tpu.memory_space<vmem>>) semaphore(%arg16 : memref<!tpu.dma_semaphore, #tpu.memory_space<semaphore_mem>>)
      %gt3A_119 = arith.constant 0 : i32
      %gt3A_120 = arith.cmpi sgt, %scan3A_84, %gt3A_119 : i32
      %convert_element_type3A_121 = arith.extui %gt3A_120 : i1 to i32
      %cond3A_122 = arith.constant 0 : i32
      %cond3A_123 = arith.cmpi ne, %convert_element_type3A_121, %cond3A_122 : i32
      scf.if %cond3A_123 {
        %sub3A_185 = arith.constant 2 : i32
        %sub3A_186 = arith.subi %add3A_107, %sub3A_185 : i32
        %dma_wait3A_187 = arith.constant 0 : i32
        %dma_wait3A_188 = tpu.memref_slice %arg9[%sub3A_186, %dma_wait3A_187] : memref<80x125xi32, #tpu.memory_space<vmem>> -> memref<1x125xi32, #tpu.memory_space<vmem>>
        %dma_wait3A_189 = tpu.memref_squeeze %dma_wait3A_188 : memref<1x125xi32, #tpu.memory_space<vmem>> -> memref<125xi32, #tpu.memory_space<vmem>>
        %dma_wait3A_190 = arith.constant 0 : i32
        %dma_wait3A_191 = arith.constant 0 : i32
        %dma_wait3A_192 = tpu.memref_slice %arg2[%dma_wait3A_190, %dma_wait3A_191] : memref<10000x128xbf16, #tpu.memory_space<hbm>> -> memref<10000x128xbf16, #tpu.memory_space<hbm>>
        tpu.wait_indirect_dma semaphore(%arg18 : memref<!tpu.dma_semaphore, #tpu.memory_space<semaphore_mem>>) src(%dma_wait3A_192 : memref<10000x128xbf16, #tpu.memory_space<hbm>>) dst(%arg14 : memref<125x128xbf16, #tpu.memory_space<vmem>>)
        %sub3A_193 = arith.constant 2 : i32
        %sub3A_194 = arith.subi %add3A_107, %sub3A_193 : i32
        %dma_start3A_195 = arith.constant 0 : i32
        %dma_start3A_196 = tpu.memref_slice %arg10[%sub3A_194, %dma_start3A_195] : memref<80x125xi32, #tpu.memory_space<vmem>> -> memref<1x125xi32, #tpu.memory_space<vmem>>
        %dma_start3A_197 = tpu.memref_squeeze %dma_start3A_196 : memref<1x125xi32, #tpu.memory_space<vmem>> -> memref<125xi32, #tpu.memory_space<vmem>>
        %dma_start3A_198 = arith.constant 0 : i32
        %dma_start3A_199 = arith.constant 0 : i32
        %dma_start3A_200 = tpu.memref_slice %arg24[%dma_start3A_198, %dma_start3A_199] : memref<10000x128xbf16, #tpu.memory_space<vmem_shared>> -> memref<10000x128xbf16, #tpu.memory_space<vmem_shared>>
        tpu.enqueue_indirect_dma source(%arg14 : memref<125x128xbf16, #tpu.memory_space<vmem>>) target(%dma_start3A_200 : memref<10000x128xbf16, #tpu.memory_space<vmem_shared>>) offsets(%dma_start3A_197 : memref<125xi32, #tpu.memory_space<vmem>>) semaphore(%arg22 : memref<!tpu.dma_semaphore, #tpu.memory_space<semaphore_mem>>) {add = true}
        "tpu.region"() ({
          %run_scoped3A_201 = tpu.sem_alloc : memref<!tpu.dma_semaphore, #tpu.memory_space<semaphore_mem>>
          %dma_start3A_202 = arith.constant 0 : i32
          %dma_start3A_203 = tpu.memref_slice %arg10[%sub3A_194, %dma_start3A_202] : memref<80x125xi32, #tpu.memory_space<vmem>> -> memref<1x125xi32, #tpu.memory_space<vmem>>
          %dma_start3A_204 = tpu.memref_squeeze %dma_start3A_203 : memref<1x125xi32, #tpu.memory_space<vmem>> -> memref<125xi32, #tpu.memory_space<vmem>>
          %dma_start3A_205 = arith.constant 0 : i32
          %dma_start3A_206 = arith.constant 0 : i32
          %dma_start3A_207 = tpu.memref_slice %arg25[%dma_start3A_205, %dma_start3A_206] : memref<10000x8xf32, #tpu.memory_space<vmem_shared>> -> memref<10000x8xf32, #tpu.memory_space<vmem_shared>>
          tpu.enqueue_indirect_dma source(%arg23 : memref<125x8xf32, #tpu.memory_space<vmem>>) target(%dma_start3A_207 : memref<10000x8xf32, #tpu.memory_space<vmem_shared>>) offsets(%dma_start3A_204 : memref<125xi32, #tpu.memory_space<vmem>>) semaphore(%run_scoped3A_201 : memref<!tpu.dma_semaphore, #tpu.memory_space<semaphore_mem>>) {add = true}
          %dma_wait3A_208 = arith.constant 0 : i32
          %dma_wait3A_209 = tpu.memref_slice %arg10[%sub3A_194, %dma_wait3A_208] : memref<80x125xi32, #tpu.memory_space<vmem>> -> memref<1x125xi32, #tpu.memory_space<vmem>>
          %dma_wait3A_210 = tpu.memref_squeeze %dma_wait3A_209 : memref<1x125xi32, #tpu.memory_space<vmem>> -> memref<125xi32, #tpu.memory_space<vmem>>
          %dma_wait3A_211 = arith.constant 0 : i32
          %dma_wait3A_212 = arith.constant 0 : i32
          %dma_wait3A_213 = tpu.memref_slice %arg25[%dma_wait3A_211, %dma_wait3A_212] : memref<10000x8xf32, #tpu.memory_space<vmem_shared>> -> memref<10000x8xf32, #tpu.memory_space<vmem_shared>>
          tpu.wait_indirect_dma semaphore(%run_scoped3A_201 : memref<!tpu.dma_semaphore, #tpu.memory_space<semaphore_mem>>) src(%arg23 : memref<125x8xf32, #tpu.memory_space<vmem>>) dst(%dma_wait3A_213 : memref<10000x8xf32, #tpu.memory_space<vmem_shared>>)
          tpu.yield
        }) : () -> ()
      } else {
      }
      %mul3A_124 = arith.constant 4 : i32
      %mul3A_125 = arith.muli %scan3A_84, %mul3A_124 : i32
      %add3A_126 = arith.constant 2 : i32
      %add3A_127 = arith.addi %mul3A_125, %add3A_126 : i32
      %gt3A_128 = arith.constant 0 : i32
      %gt3A_129 = arith.cmpi sgt, %scan3A_84, %gt3A_128 : i32
      %convert_element_type3A_130 = arith.extui %gt3A_129 : i1 to i32
      %cond3A_131 = arith.constant 0 : i32
      %cond3A_132 = arith.cmpi ne, %convert_element_type3A_130, %cond3A_131 : i32
      scf.if %cond3A_132 {
        %sub3A_185 = arith.constant 4 : i32
        %sub3A_186 = arith.subi %add3A_127, %sub3A_185 : i32
        %dma_wait3A_187 = arith.constant 0 : i32
        %dma_wait3A_188 = tpu.memref_slice %arg10[%sub3A_186, %dma_wait3A_187] : memref<80x125xi32, #tpu.memory_space<vmem>> -> memref<1x125xi32, #tpu.memory_space<vmem>>
        %dma_wait3A_189 = tpu.memref_squeeze %dma_wait3A_188 : memref<1x125xi32, #tpu.memory_space<vmem>> -> memref<125xi32, #tpu.memory_space<vmem>>
        %dma_wait3A_190 = arith.constant 0 : i32
        %dma_wait3A_191 = arith.constant 0 : i32
        %dma_wait3A_192 = tpu.memref_slice %arg24[%dma_wait3A_190, %dma_wait3A_191] : memref<10000x128xbf16, #tpu.memory_space<vmem_shared>> -> memref<10000x128xbf16, #tpu.memory_space<vmem_shared>>
        tpu.wait_indirect_dma semaphore(%arg21 : memref<!tpu.dma_semaphore, #tpu.memory_space<semaphore_mem>>) src(%arg13 : memref<125x128xbf16, #tpu.memory_space<vmem>>) dst(%dma_wait3A_192 : memref<10000x128xbf16, #tpu.memory_space<vmem_shared>>)
      } else {
      }
      %dma_start3A_133 = arith.constant 0 : i32
      %dma_start3A_134 = tpu.memref_slice %arg9[%add3A_127, %dma_start3A_133] : memref<80x125xi32, #tpu.memory_space<vmem>> -> memref<1x125xi32, #tpu.memory_space<vmem>>
      %dma_start3A_135 = tpu.memref_squeeze %dma_start3A_134 : memref<1x125xi32, #tpu.memory_space<vmem>> -> memref<125xi32, #tpu.memory_space<vmem>>
      %dma_start3A_136 = arith.constant 0 : i32
      %dma_start3A_137 = arith.constant 0 : i32
      %dma_start3A_138 = tpu.memref_slice %arg2[%dma_start3A_136, %dma_start3A_137] : memref<10000x128xbf16, #tpu.memory_space<hbm>> -> memref<10000x128xbf16, #tpu.memory_space<hbm>>
      tpu.enqueue_indirect_dma source(%dma_start3A_138 : memref<10000x128xbf16, #tpu.memory_space<hbm>>) target(%arg13 : memref<125x128xbf16, #tpu.memory_space<vmem>>) offsets(%dma_start3A_135 : memref<125xi32, #tpu.memory_space<vmem>>) semaphore(%arg17 : memref<!tpu.dma_semaphore, #tpu.memory_space<semaphore_mem>>)
      %sub3A = arith.constant 2 : i32
      %sub3A_139 = arith.subi %add3A_127, %sub3A : i32
      %dma_wait3A_140 = arith.constant 0 : i32
      %dma_wait3A_141 = tpu.memref_slice %arg9[%sub3A_139, %dma_wait3A_140] : memref<80x125xi32, #tpu.memory_space<vmem>> -> memref<1x125xi32, #tpu.memory_space<vmem>>
      %dma_wait3A_142 = tpu.memref_squeeze %dma_wait3A_141 : memref<1x125xi32, #tpu.memory_space<vmem>> -> memref<125xi32, #tpu.memory_space<vmem>>
      %dma_wait3A_143 = arith.constant 0 : i32
      %dma_wait3A_144 = arith.constant 0 : i32
      %dma_wait3A_145 = tpu.memref_slice %arg2[%dma_wait3A_143, %dma_wait3A_144] : memref<10000x128xbf16, #tpu.memory_space<hbm>> -> memref<10000x128xbf16, #tpu.memory_space<hbm>>
      tpu.wait_indirect_dma semaphore(%arg15 : memref<!tpu.dma_semaphore, #tpu.memory_space<semaphore_mem>>) src(%dma_wait3A_145 : memref<10000x128xbf16, #tpu.memory_space<hbm>>) dst(%arg11 : memref<125x128xbf16, #tpu.memory_space<vmem>>)
      %sub3A_146 = arith.constant 2 : i32
      %sub3A_147 = arith.subi %add3A_127, %sub3A_146 : i32
      %dma_start3A_148 = arith.constant 0 : i32
      %dma_start3A_149 = tpu.memref_slice %arg10[%sub3A_147, %dma_start3A_148] : memref<80x125xi32, #tpu.memory_space<vmem>> -> memref<1x125xi32, #tpu.memory_space<vmem>>
      %dma_start3A_150 = tpu.memref_squeeze %dma_start3A_149 : memref<1x125xi32, #tpu.memory_space<vmem>> -> memref<125xi32, #tpu.memory_space<vmem>>
      %dma_start3A_151 = arith.constant 0 : i32
      %dma_start3A_152 = arith.constant 0 : i32
      %dma_start3A_153 = tpu.memref_slice %arg24[%dma_start3A_151, %dma_start3A_152] : memref<10000x128xbf16, #tpu.memory_space<vmem_shared>> -> memref<10000x128xbf16, #tpu.memory_space<vmem_shared>>
      tpu.enqueue_indirect_dma source(%arg11 : memref<125x128xbf16, #tpu.memory_space<vmem>>) target(%dma_start3A_153 : memref<10000x128xbf16, #tpu.memory_space<vmem_shared>>) offsets(%dma_start3A_150 : memref<125xi32, #tpu.memory_space<vmem>>) semaphore(%arg19 : memref<!tpu.dma_semaphore, #tpu.memory_space<semaphore_mem>>) {add = true}
      "tpu.region"() ({
        %run_scoped3A_185 = tpu.sem_alloc : memref<!tpu.dma_semaphore, #tpu.memory_space<semaphore_mem>>
        %dma_start3A_186 = arith.constant 0 : i32
        %dma_start3A_187 = tpu.memref_slice %arg10[%sub3A_147, %dma_start3A_186] : memref<80x125xi32, #tpu.memory_space<vmem>> -> memref<1x125xi32, #tpu.memory_space<vmem>>
        %dma_start3A_188 = tpu.memref_squeeze %dma_start3A_187 : memref<1x125xi32, #tpu.memory_space<vmem>> -> memref<125xi32, #tpu.memory_space<vmem>>
        %dma_start3A_189 = arith.constant 0 : i32
        %dma_start3A_190 = arith.constant 0 : i32
        %dma_start3A_191 = tpu.memref_slice %arg25[%dma_start3A_189, %dma_start3A_190] : memref<10000x8xf32, #tpu.memory_space<vmem_shared>> -> memref<10000x8xf32, #tpu.memory_space<vmem_shared>>
        tpu.enqueue_indirect_dma source(%arg23 : memref<125x8xf32, #tpu.memory_space<vmem>>) target(%dma_start3A_191 : memref<10000x8xf32, #tpu.memory_space<vmem_shared>>) offsets(%dma_start3A_188 : memref<125xi32, #tpu.memory_space<vmem>>) semaphore(%run_scoped3A_185 : memref<!tpu.dma_semaphore, #tpu.memory_space<semaphore_mem>>) {add = true}
        %dma_wait3A_192 = arith.constant 0 : i32
        %dma_wait3A_193 = tpu.memref_slice %arg10[%sub3A_147, %dma_wait3A_192] : memref<80x125xi32, #tpu.memory_space<vmem>> -> memref<1x125xi32, #tpu.memory_space<vmem>>
        %dma_wait3A_194 = tpu.memref_squeeze %dma_wait3A_193 : memref<1x125xi32, #tpu.memory_space<vmem>> -> memref<125xi32, #tpu.memory_space<vmem>>
        %dma_wait3A_195 = arith.constant 0 : i32
        %dma_wait3A_196 = arith.constant 0 : i32
        %dma_wait3A_197 = tpu.memref_slice %arg25[%dma_wait3A_195, %dma_wait3A_196] : memref<10000x8xf32, #tpu.memory_space<vmem_shared>> -> memref<10000x8xf32, #tpu.memory_space<vmem_shared>>
        tpu.wait_indirect_dma semaphore(%run_scoped3A_185 : memref<!tpu.dma_semaphore, #tpu.memory_space<semaphore_mem>>) src(%arg23 : memref<125x8xf32, #tpu.memory_space<vmem>>) dst(%dma_wait3A_197 : memref<10000x8xf32, #tpu.memory_space<vmem_shared>>)
        tpu.yield
      }) : () -> ()
      %mul3A_154 = arith.constant 4 : i32
      %mul3A_155 = arith.muli %scan3A_84, %mul3A_154 : i32
      %add3A_156 = arith.constant 3 : i32
      %add3A_157 = arith.addi %mul3A_155, %add3A_156 : i32
      %gt3A_158 = arith.constant 0 : i32
      %gt3A_159 = arith.cmpi sgt, %scan3A_84, %gt3A_158 : i32
      %convert_element_type3A_160 = arith.extui %gt3A_159 : i1 to i32
      %cond3A_161 = arith.constant 0 : i32
      %cond3A_162 = arith.cmpi ne, %convert_element_type3A_160, %cond3A_161 : i32
      scf.if %cond3A_162 {
        %sub3A_185 = arith.constant 4 : i32
        %sub3A_186 = arith.subi %add3A_157, %sub3A_185 : i32
        %dma_wait3A_187 = arith.constant 0 : i32
        %dma_wait3A_188 = tpu.memref_slice %arg10[%sub3A_186, %dma_wait3A_187] : memref<80x125xi32, #tpu.memory_space<vmem>> -> memref<1x125xi32, #tpu.memory_space<vmem>>
        %dma_wait3A_189 = tpu.memref_squeeze %dma_wait3A_188 : memref<1x125xi32, #tpu.memory_space<vmem>> -> memref<125xi32, #tpu.memory_space<vmem>>
        %dma_wait3A_190 = arith.constant 0 : i32
        %dma_wait3A_191 = arith.constant 0 : i32
        %dma_wait3A_192 = tpu.memref_slice %arg24[%dma_wait3A_190, %dma_wait3A_191] : memref<10000x128xbf16, #tpu.memory_space<vmem_shared>> -> memref<10000x128xbf16, #tpu.memory_space<vmem_shared>>
        tpu.wait_indirect_dma semaphore(%arg22 : memref<!tpu.dma_semaphore, #tpu.memory_space<semaphore_mem>>) src(%arg14 : memref<125x128xbf16, #tpu.memory_space<vmem>>) dst(%dma_wait3A_192 : memref<10000x128xbf16, #tpu.memory_space<vmem_shared>>)
      } else {
      }
      %dma_start3A_163 = arith.constant 0 : i32
      %dma_start3A_164 = tpu.memref_slice %arg9[%add3A_157, %dma_start3A_163] : memref<80x125xi32, #tpu.memory_space<vmem>> -> memref<1x125xi32, #tpu.memory_space<vmem>>
      %dma_start3A_165 = tpu.memref_squeeze %dma_start3A_164 : memref<1x125xi32, #tpu.memory_space<vmem>> -> memref<125xi32, #tpu.memory_space<vmem>>
      %dma_start3A_166 = arith.constant 0 : i32
      %dma_start3A_167 = arith.constant 0 : i32
      %dma_start3A_168 = tpu.memref_slice %arg2[%dma_start3A_166, %dma_start3A_167] : memref<10000x128xbf16, #tpu.memory_space<hbm>> -> memref<10000x128xbf16, #tpu.memory_space<hbm>>
      tpu.enqueue_indirect_dma source(%dma_start3A_168 : memref<10000x128xbf16, #tpu.memory_space<hbm>>) target(%arg14 : memref<125x128xbf16, #tpu.memory_space<vmem>>) offsets(%dma_start3A_165 : memref<125xi32, #tpu.memory_space<vmem>>) semaphore(%arg18 : memref<!tpu.dma_semaphore, #tpu.memory_space<semaphore_mem>>)
      %sub3A_169 = arith.constant 2 : i32
      %sub3A_170 = arith.subi %add3A_157, %sub3A_169 : i32
      %dma_wait3A_171 = arith.constant 0 : i32
      %dma_wait3A_172 = tpu.memref_slice %arg9[%sub3A_170, %dma_wait3A_171] : memref<80x125xi32, #tpu.memory_space<vmem>> -> memref<1x125xi32, #tpu.memory_space<vmem>>
      %dma_wait3A_173 = tpu.memref_squeeze %dma_wait3A_172 : memref<1x125xi32, #tpu.memory_space<vmem>> -> memref<125xi32, #tpu.memory_space<vmem>>
      %dma_wait3A_174 = arith.constant 0 : i32
      %dma_wait3A_175 = arith.constant 0 : i32
      %dma_wait3A_176 = tpu.memref_slice %arg2[%dma_wait3A_174, %dma_wait3A_175] : memref<10000x128xbf16, #tpu.memory_space<hbm>> -> memref<10000x128xbf16, #tpu.memory_space<hbm>>
      tpu.wait_indirect_dma semaphore(%arg16 : memref<!tpu.dma_semaphore, #tpu.memory_space<semaphore_mem>>) src(%dma_wait3A_176 : memref<10000x128xbf16, #tpu.memory_space<hbm>>) dst(%arg12 : memref<125x128xbf16, #tpu.memory_space<vmem>>)
      %sub3A_177 = arith.constant 2 : i32
      %sub3A_178 = arith.subi %add3A_157, %sub3A_177 : i32
      %dma_start3A_179 = arith.constant 0 : i32
      %dma_start3A_180 = tpu.memref_slice %arg10[%sub3A_178, %dma_start3A_179] : memref<80x125xi32, #tpu.memory_space<vmem>> -> memref<1x125xi32, #tpu.memory_space<vmem>>
      %dma_start3A_181 = tpu.memref_squeeze %dma_start3A_180 : memref<1x125xi32, #tpu.memory_space<vmem>> -> memref<125xi32, #tpu.memory_space<vmem>>
      %dma_start3A_182 = arith.constant 0 : i32
      %dma_start3A_183 = arith.constant 0 : i32
      %dma_start3A_184 = tpu.memref_slice %arg24[%dma_start3A_182, %dma_start3A_183] : memref<10000x128xbf16, #tpu.memory_space<vmem_shared>> -> memref<10000x128xbf16, #tpu.memory_space<vmem_shared>>
      tpu.enqueue_indirect_dma source(%arg12 : memref<125x128xbf16, #tpu.memory_space<vmem>>) target(%dma_start3A_184 : memref<10000x128xbf16, #tpu.memory_space<vmem_shared>>) offsets(%dma_start3A_181 : memref<125xi32, #tpu.memory_space<vmem>>) semaphore(%arg20 : memref<!tpu.dma_semaphore, #tpu.memory_space<semaphore_mem>>) {add = true}
      "tpu.region"() ({
        %run_scoped3A_185 = tpu.sem_alloc : memref<!tpu.dma_semaphore, #tpu.memory_space<semaphore_mem>>
        %dma_start3A_186 = arith.constant 0 : i32
        %dma_start3A_187 = tpu.memref_slice %arg10[%sub3A_178, %dma_start3A_186] : memref<80x125xi32, #tpu.memory_space<vmem>> -> memref<1x125xi32, #tpu.memory_space<vmem>>
        %dma_start3A_188 = tpu.memref_squeeze %dma_start3A_187 : memref<1x125xi32, #tpu.memory_space<vmem>> -> memref<125xi32, #tpu.memory_space<vmem>>
        %dma_start3A_189 = arith.constant 0 : i32
        %dma_start3A_190 = arith.constant 0 : i32
        %dma_start3A_191 = tpu.memref_slice %arg25[%dma_start3A_189, %dma_start3A_190] : memref<10000x8xf32, #tpu.memory_space<vmem_shared>> -> memref<10000x8xf32, #tpu.memory_space<vmem_shared>>
        tpu.enqueue_indirect_dma source(%arg23 : memref<125x8xf32, #tpu.memory_space<vmem>>) target(%dma_start3A_191 : memref<10000x8xf32, #tpu.memory_space<vmem_shared>>) offsets(%dma_start3A_188 : memref<125xi32, #tpu.memory_space<vmem>>) semaphore(%run_scoped3A_185 : memref<!tpu.dma_semaphore, #tpu.memory_space<semaphore_mem>>) {add = true}
        %dma_wait3A_192 = arith.constant 0 : i32
        %dma_wait3A_193 = tpu.memref_slice %arg10[%sub3A_178, %dma_wait3A_192] : memref<80x125xi32, #tpu.memory_space<vmem>> -> memref<1x125xi32, #tpu.memory_space<vmem>>
        %dma_wait3A_194 = tpu.memref_squeeze %dma_wait3A_193 : memref<1x125xi32, #tpu.memory_space<vmem>> -> memref<125xi32, #tpu.memory_space<vmem>>
        %dma_wait3A_195 = arith.constant 0 : i32
        %dma_wait3A_196 = arith.constant 0 : i32
        %dma_wait3A_197 = tpu.memref_slice %arg25[%dma_wait3A_195, %dma_wait3A_196] : memref<10000x8xf32, #tpu.memory_space<vmem_shared>> -> memref<10000x8xf32, #tpu.memory_space<vmem_shared>>
        tpu.wait_indirect_dma semaphore(%run_scoped3A_185 : memref<!tpu.dma_semaphore, #tpu.memory_space<semaphore_mem>>) src(%arg23 : memref<125x8xf32, #tpu.memory_space<vmem>>) dst(%dma_wait3A_197 : memref<10000x8xf32, #tpu.memory_space<vmem_shared>>)
        tpu.yield
      }) : () -> ()
    }
    %scan3A_16 = arith.constant 20 : i32
    %dma_wait3A = arith.constant 78 : i32
    %dma_wait3A_17 = arith.constant 0 : i32
    %dma_wait3A_18 = tpu.memref_slice %arg9[%dma_wait3A, %dma_wait3A_17] : memref<80x125xi32, #tpu.memory_space<vmem>> -> memref<1x125xi32, #tpu.memory_space<vmem>>
    %dma_wait3A_19 = tpu.memref_squeeze %dma_wait3A_18 : memref<1x125xi32, #tpu.memory_space<vmem>> -> memref<125xi32, #tpu.memory_space<vmem>>
    %dma_wait3A_20 = arith.constant 0 : i32
    %dma_wait3A_21 = arith.constant 0 : i32
    %dma_wait3A_22 = tpu.memref_slice %arg2[%dma_wait3A_20, %dma_wait3A_21] : memref<10000x128xbf16, #tpu.memory_space<hbm>> -> memref<10000x128xbf16, #tpu.memory_space<hbm>>
    tpu.wait_indirect_dma semaphore(%arg17 : memref<!tpu.dma_semaphore, #tpu.memory_space<semaphore_mem>>) src(%dma_wait3A_22 : memref<10000x128xbf16, #tpu.memory_space<hbm>>) dst(%arg13 : memref<125x128xbf16, #tpu.memory_space<vmem>>)
    %dma_start3A = arith.constant 78 : i32
    %dma_start3A_23 = arith.constant 0 : i32
    %dma_start3A_24 = tpu.memref_slice %arg10[%dma_start3A, %dma_start3A_23] : memref<80x125xi32, #tpu.memory_space<vmem>> -> memref<1x125xi32, #tpu.memory_space<vmem>>
    %dma_start3A_25 = tpu.memref_squeeze %dma_start3A_24 : memref<1x125xi32, #tpu.memory_space<vmem>> -> memref<125xi32, #tpu.memory_space<vmem>>
    %dma_start3A_26 = arith.constant 0 : i32
    %dma_start3A_27 = arith.constant 0 : i32
    %dma_start3A_28 = tpu.memref_slice %arg24[%dma_start3A_26, %dma_start3A_27] : memref<10000x128xbf16, #tpu.memory_space<vmem_shared>> -> memref<10000x128xbf16, #tpu.memory_space<vmem_shared>>
    tpu.enqueue_indirect_dma source(%arg13 : memref<125x128xbf16, #tpu.memory_space<vmem>>) target(%dma_start3A_28 : memref<10000x128xbf16, #tpu.memory_space<vmem_shared>>) offsets(%dma_start3A_25 : memref<125xi32, #tpu.memory_space<vmem>>) semaphore(%arg21 : memref<!tpu.dma_semaphore, #tpu.memory_space<semaphore_mem>>) {add = true}
    %run_scoped3A_29 = arith.constant 78 : i32
    "tpu.region"() ({
      %run_scoped3A_84 = tpu.sem_alloc : memref<!tpu.dma_semaphore, #tpu.memory_space<semaphore_mem>>
      %dma_start3A_85 = arith.constant 0 : i32
      %dma_start3A_86 = tpu.memref_slice %arg10[%run_scoped3A_29, %dma_start3A_85] : memref<80x125xi32, #tpu.memory_space<vmem>> -> memref<1x125xi32, #tpu.memory_space<vmem>>
      %dma_start3A_87 = tpu.memref_squeeze %dma_start3A_86 : memref<1x125xi32, #tpu.memory_space<vmem>> -> memref<125xi32, #tpu.memory_space<vmem>>
      %dma_start3A_88 = arith.constant 0 : i32
      %dma_start3A_89 = arith.constant 0 : i32
      %dma_start3A_90 = tpu.memref_slice %arg25[%dma_start3A_88, %dma_start3A_89] : memref<10000x8xf32, #tpu.memory_space<vmem_shared>> -> memref<10000x8xf32, #tpu.memory_space<vmem_shared>>
      tpu.enqueue_indirect_dma source(%arg23 : memref<125x8xf32, #tpu.memory_space<vmem>>) target(%dma_start3A_90 : memref<10000x8xf32, #tpu.memory_space<vmem_shared>>) offsets(%dma_start3A_87 : memref<125xi32, #tpu.memory_space<vmem>>) semaphore(%run_scoped3A_84 : memref<!tpu.dma_semaphore, #tpu.memory_space<semaphore_mem>>) {add = true}
      %dma_wait3A_91 = arith.constant 0 : i32
      %dma_wait3A_92 = tpu.memref_slice %arg10[%run_scoped3A_29, %dma_wait3A_91] : memref<80x125xi32, #tpu.memory_space<vmem>> -> memref<1x125xi32, #tpu.memory_space<vmem>>
      %dma_wait3A_93 = tpu.memref_squeeze %dma_wait3A_92 : memref<1x125xi32, #tpu.memory_space<vmem>> -> memref<125xi32, #tpu.memory_space<vmem>>
      %dma_wait3A_94 = arith.constant 0 : i32
      %dma_wait3A_95 = arith.constant 0 : i32
      %dma_wait3A_96 = tpu.memref_slice %arg25[%dma_wait3A_94, %dma_wait3A_95] : memref<10000x8xf32, #tpu.memory_space<vmem_shared>> -> memref<10000x8xf32, #tpu.memory_space<vmem_shared>>
      tpu.wait_indirect_dma semaphore(%run_scoped3A_84 : memref<!tpu.dma_semaphore, #tpu.memory_space<semaphore_mem>>) src(%arg23 : memref<125x8xf32, #tpu.memory_space<vmem>>) dst(%dma_wait3A_96 : memref<10000x8xf32, #tpu.memory_space<vmem_shared>>)
      tpu.yield
    }) : () -> ()
    %dma_wait3A_30 = arith.constant 79 : i32
    %dma_wait3A_31 = arith.constant 0 : i32
    %dma_wait3A_32 = tpu.memref_slice %arg9[%dma_wait3A_30, %dma_wait3A_31] : memref<80x125xi32, #tpu.memory_space<vmem>> -> memref<1x125xi32, #tpu.memory_space<vmem>>
    %dma_wait3A_33 = tpu.memref_squeeze %dma_wait3A_32 : memref<1x125xi32, #tpu.memory_space<vmem>> -> memref<125xi32, #tpu.memory_space<vmem>>
    %dma_wait3A_34 = arith.constant 0 : i32
    %dma_wait3A_35 = arith.constant 0 : i32
    %dma_wait3A_36 = tpu.memref_slice %arg2[%dma_wait3A_34, %dma_wait3A_35] : memref<10000x128xbf16, #tpu.memory_space<hbm>> -> memref<10000x128xbf16, #tpu.memory_space<hbm>>
    tpu.wait_indirect_dma semaphore(%arg18 : memref<!tpu.dma_semaphore, #tpu.memory_space<semaphore_mem>>) src(%dma_wait3A_36 : memref<10000x128xbf16, #tpu.memory_space<hbm>>) dst(%arg14 : memref<125x128xbf16, #tpu.memory_space<vmem>>)
    %dma_start3A_37 = arith.constant 79 : i32
    %dma_start3A_38 = arith.constant 0 : i32
    %dma_start3A_39 = tpu.memref_slice %arg10[%dma_start3A_37, %dma_start3A_38] : memref<80x125xi32, #tpu.memory_space<vmem>> -> memref<1x125xi32, #tpu.memory_space<vmem>>
    %dma_start3A_40 = tpu.memref_squeeze %dma_start3A_39 : memref<1x125xi32, #tpu.memory_space<vmem>> -> memref<125xi32, #tpu.memory_space<vmem>>
    %dma_start3A_41 = arith.constant 0 : i32
    %dma_start3A_42 = arith.constant 0 : i32
    %dma_start3A_43 = tpu.memref_slice %arg24[%dma_start3A_41, %dma_start3A_42] : memref<10000x128xbf16, #tpu.memory_space<vmem_shared>> -> memref<10000x128xbf16, #tpu.memory_space<vmem_shared>>
    tpu.enqueue_indirect_dma source(%arg14 : memref<125x128xbf16, #tpu.memory_space<vmem>>) target(%dma_start3A_43 : memref<10000x128xbf16, #tpu.memory_space<vmem_shared>>) offsets(%dma_start3A_40 : memref<125xi32, #tpu.memory_space<vmem>>) semaphore(%arg22 : memref<!tpu.dma_semaphore, #tpu.memory_space<semaphore_mem>>) {add = true}
    %run_scoped3A_44 = arith.constant 79 : i32
    "tpu.region"() ({
      %run_scoped3A_84 = tpu.sem_alloc : memref<!tpu.dma_semaphore, #tpu.memory_space<semaphore_mem>>
      %dma_start3A_85 = arith.constant 0 : i32
      %dma_start3A_86 = tpu.memref_slice %arg10[%run_scoped3A_44, %dma_start3A_85] : memref<80x125xi32, #tpu.memory_space<vmem>> -> memref<1x125xi32, #tpu.memory_space<vmem>>
      %dma_start3A_87 = tpu.memref_squeeze %dma_start3A_86 : memref<1x125xi32, #tpu.memory_space<vmem>> -> memref<125xi32, #tpu.memory_space<vmem>>
      %dma_start3A_88 = arith.constant 0 : i32
      %dma_start3A_89 = arith.constant 0 : i32
      %dma_start3A_90 = tpu.memref_slice %arg25[%dma_start3A_88, %dma_start3A_89] : memref<10000x8xf32, #tpu.memory_space<vmem_shared>> -> memref<10000x8xf32, #tpu.memory_space<vmem_shared>>
      tpu.enqueue_indirect_dma source(%arg23 : memref<125x8xf32, #tpu.memory_space<vmem>>) target(%dma_start3A_90 : memref<10000x8xf32, #tpu.memory_space<vmem_shared>>) offsets(%dma_start3A_87 : memref<125xi32, #tpu.memory_space<vmem>>) semaphore(%run_scoped3A_84 : memref<!tpu.dma_semaphore, #tpu.memory_space<semaphore_mem>>) {add = true}
      %dma_wait3A_91 = arith.constant 0 : i32
      %dma_wait3A_92 = tpu.memref_slice %arg10[%run_scoped3A_44, %dma_wait3A_91] : memref<80x125xi32, #tpu.memory_space<vmem>> -> memref<1x125xi32, #tpu.memory_space<vmem>>
      %dma_wait3A_93 = tpu.memref_squeeze %dma_wait3A_92 : memref<1x125xi32, #tpu.memory_space<vmem>> -> memref<125xi32, #tpu.memory_space<vmem>>
      %dma_wait3A_94 = arith.constant 0 : i32
      %dma_wait3A_95 = arith.constant 0 : i32
      %dma_wait3A_96 = tpu.memref_slice %arg25[%dma_wait3A_94, %dma_wait3A_95] : memref<10000x8xf32, #tpu.memory_space<vmem_shared>> -> memref<10000x8xf32, #tpu.memory_space<vmem_shared>>
      tpu.wait_indirect_dma semaphore(%run_scoped3A_84 : memref<!tpu.dma_semaphore, #tpu.memory_space<semaphore_mem>>) src(%arg23 : memref<125x8xf32, #tpu.memory_space<vmem>>) dst(%dma_wait3A_96 : memref<10000x8xf32, #tpu.memory_space<vmem_shared>>)
      tpu.yield
    }) : () -> ()
    %dma_wait3A_45 = arith.constant 76 : i32
    %dma_wait3A_46 = arith.constant 0 : i32
    %dma_wait3A_47 = tpu.memref_slice %arg10[%dma_wait3A_45, %dma_wait3A_46] : memref<80x125xi32, #tpu.memory_space<vmem>> -> memref<1x125xi32, #tpu.memory_space<vmem>>
    %dma_wait3A_48 = tpu.memref_squeeze %dma_wait3A_47 : memref<1x125xi32, #tpu.memory_space<vmem>> -> memref<125xi32, #tpu.memory_space<vmem>>
    %dma_wait3A_49 = arith.constant 0 : i32
    %dma_wait3A_50 = arith.constant 0 : i32
    %dma_wait3A_51 = tpu.memref_slice %arg24[%dma_wait3A_49, %dma_wait3A_50] : memref<10000x128xbf16, #tpu.memory_space<vmem_shared>> -> memref<10000x128xbf16, #tpu.memory_space<vmem_shared>>
    tpu.wait_indirect_dma semaphore(%arg19 : memref<!tpu.dma_semaphore, #tpu.memory_space<semaphore_mem>>) src(%arg11 : memref<125x128xbf16, #tpu.memory_space<vmem>>) dst(%dma_wait3A_51 : memref<10000x128xbf16, #tpu.memory_space<vmem_shared>>)
    %dma_wait3A_52 = arith.constant 77 : i32
    %dma_wait3A_53 = arith.constant 0 : i32
    %dma_wait3A_54 = tpu.memref_slice %arg10[%dma_wait3A_52, %dma_wait3A_53] : memref<80x125xi32, #tpu.memory_space<vmem>> -> memref<1x125xi32, #tpu.memory_space<vmem>>
    %dma_wait3A_55 = tpu.memref_squeeze %dma_wait3A_54 : memref<1x125xi32, #tpu.memory_space<vmem>> -> memref<125xi32, #tpu.memory_space<vmem>>
    %dma_wait3A_56 = arith.constant 0 : i32
    %dma_wait3A_57 = arith.constant 0 : i32
    %dma_wait3A_58 = tpu.memref_slice %arg24[%dma_wait3A_56, %dma_wait3A_57] : memref<10000x128xbf16, #tpu.memory_space<vmem_shared>> -> memref<10000x128xbf16, #tpu.memory_space<vmem_shared>>
    tpu.wait_indirect_dma semaphore(%arg20 : memref<!tpu.dma_semaphore, #tpu.memory_space<semaphore_mem>>) src(%arg12 : memref<125x128xbf16, #tpu.memory_space<vmem>>) dst(%dma_wait3A_58 : memref<10000x128xbf16, #tpu.memory_space<vmem_shared>>)
    %dma_wait3A_59 = arith.constant 78 : i32
    %dma_wait3A_60 = arith.constant 0 : i32
    %dma_wait3A_61 = tpu.memref_slice %arg10[%dma_wait3A_59, %dma_wait3A_60] : memref<80x125xi32, #tpu.memory_space<vmem>> -> memref<1x125xi32, #tpu.memory_space<vmem>>
    %dma_wait3A_62 = tpu.memref_squeeze %dma_wait3A_61 : memref<1x125xi32, #tpu.memory_space<vmem>> -> memref<125xi32, #tpu.memory_space<vmem>>
    %dma_wait3A_63 = arith.constant 0 : i32
    %dma_wait3A_64 = arith.constant 0 : i32
    %dma_wait3A_65 = tpu.memref_slice %arg24[%dma_wait3A_63, %dma_wait3A_64] : memref<10000x128xbf16, #tpu.memory_space<vmem_shared>> -> memref<10000x128xbf16, #tpu.memory_space<vmem_shared>>
    tpu.wait_indirect_dma semaphore(%arg21 : memref<!tpu.dma_semaphore, #tpu.memory_space<semaphore_mem>>) src(%arg13 : memref<125x128xbf16, #tpu.memory_space<vmem>>) dst(%dma_wait3A_65 : memref<10000x128xbf16, #tpu.memory_space<vmem_shared>>)
    %dma_wait3A_66 = arith.constant 79 : i32
    %dma_wait3A_67 = arith.constant 0 : i32
    %dma_wait3A_68 = tpu.memref_slice %arg10[%dma_wait3A_66, %dma_wait3A_67] : memref<80x125xi32, #tpu.memory_space<vmem>> -> memref<1x125xi32, #tpu.memory_space<vmem>>
    %dma_wait3A_69 = tpu.memref_squeeze %dma_wait3A_68 : memref<1x125xi32, #tpu.memory_space<vmem>> -> memref<125xi32, #tpu.memory_space<vmem>>
    %dma_wait3A_70 = arith.constant 0 : i32
    %dma_wait3A_71 = arith.constant 0 : i32
    %dma_wait3A_72 = tpu.memref_slice %arg24[%dma_wait3A_70, %dma_wait3A_71] : memref<10000x128xbf16, #tpu.memory_space<vmem_shared>> -> memref<10000x128xbf16, #tpu.memory_space<vmem_shared>>
    tpu.wait_indirect_dma semaphore(%arg22 : memref<!tpu.dma_semaphore, #tpu.memory_space<semaphore_mem>>) src(%arg14 : memref<125x128xbf16, #tpu.memory_space<vmem>>) dst(%dma_wait3A_72 : memref<10000x128xbf16, #tpu.memory_space<vmem_shared>>)
    %barrier3A_73 = arith.constant 0 : index
    tpu.barrier barrier_id(%barrier3A_73)
    %lt3A_74 = arith.constant 15 : i32
    %lt3A_75 = arith.cmpi slt, %arg1, %lt3A_74 : i32
    %convert_element_type3A_76 = arith.extui %lt3A_75 : i1 to i32
    %cond3A_77 = arith.constant 0 : i32
    %cond3A_78 = arith.cmpi ne, %convert_element_type3A_76, %cond3A_77 : i32
    scf.if %cond3A_78 {
      %mul3A_84 = arith.constant 640 : i32
      %mul3A_85 = arith.muli %arg1, %mul3A_84 : i32
      %mul3A_86 = arith.constant 128 : i32
      %mul3A_87 = arith.muli %arg0, %mul3A_86 : i32
      "tpu.region"() ({
        %run_scoped3A_88 = tpu.sem_alloc : memref<!tpu.dma_semaphore, #tpu.memory_space<semaphore_mem>>
        %dma_start3A_89 = tpu.memref_slice %arg7[%mul3A_85, %mul3A_87] : memref<10000x256xbf16, #tpu.memory_space<hbm>> -> memref<640x128xbf16, #tpu.memory_space<hbm>>
        %dma_start3A_90 = arith.constant 0 : i32
        %dma_start3A_91 = tpu.memref_slice %arg24[%mul3A_85, %dma_start3A_90] : memref<10000x128xbf16, #tpu.memory_space<vmem_shared>> -> memref<640x128xbf16, #tpu.memory_space<vmem_shared>>
        tpu.enqueue_dma source(%dma_start3A_91 : memref<640x128xbf16, #tpu.memory_space<vmem_shared>>) target(%dma_start3A_89 : memref<640x128xbf16, #tpu.memory_space<hbm>>) target_semaphore(%run_scoped3A_88 : memref<!tpu.dma_semaphore, #tpu.memory_space<semaphore_mem>>)
        %dma_wait3A_92 = tpu.memref_slice %arg7[%mul3A_85, %mul3A_87] : memref<10000x256xbf16, #tpu.memory_space<hbm>> -> memref<640x128xbf16, #tpu.memory_space<hbm>>
        %dma_wait3A_93 = arith.constant 0 : i32
        %dma_wait3A_94 = tpu.memref_slice %arg24[%mul3A_85, %dma_wait3A_93] : memref<10000x128xbf16, #tpu.memory_space<vmem_shared>> -> memref<640x128xbf16, #tpu.memory_space<vmem_shared>>
        tpu.wait_dma2 semaphore(%run_scoped3A_88 : memref<!tpu.dma_semaphore, #tpu.memory_space<semaphore_mem>>) src(%dma_wait3A_94 : memref<640x128xbf16, #tpu.memory_space<vmem_shared>>) dst(%dma_wait3A_92 : memref<640x128xbf16, #tpu.memory_space<hbm>>)
        tpu.yield
      }) : () -> ()
      "tpu.region"() ({
        %run_scoped3A_88 = tpu.sem_alloc : memref<!tpu.dma_semaphore, #tpu.memory_space<semaphore_mem>>
        %dma_start3A_89 = arith.constant 0 : i32
        %dma_start3A_90 = arith.constant 0 : i32
        %dma_start3A_91 = tpu.memref_slice %arg8[%arg0, %dma_start3A_89, %dma_start3A_90] : memref<2x10000x8xf32, #tpu.memory_space<hbm>> -> memref<1x10000x8xf32, #tpu.memory_space<hbm>>
        %dma_start3A_92 = tpu.memref_squeeze %dma_start3A_91 : memref<1x10000x8xf32, #tpu.memory_space<hbm>> -> memref<10000x8xf32, #tpu.memory_space<hbm>>
        %dma_start3A_93 = arith.constant 0 : i32
        %dma_start3A_94 = tpu.memref_slice %dma_start3A_92[%mul3A_85, %dma_start3A_93] : memref<10000x8xf32, #tpu.memory_space<hbm>> -> memref<640x8xf32, #tpu.memory_space<hbm>>
        %dma_start3A_95 = arith.constant 0 : i32
        %dma_start3A_96 = tpu.memref_slice %arg25[%mul3A_85, %dma_start3A_95] : memref<10000x8xf32, #tpu.memory_space<vmem_shared>> -> memref<640x8xf32, #tpu.memory_space<vmem_shared>>
        tpu.enqueue_dma source(%dma_start3A_96 : memref<640x8xf32, #tpu.memory_space<vmem_shared>>) target(%dma_start3A_94 : memref<640x8xf32, #tpu.memory_space<hbm>>) target_semaphore(%run_scoped3A_88 : memref<!tpu.dma_semaphore, #tpu.memory_space<semaphore_mem>>)
        %dma_wait3A_97 = arith.constant 0 : i32
        %dma_wait3A_98 = arith.constant 0 : i32
        %dma_wait3A_99 = tpu.memref_slice %arg8[%arg0, %dma_wait3A_97, %dma_wait3A_98] : memref<2x10000x8xf32, #tpu.memory_space<hbm>> -> memref<1x10000x8xf32, #tpu.memory_space<hbm>>
        %dma_wait3A_100 = tpu.memref_squeeze %dma_wait3A_99 : memref<1x10000x8xf32, #tpu.memory_space<hbm>> -> memref<10000x8xf32, #tpu.memory_space<hbm>>
        %dma_wait3A_101 = arith.constant 0 : i32
        %dma_wait3A_102 = tpu.memref_slice %dma_wait3A_100[%mul3A_85, %dma_wait3A_101] : memref<10000x8xf32, #tpu.memory_space<hbm>> -> memref<640x8xf32, #tpu.memory_space<hbm>>
        %dma_wait3A_103 = arith.constant 0 : i32
        %dma_wait3A_104 = tpu.memref_slice %arg25[%mul3A_85, %dma_wait3A_103] : memref<10000x8xf32, #tpu.memory_space<vmem_shared>> -> memref<640x8xf32, #tpu.memory_space<vmem_shared>>
        tpu.wait_dma2 semaphore(%run_scoped3A_88 : memref<!tpu.dma_semaphore, #tpu.memory_space<semaphore_mem>>) src(%dma_wait3A_104 : memref<640x8xf32, #tpu.memory_space<vmem_shared>>) dst(%dma_wait3A_102 : memref<640x8xf32, #tpu.memory_space<hbm>>)
        tpu.yield
      }) : () -> ()
    } else {
    }
    %eq3A_79 = arith.constant 15 : i32
    %eq3A_80 = arith.cmpi eq, %arg1, %eq3A_79 : i32
    %convert_element_type3A_81 = arith.extui %eq3A_80 : i1 to i32
    %cond3A_82 = arith.constant 0 : i32
    %cond3A_83 = arith.cmpi ne, %convert_element_type3A_81, %cond3A_82 : i32
    scf.if %cond3A_83 {
      %mul3A_84 = arith.constant 128 : i32
      %mul3A_85 = arith.muli %arg0, %mul3A_84 : i32
      "tpu.region"() ({
        %run_scoped3A_86 = tpu.sem_alloc : memref<!tpu.dma_semaphore, #tpu.memory_space<semaphore_mem>>
        %dma_start3A_87 = arith.constant 9600 : i32
        %dma_start3A_88 = tpu.memref_slice %arg7[%dma_start3A_87, %mul3A_85] : memref<10000x256xbf16, #tpu.memory_space<hbm>> -> memref<400x128xbf16, #tpu.memory_space<hbm>>
        %dma_start3A_89 = arith.constant 9600 : i32
        %dma_start3A_90 = arith.constant 0 : i32
        %dma_start3A_91 = tpu.memref_slice %arg24[%dma_start3A_89, %dma_start3A_90] : memref<10000x128xbf16, #tpu.memory_space<vmem_shared>> -> memref<400x128xbf16, #tpu.memory_space<vmem_shared>>
        tpu.enqueue_dma source(%dma_start3A_91 : memref<400x128xbf16, #tpu.memory_space<vmem_shared>>) target(%dma_start3A_88 : memref<400x128xbf16, #tpu.memory_space<hbm>>) target_semaphore(%run_scoped3A_86 : memref<!tpu.dma_semaphore, #tpu.memory_space<semaphore_mem>>)
        %dma_wait3A_92 = arith.constant 9600 : i32
        %dma_wait3A_93 = tpu.memref_slice %arg7[%dma_wait3A_92, %mul3A_85] : memref<10000x256xbf16, #tpu.memory_space<hbm>> -> memref<400x128xbf16, #tpu.memory_space<hbm>>
        %dma_wait3A_94 = arith.constant 9600 : i32
        %dma_wait3A_95 = arith.constant 0 : i32
        %dma_wait3A_96 = tpu.memref_slice %arg24[%dma_wait3A_94, %dma_wait3A_95] : memref<10000x128xbf16, #tpu.memory_space<vmem_shared>> -> memref<400x128xbf16, #tpu.memory_space<vmem_shared>>
        tpu.wait_dma2 semaphore(%run_scoped3A_86 : memref<!tpu.dma_semaphore, #tpu.memory_space<semaphore_mem>>) src(%dma_wait3A_96 : memref<400x128xbf16, #tpu.memory_space<vmem_shared>>) dst(%dma_wait3A_93 : memref<400x128xbf16, #tpu.memory_space<hbm>>)
        tpu.yield
      }) : () -> ()
      "tpu.region"() ({
        %run_scoped3A_86 = tpu.sem_alloc : memref<!tpu.dma_semaphore, #tpu.memory_space<semaphore_mem>>
        %dma_start3A_87 = arith.constant 0 : i32
        %dma_start3A_88 = arith.constant 0 : i32
        %dma_start3A_89 = tpu.memref_slice %arg8[%arg0, %dma_start3A_87, %dma_start3A_88] : memref<2x10000x8xf32, #tpu.memory_space<hbm>> -> memref<1x10000x8xf32, #tpu.memory_space<hbm>>
        %dma_start3A_90 = tpu.memref_squeeze %dma_start3A_89 : memref<1x10000x8xf32, #tpu.memory_space<hbm>> -> memref<10000x8xf32, #tpu.memory_space<hbm>>
        %dma_start3A_91 = arith.constant 9600 : i32
        %dma_start3A_92 = arith.constant 0 : i32
        %dma_start3A_93 = tpu.memref_slice %dma_start3A_90[%dma_start3A_91, %dma_start3A_92] : memref<10000x8xf32, #tpu.memory_space<hbm>> -> memref<400x8xf32, #tpu.memory_space<hbm>>
        %dma_start3A_94 = arith.constant 9600 : i32
        %dma_start3A_95 = arith.constant 0 : i32
        %dma_start3A_96 = tpu.memref_slice %arg25[%dma_start3A_94, %dma_start3A_95] : memref<10000x8xf32, #tpu.memory_space<vmem_shared>> -> memref<400x8xf32, #tpu.memory_space<vmem_shared>>
        tpu.enqueue_dma source(%dma_start3A_96 : memref<400x8xf32, #tpu.memory_space<vmem_shared>>) target(%dma_start3A_93 : memref<400x8xf32, #tpu.memory_space<hbm>>) target_semaphore(%run_scoped3A_86 : memref<!tpu.dma_semaphore, #tpu.memory_space<semaphore_mem>>)
        %dma_wait3A_97 = arith.constant 0 : i32
        %dma_wait3A_98 = arith.constant 0 : i32
        %dma_wait3A_99 = tpu.memref_slice %arg8[%arg0, %dma_wait3A_97, %dma_wait3A_98] : memref<2x10000x8xf32, #tpu.memory_space<hbm>> -> memref<1x10000x8xf32, #tpu.memory_space<hbm>>
        %dma_wait3A_100 = tpu.memref_squeeze %dma_wait3A_99 : memref<1x10000x8xf32, #tpu.memory_space<hbm>> -> memref<10000x8xf32, #tpu.memory_space<hbm>>
        %dma_wait3A_101 = arith.constant 9600 : i32
        %dma_wait3A_102 = arith.constant 0 : i32
        %dma_wait3A_103 = tpu.memref_slice %dma_wait3A_100[%dma_wait3A_101, %dma_wait3A_102] : memref<10000x8xf32, #tpu.memory_space<hbm>> -> memref<400x8xf32, #tpu.memory_space<hbm>>
        %dma_wait3A_104 = arith.constant 9600 : i32
        %dma_wait3A_105 = arith.constant 0 : i32
        %dma_wait3A_106 = tpu.memref_slice %arg25[%dma_wait3A_104, %dma_wait3A_105] : memref<10000x8xf32, #tpu.memory_space<vmem_shared>> -> memref<400x8xf32, #tpu.memory_space<vmem_shared>>
        tpu.wait_dma2 semaphore(%run_scoped3A_86 : memref<!tpu.dma_semaphore, #tpu.memory_space<semaphore_mem>>) src(%dma_wait3A_106 : memref<400x8xf32, #tpu.memory_space<vmem_shared>>) dst(%dma_wait3A_103 : memref<400x8xf32, #tpu.memory_space<hbm>>)
        tpu.yield
      }) : () -> ()
    } else {
    }
    return
  }
}

#map = affine_map<(d0, d1) -> (0, 0)>
#map1 = affine_map<(d0, d1) -> (0, 0, 0)>
module attributes {stable_mosaic.version = 14 : i64} {
  func.func @body(%arg0: i32, %arg1: i32, %arg2: memref<10000x128xbf16, #tpu.memory_space<hbm>>, %arg3: memref<2x2560x125xi32, #tpu.memory_space<hbm>>, %arg4: memref<640x128xbf16, #tpu.memory_space<hbm>>, %arg5: memref<640x8xf32, #tpu.memory_space<hbm>>, %arg6: memref<125x8xf32, #tpu.memory_space<hbm>>, %arg7: memref<10000x256xbf16, #tpu.memory_space<hbm>>, %arg8: memref<80x125xi32, #tpu.memory_space<vmem>>, %arg9: memref<80x125xi32, #tpu.memory_space<vmem>>, %arg10: memref<125x128xbf16, #tpu.memory_space<vmem>>, %arg11: memref<125x128xbf16, #tpu.memory_space<vmem>>, %arg12: memref<125x128xbf16, #tpu.memory_space<vmem>>, %arg13: memref<125x128xbf16, #tpu.memory_space<vmem>>, %arg14: memref<!tpu.dma_semaphore, #tpu.memory_space<semaphore_mem>>, %arg15: memref<!tpu.dma_semaphore, #tpu.memory_space<semaphore_mem>>, %arg16: memref<!tpu.dma_semaphore, #tpu.memory_space<semaphore_mem>>, %arg17: memref<!tpu.dma_semaphore, #tpu.memory_space<semaphore_mem>>, %arg18: memref<!tpu.dma_semaphore, #tpu.memory_space<semaphore_mem>>, %arg19: memref<!tpu.dma_semaphore, #tpu.memory_space<semaphore_mem>>, %arg20: memref<!tpu.dma_semaphore, #tpu.memory_space<semaphore_mem>>, %arg21: memref<!tpu.dma_semaphore, #tpu.memory_space<semaphore_mem>>, %arg22: memref<125x8xf32, #tpu.memory_space<vmem>>, %arg23: memref<10000x128xbf16, #tpu.memory_space<vmem_shared>>, %arg24: memref<10000x8xf32, #tpu.memory_space<vmem_shared>>) attributes {dimension_semantics = [#tpu.dimension_semantics<core_parallel>, #tpu.dimension_semantics<subcore_parallel>], iteration_bounds = array<i64: 2, 16>, scalar_prefetch = 0 : i64, scratch_operands = 17 : i64, tpu.core_type = #tpu.core_type<sc_vector_subcore>, window_params = [{transform_indices = #map}, {transform_indices = #map1}, {transform_indices = #map}, {transform_indices = #map}, {transform_indices = #map}, {transform_indices = #map}]} {
    %lt3A = arith.constant 15 : i32
    %lt3A_0 = arith.cmpi slt, %arg1, %lt3A : i32
    %convert_element_type3A = arith.extui %lt3A_0 : i1 to i32
    %cond3A = arith.constant 0 : i32
    %cond3A_1 = arith.cmpi ne, %convert_element_type3A, %cond3A : i32
    scf.if %cond3A_1 {
      %mul3A_82 = arith.constant 640 : i32
      %mul3A_83 = arith.muli %arg1, %mul3A_82 : i32
      "tpu.region"() ({
        %run_scoped3A_84 = tpu.sem_alloc : memref<!tpu.dma_semaphore, #tpu.memory_space<semaphore_mem>>
        %dma_start3A_85 = arith.constant 0 : i32
        %dma_start3A_86 = tpu.memref_slice %arg23[%mul3A_83, %dma_start3A_85] : memref<10000x128xbf16, #tpu.memory_space<vmem_shared>> -> memref<640x128xbf16, #tpu.memory_space<vmem_shared>>
        tpu.enqueue_dma source(%arg4 : memref<640x128xbf16, #tpu.memory_space<hbm>>) target(%dma_start3A_86 : memref<640x128xbf16, #tpu.memory_space<vmem_shared>>) target_semaphore(%run_scoped3A_84 : memref<!tpu.dma_semaphore, #tpu.memory_space<semaphore_mem>>)
        %dma_wait3A_87 = arith.constant 0 : i32
        %dma_wait3A_88 = tpu.memref_slice %arg23[%mul3A_83, %dma_wait3A_87] : memref<10000x128xbf16, #tpu.memory_space<vmem_shared>> -> memref<640x128xbf16, #tpu.memory_space<vmem_shared>>
        tpu.wait_dma2 semaphore(%run_scoped3A_84 : memref<!tpu.dma_semaphore, #tpu.memory_space<semaphore_mem>>) src(%arg4 : memref<640x128xbf16, #tpu.memory_space<hbm>>) dst(%dma_wait3A_88 : memref<640x128xbf16, #tpu.memory_space<vmem_shared>>)
        tpu.yield
      }) : () -> ()
    } else {
    }
    %eq3A = arith.constant 15 : i32
    %eq3A_2 = arith.cmpi eq, %arg1, %eq3A : i32
    %convert_element_type3A_3 = arith.extui %eq3A_2 : i1 to i32
    %cond3A_4 = arith.constant 0 : i32
    %cond3A_5 = arith.cmpi ne, %convert_element_type3A_3, %cond3A_4 : i32
    scf.if %cond3A_5 {
      "tpu.region"() ({
        %run_scoped3A_82 = tpu.sem_alloc : memref<!tpu.dma_semaphore, #tpu.memory_space<semaphore_mem>>
        %dma_start3A_83 = arith.constant 9600 : i32
        %dma_start3A_84 = arith.constant 0 : i32
        %dma_start3A_85 = tpu.memref_slice %arg23[%dma_start3A_83, %dma_start3A_84] : memref<10000x128xbf16, #tpu.memory_space<vmem_shared>> -> memref<400x128xbf16, #tpu.memory_space<vmem_shared>>
        %dma_start3A_86 = arith.constant 0 : i32
        %dma_start3A_87 = arith.constant 0 : i32
        %dma_start3A_88 = tpu.memref_slice %arg4[%dma_start3A_86, %dma_start3A_87] : memref<640x128xbf16, #tpu.memory_space<hbm>> -> memref<400x128xbf16, #tpu.memory_space<hbm>>
        tpu.enqueue_dma source(%dma_start3A_88 : memref<400x128xbf16, #tpu.memory_space<hbm>>) target(%dma_start3A_85 : memref<400x128xbf16, #tpu.memory_space<vmem_shared>>) target_semaphore(%run_scoped3A_82 : memref<!tpu.dma_semaphore, #tpu.memory_space<semaphore_mem>>)
        %dma_wait3A_89 = arith.constant 9600 : i32
        %dma_wait3A_90 = arith.constant 0 : i32
        %dma_wait3A_91 = tpu.memref_slice %arg23[%dma_wait3A_89, %dma_wait3A_90] : memref<10000x128xbf16, #tpu.memory_space<vmem_shared>> -> memref<400x128xbf16, #tpu.memory_space<vmem_shared>>
        %dma_wait3A_92 = arith.constant 0 : i32
        %dma_wait3A_93 = arith.constant 0 : i32
        %dma_wait3A_94 = tpu.memref_slice %arg4[%dma_wait3A_92, %dma_wait3A_93] : memref<640x128xbf16, #tpu.memory_space<hbm>> -> memref<400x128xbf16, #tpu.memory_space<hbm>>
        tpu.wait_dma2 semaphore(%run_scoped3A_82 : memref<!tpu.dma_semaphore, #tpu.memory_space<semaphore_mem>>) src(%dma_wait3A_94 : memref<400x128xbf16, #tpu.memory_space<hbm>>) dst(%dma_wait3A_91 : memref<400x128xbf16, #tpu.memory_space<vmem_shared>>)
        tpu.yield
      }) : () -> ()
    } else {
    }
    %mul3A = arith.constant 16 : i32
    %mul3A_6 = arith.muli %arg0, %mul3A : i32
    %add3A = arith.addi %mul3A_6, %arg1 : i32
    %mul3A_7 = arith.constant 80 : i32
    %mul3A_8 = arith.muli %add3A, %mul3A_7 : i32
    %run_scoped3A = arith.constant 0 : i32
    "tpu.region"() ({
      %run_scoped3A_82 = tpu.sem_alloc : memref<!tpu.dma_semaphore, #tpu.memory_space<semaphore_mem>>
      %dma_start3A_83 = arith.constant 0 : i32
      %dma_start3A_84 = arith.constant 0 : i32
      %dma_start3A_85 = tpu.memref_slice %arg3[%run_scoped3A, %dma_start3A_83, %dma_start3A_84] : memref<2x2560x125xi32, #tpu.memory_space<hbm>> -> memref<1x2560x125xi32, #tpu.memory_space<hbm>>
      %dma_start3A_86 = tpu.memref_squeeze %dma_start3A_85 : memref<1x2560x125xi32, #tpu.memory_space<hbm>> -> memref<2560x125xi32, #tpu.memory_space<hbm>>
      %dma_start3A_87 = arith.constant 0 : i32
      %dma_start3A_88 = tpu.memref_slice %dma_start3A_86[%mul3A_8, %dma_start3A_87] : memref<2560x125xi32, #tpu.memory_space<hbm>> -> memref<80x125xi32, #tpu.memory_space<hbm>>
      %dma_start3A_89 = arith.constant 0 : i32
      %dma_start3A_90 = arith.constant 0 : i32
      %dma_start3A_91 = tpu.memref_slice %arg3[%run_scoped3A, %dma_start3A_89, %dma_start3A_90] : memref<2x2560x125xi32, #tpu.memory_space<hbm>> -> memref<1x2560x125xi32, #tpu.memory_space<hbm>>
      %dma_start3A_92 = tpu.memref_squeeze %dma_start3A_91 : memref<1x2560x125xi32, #tpu.memory_space<hbm>> -> memref<2560x125xi32, #tpu.memory_space<hbm>>
      %dma_start3A_93 = arith.constant 0 : i32
      %dma_start3A_94 = tpu.memref_slice %dma_start3A_92[%mul3A_8, %dma_start3A_93] : memref<2560x125xi32, #tpu.memory_space<hbm>> -> memref<80x125xi32, #tpu.memory_space<hbm>>
      tpu.enqueue_dma source(%dma_start3A_94 : memref<80x125xi32, #tpu.memory_space<hbm>>) target(%arg8 : memref<80x125xi32, #tpu.memory_space<vmem>>) target_semaphore(%run_scoped3A_82 : memref<!tpu.dma_semaphore, #tpu.memory_space<semaphore_mem>>)
      %dma_wait3A_95 = arith.constant 0 : i32
      %dma_wait3A_96 = arith.constant 0 : i32
      %dma_wait3A_97 = tpu.memref_slice %arg3[%run_scoped3A, %dma_wait3A_95, %dma_wait3A_96] : memref<2x2560x125xi32, #tpu.memory_space<hbm>> -> memref<1x2560x125xi32, #tpu.memory_space<hbm>>
      %dma_wait3A_98 = tpu.memref_squeeze %dma_wait3A_97 : memref<1x2560x125xi32, #tpu.memory_space<hbm>> -> memref<2560x125xi32, #tpu.memory_space<hbm>>
      %dma_wait3A_99 = arith.constant 0 : i32
      %dma_wait3A_100 = tpu.memref_slice %dma_wait3A_98[%mul3A_8, %dma_wait3A_99] : memref<2560x125xi32, #tpu.memory_space<hbm>> -> memref<80x125xi32, #tpu.memory_space<hbm>>
      %dma_wait3A_101 = arith.constant 0 : i32
      %dma_wait3A_102 = arith.constant 0 : i32
      %dma_wait3A_103 = tpu.memref_slice %arg3[%run_scoped3A, %dma_wait3A_101, %dma_wait3A_102] : memref<2x2560x125xi32, #tpu.memory_space<hbm>> -> memref<1x2560x125xi32, #tpu.memory_space<hbm>>
      %dma_wait3A_104 = tpu.memref_squeeze %dma_wait3A_103 : memref<1x2560x125xi32, #tpu.memory_space<hbm>> -> memref<2560x125xi32, #tpu.memory_space<hbm>>
      %dma_wait3A_105 = arith.constant 0 : i32
      %dma_wait3A_106 = tpu.memref_slice %dma_wait3A_104[%mul3A_8, %dma_wait3A_105] : memref<2560x125xi32, #tpu.memory_space<hbm>> -> memref<80x125xi32, #tpu.memory_space<hbm>>
      tpu.wait_dma2 semaphore(%run_scoped3A_82 : memref<!tpu.dma_semaphore, #tpu.memory_space<semaphore_mem>>) src(%dma_wait3A_106 : memref<80x125xi32, #tpu.memory_space<hbm>>) dst(%arg8 : memref<80x125xi32, #tpu.memory_space<vmem>>)
      tpu.yield
    }) : () -> ()
    %mul3A_9 = arith.constant 80 : i32
    %mul3A_10 = arith.muli %add3A, %mul3A_9 : i32
    %run_scoped3A_11 = arith.constant 1 : i32
    "tpu.region"() ({
      %run_scoped3A_82 = tpu.sem_alloc : memref<!tpu.dma_semaphore, #tpu.memory_space<semaphore_mem>>
      %dma_start3A_83 = arith.constant 0 : i32
      %dma_start3A_84 = arith.constant 0 : i32
      %dma_start3A_85 = tpu.memref_slice %arg3[%run_scoped3A_11, %dma_start3A_83, %dma_start3A_84] : memref<2x2560x125xi32, #tpu.memory_space<hbm>> -> memref<1x2560x125xi32, #tpu.memory_space<hbm>>
      %dma_start3A_86 = tpu.memref_squeeze %dma_start3A_85 : memref<1x2560x125xi32, #tpu.memory_space<hbm>> -> memref<2560x125xi32, #tpu.memory_space<hbm>>
      %dma_start3A_87 = arith.constant 0 : i32
      %dma_start3A_88 = tpu.memref_slice %dma_start3A_86[%mul3A_10, %dma_start3A_87] : memref<2560x125xi32, #tpu.memory_space<hbm>> -> memref<80x125xi32, #tpu.memory_space<hbm>>
      %dma_start3A_89 = arith.constant 0 : i32
      %dma_start3A_90 = arith.constant 0 : i32
      %dma_start3A_91 = tpu.memref_slice %arg3[%run_scoped3A_11, %dma_start3A_89, %dma_start3A_90] : memref<2x2560x125xi32, #tpu.memory_space<hbm>> -> memref<1x2560x125xi32, #tpu.memory_space<hbm>>
      %dma_start3A_92 = tpu.memref_squeeze %dma_start3A_91 : memref<1x2560x125xi32, #tpu.memory_space<hbm>> -> memref<2560x125xi32, #tpu.memory_space<hbm>>
      %dma_start3A_93 = arith.constant 0 : i32
      %dma_start3A_94 = tpu.memref_slice %dma_start3A_92[%mul3A_10, %dma_start3A_93] : memref<2560x125xi32, #tpu.memory_space<hbm>> -> memref<80x125xi32, #tpu.memory_space<hbm>>
      tpu.enqueue_dma source(%dma_start3A_94 : memref<80x125xi32, #tpu.memory_space<hbm>>) target(%arg9 : memref<80x125xi32, #tpu.memory_space<vmem>>) target_semaphore(%run_scoped3A_82 : memref<!tpu.dma_semaphore, #tpu.memory_space<semaphore_mem>>)
      %dma_wait3A_95 = arith.constant 0 : i32
      %dma_wait3A_96 = arith.constant 0 : i32
      %dma_wait3A_97 = tpu.memref_slice %arg3[%run_scoped3A_11, %dma_wait3A_95, %dma_wait3A_96] : memref<2x2560x125xi32, #tpu.memory_space<hbm>> -> memref<1x2560x125xi32, #tpu.memory_space<hbm>>
      %dma_wait3A_98 = tpu.memref_squeeze %dma_wait3A_97 : memref<1x2560x125xi32, #tpu.memory_space<hbm>> -> memref<2560x125xi32, #tpu.memory_space<hbm>>
      %dma_wait3A_99 = arith.constant 0 : i32
      %dma_wait3A_100 = tpu.memref_slice %dma_wait3A_98[%mul3A_10, %dma_wait3A_99] : memref<2560x125xi32, #tpu.memory_space<hbm>> -> memref<80x125xi32, #tpu.memory_space<hbm>>
      %dma_wait3A_101 = arith.constant 0 : i32
      %dma_wait3A_102 = arith.constant 0 : i32
      %dma_wait3A_103 = tpu.memref_slice %arg3[%run_scoped3A_11, %dma_wait3A_101, %dma_wait3A_102] : memref<2x2560x125xi32, #tpu.memory_space<hbm>> -> memref<1x2560x125xi32, #tpu.memory_space<hbm>>
      %dma_wait3A_104 = tpu.memref_squeeze %dma_wait3A_103 : memref<1x2560x125xi32, #tpu.memory_space<hbm>> -> memref<2560x125xi32, #tpu.memory_space<hbm>>
      %dma_wait3A_105 = arith.constant 0 : i32
      %dma_wait3A_106 = tpu.memref_slice %dma_wait3A_104[%mul3A_10, %dma_wait3A_105] : memref<2560x125xi32, #tpu.memory_space<hbm>> -> memref<80x125xi32, #tpu.memory_space<hbm>>
      tpu.wait_dma2 semaphore(%run_scoped3A_82 : memref<!tpu.dma_semaphore, #tpu.memory_space<semaphore_mem>>) src(%dma_wait3A_106 : memref<80x125xi32, #tpu.memory_space<hbm>>) dst(%arg9 : memref<80x125xi32, #tpu.memory_space<vmem>>)
      tpu.yield
    }) : () -> ()
    %barrier3A = arith.constant 0 : index
    tpu.barrier barrier_id(%barrier3A)
    %scan3A = arith.constant 0 : i32
    %scan3A_12 = arith.constant 0 : i32
    %scan3A_13 = arith.constant 20 : i32
    %scan3A_14 = arith.addi %scan3A_12, %scan3A_13 : i32
    %scan3A_15 = arith.constant 1 : i32
    scf.for %scan3A_82 = %scan3A_12 to %scan3A_14 step %scan3A_15  : i32 {
      %mul3A_83 = arith.constant 4 : i32
      %mul3A_84 = arith.muli %scan3A_82, %mul3A_83 : i32
      %add3A_85 = arith.constant 0 : i32
      %add3A_86 = arith.addi %mul3A_84, %add3A_85 : i32
      %gt3A = arith.constant 0 : i32
      %gt3A_87 = arith.cmpi sgt, %scan3A_82, %gt3A : i32
      %convert_element_type3A_88 = arith.extui %gt3A_87 : i1 to i32
      %cond3A_89 = arith.constant 0 : i32
      %cond3A_90 = arith.cmpi ne, %convert_element_type3A_88, %cond3A_89 : i32
      scf.if %cond3A_90 {
        %sub3A_183 = arith.constant 4 : i32
        %sub3A_184 = arith.subi %add3A_86, %sub3A_183 : i32
        %dma_wait3A_185 = arith.constant 0 : i32
        %dma_wait3A_186 = tpu.memref_slice %arg9[%sub3A_184, %dma_wait3A_185] : memref<80x125xi32, #tpu.memory_space<vmem>> -> memref<1x125xi32, #tpu.memory_space<vmem>>
        %dma_wait3A_187 = tpu.memref_squeeze %dma_wait3A_186 : memref<1x125xi32, #tpu.memory_space<vmem>> -> memref<125xi32, #tpu.memory_space<vmem>>
        %dma_wait3A_188 = arith.constant 0 : i32
        %dma_wait3A_189 = arith.constant 0 : i32
        %dma_wait3A_190 = tpu.memref_slice %arg23[%dma_wait3A_188, %dma_wait3A_189] : memref<10000x128xbf16, #tpu.memory_space<vmem_shared>> -> memref<10000x128xbf16, #tpu.memory_space<vmem_shared>>
        tpu.wait_indirect_dma semaphore(%arg18 : memref<!tpu.dma_semaphore, #tpu.memory_space<semaphore_mem>>) src(%arg10 : memref<125x128xbf16, #tpu.memory_space<vmem>>) dst(%dma_wait3A_190 : memref<10000x128xbf16, #tpu.memory_space<vmem_shared>>)
      } else {
      }
      %dma_start3A_91 = arith.constant 0 : i32
      %dma_start3A_92 = tpu.memref_slice %arg8[%add3A_86, %dma_start3A_91] : memref<80x125xi32, #tpu.memory_space<vmem>> -> memref<1x125xi32, #tpu.memory_space<vmem>>
      %dma_start3A_93 = tpu.memref_squeeze %dma_start3A_92 : memref<1x125xi32, #tpu.memory_space<vmem>> -> memref<125xi32, #tpu.memory_space<vmem>>
      %dma_start3A_94 = arith.constant 0 : i32
      %dma_start3A_95 = arith.constant 0 : i32
      %dma_start3A_96 = tpu.memref_slice %arg2[%dma_start3A_94, %dma_start3A_95] : memref<10000x128xbf16, #tpu.memory_space<hbm>> -> memref<10000x128xbf16, #tpu.memory_space<hbm>>
      tpu.enqueue_indirect_dma source(%dma_start3A_96 : memref<10000x128xbf16, #tpu.memory_space<hbm>>) target(%arg10 : memref<125x128xbf16, #tpu.memory_space<vmem>>) offsets(%dma_start3A_93 : memref<125xi32, #tpu.memory_space<vmem>>) semaphore(%arg14 : memref<!tpu.dma_semaphore, #tpu.memory_space<semaphore_mem>>)
      %gt3A_97 = arith.constant 0 : i32
      %gt3A_98 = arith.cmpi sgt, %scan3A_82, %gt3A_97 : i32
      %convert_element_type3A_99 = arith.extui %gt3A_98 : i1 to i32
      %cond3A_100 = arith.constant 0 : i32
      %cond3A_101 = arith.cmpi ne, %convert_element_type3A_99, %cond3A_100 : i32
      scf.if %cond3A_101 {
        %sub3A_183 = arith.constant 2 : i32
        %sub3A_184 = arith.subi %add3A_86, %sub3A_183 : i32
        %dma_wait3A_185 = arith.constant 0 : i32
        %dma_wait3A_186 = tpu.memref_slice %arg8[%sub3A_184, %dma_wait3A_185] : memref<80x125xi32, #tpu.memory_space<vmem>> -> memref<1x125xi32, #tpu.memory_space<vmem>>
        %dma_wait3A_187 = tpu.memref_squeeze %dma_wait3A_186 : memref<1x125xi32, #tpu.memory_space<vmem>> -> memref<125xi32, #tpu.memory_space<vmem>>
        %dma_wait3A_188 = arith.constant 0 : i32
        %dma_wait3A_189 = arith.constant 0 : i32
        %dma_wait3A_190 = tpu.memref_slice %arg2[%dma_wait3A_188, %dma_wait3A_189] : memref<10000x128xbf16, #tpu.memory_space<hbm>> -> memref<10000x128xbf16, #tpu.memory_space<hbm>>
        tpu.wait_indirect_dma semaphore(%arg16 : memref<!tpu.dma_semaphore, #tpu.memory_space<semaphore_mem>>) src(%dma_wait3A_190 : memref<10000x128xbf16, #tpu.memory_space<hbm>>) dst(%arg12 : memref<125x128xbf16, #tpu.memory_space<vmem>>)
        %sub3A_191 = arith.constant 2 : i32
        %sub3A_192 = arith.subi %add3A_86, %sub3A_191 : i32
        %dma_start3A_193 = arith.constant 0 : i32
        %dma_start3A_194 = tpu.memref_slice %arg9[%sub3A_192, %dma_start3A_193] : memref<80x125xi32, #tpu.memory_space<vmem>> -> memref<1x125xi32, #tpu.memory_space<vmem>>
        %dma_start3A_195 = tpu.memref_squeeze %dma_start3A_194 : memref<1x125xi32, #tpu.memory_space<vmem>> -> memref<125xi32, #tpu.memory_space<vmem>>
        %dma_start3A_196 = arith.constant 0 : i32
        %dma_start3A_197 = arith.constant 0 : i32
        %dma_start3A_198 = tpu.memref_slice %arg23[%dma_start3A_196, %dma_start3A_197] : memref<10000x128xbf16, #tpu.memory_space<vmem_shared>> -> memref<10000x128xbf16, #tpu.memory_space<vmem_shared>>
        tpu.enqueue_indirect_dma source(%arg12 : memref<125x128xbf16, #tpu.memory_space<vmem>>) target(%dma_start3A_198 : memref<10000x128xbf16, #tpu.memory_space<vmem_shared>>) offsets(%dma_start3A_195 : memref<125xi32, #tpu.memory_space<vmem>>) semaphore(%arg20 : memref<!tpu.dma_semaphore, #tpu.memory_space<semaphore_mem>>) {add = true}
      } else {
      }
      %mul3A_102 = arith.constant 4 : i32
      %mul3A_103 = arith.muli %scan3A_82, %mul3A_102 : i32
      %add3A_104 = arith.constant 1 : i32
      %add3A_105 = arith.addi %mul3A_103, %add3A_104 : i32
      %gt3A_106 = arith.constant 0 : i32
      %gt3A_107 = arith.cmpi sgt, %scan3A_82, %gt3A_106 : i32
      %convert_element_type3A_108 = arith.extui %gt3A_107 : i1 to i32
      %cond3A_109 = arith.constant 0 : i32
      %cond3A_110 = arith.cmpi ne, %convert_element_type3A_108, %cond3A_109 : i32
      scf.if %cond3A_110 {
        %sub3A_183 = arith.constant 4 : i32
        %sub3A_184 = arith.subi %add3A_105, %sub3A_183 : i32
        %dma_wait3A_185 = arith.constant 0 : i32
        %dma_wait3A_186 = tpu.memref_slice %arg9[%sub3A_184, %dma_wait3A_185] : memref<80x125xi32, #tpu.memory_space<vmem>> -> memref<1x125xi32, #tpu.memory_space<vmem>>
        %dma_wait3A_187 = tpu.memref_squeeze %dma_wait3A_186 : memref<1x125xi32, #tpu.memory_space<vmem>> -> memref<125xi32, #tpu.memory_space<vmem>>
        %dma_wait3A_188 = arith.constant 0 : i32
        %dma_wait3A_189 = arith.constant 0 : i32
        %dma_wait3A_190 = tpu.memref_slice %arg23[%dma_wait3A_188, %dma_wait3A_189] : memref<10000x128xbf16, #tpu.memory_space<vmem_shared>> -> memref<10000x128xbf16, #tpu.memory_space<vmem_shared>>
        tpu.wait_indirect_dma semaphore(%arg19 : memref<!tpu.dma_semaphore, #tpu.memory_space<semaphore_mem>>) src(%arg11 : memref<125x128xbf16, #tpu.memory_space<vmem>>) dst(%dma_wait3A_190 : memref<10000x128xbf16, #tpu.memory_space<vmem_shared>>)
      } else {
      }
      %dma_start3A_111 = arith.constant 0 : i32
      %dma_start3A_112 = tpu.memref_slice %arg8[%add3A_105, %dma_start3A_111] : memref<80x125xi32, #tpu.memory_space<vmem>> -> memref<1x125xi32, #tpu.memory_space<vmem>>
      %dma_start3A_113 = tpu.memref_squeeze %dma_start3A_112 : memref<1x125xi32, #tpu.memory_space<vmem>> -> memref<125xi32, #tpu.memory_space<vmem>>
      %dma_start3A_114 = arith.constant 0 : i32
      %dma_start3A_115 = arith.constant 0 : i32
      %dma_start3A_116 = tpu.memref_slice %arg2[%dma_start3A_114, %dma_start3A_115] : memref<10000x128xbf16, #tpu.memory_space<hbm>> -> memref<10000x128xbf16, #tpu.memory_space<hbm>>
      tpu.enqueue_indirect_dma source(%dma_start3A_116 : memref<10000x128xbf16, #tpu.memory_space<hbm>>) target(%arg11 : memref<125x128xbf16, #tpu.memory_space<vmem>>) offsets(%dma_start3A_113 : memref<125xi32, #tpu.memory_space<vmem>>) semaphore(%arg15 : memref<!tpu.dma_semaphore, #tpu.memory_space<semaphore_mem>>)
      %gt3A_117 = arith.constant 0 : i32
      %gt3A_118 = arith.cmpi sgt, %scan3A_82, %gt3A_117 : i32
      %convert_element_type3A_119 = arith.extui %gt3A_118 : i1 to i32
      %cond3A_120 = arith.constant 0 : i32
      %cond3A_121 = arith.cmpi ne, %convert_element_type3A_119, %cond3A_120 : i32
      scf.if %cond3A_121 {
        %sub3A_183 = arith.constant 2 : i32
        %sub3A_184 = arith.subi %add3A_105, %sub3A_183 : i32
        %dma_wait3A_185 = arith.constant 0 : i32
        %dma_wait3A_186 = tpu.memref_slice %arg8[%sub3A_184, %dma_wait3A_185] : memref<80x125xi32, #tpu.memory_space<vmem>> -> memref<1x125xi32, #tpu.memory_space<vmem>>
        %dma_wait3A_187 = tpu.memref_squeeze %dma_wait3A_186 : memref<1x125xi32, #tpu.memory_space<vmem>> -> memref<125xi32, #tpu.memory_space<vmem>>
        %dma_wait3A_188 = arith.constant 0 : i32
        %dma_wait3A_189 = arith.constant 0 : i32
        %dma_wait3A_190 = tpu.memref_slice %arg2[%dma_wait3A_188, %dma_wait3A_189] : memref<10000x128xbf16, #tpu.memory_space<hbm>> -> memref<10000x128xbf16, #tpu.memory_space<hbm>>
        tpu.wait_indirect_dma semaphore(%arg17 : memref<!tpu.dma_semaphore, #tpu.memory_space<semaphore_mem>>) src(%dma_wait3A_190 : memref<10000x128xbf16, #tpu.memory_space<hbm>>) dst(%arg13 : memref<125x128xbf16, #tpu.memory_space<vmem>>)
        %sub3A_191 = arith.constant 2 : i32
        %sub3A_192 = arith.subi %add3A_105, %sub3A_191 : i32
        %dma_start3A_193 = arith.constant 0 : i32
        %dma_start3A_194 = tpu.memref_slice %arg9[%sub3A_192, %dma_start3A_193] : memref<80x125xi32, #tpu.memory_space<vmem>> -> memref<1x125xi32, #tpu.memory_space<vmem>>
        %dma_start3A_195 = tpu.memref_squeeze %dma_start3A_194 : memref<1x125xi32, #tpu.memory_space<vmem>> -> memref<125xi32, #tpu.memory_space<vmem>>
        %dma_start3A_196 = arith.constant 0 : i32
        %dma_start3A_197 = arith.constant 0 : i32
        %dma_start3A_198 = tpu.memref_slice %arg23[%dma_start3A_196, %dma_start3A_197] : memref<10000x128xbf16, #tpu.memory_space<vmem_shared>> -> memref<10000x128xbf16, #tpu.memory_space<vmem_shared>>
        tpu.enqueue_indirect_dma source(%arg13 : memref<125x128xbf16, #tpu.memory_space<vmem>>) target(%dma_start3A_198 : memref<10000x128xbf16, #tpu.memory_space<vmem_shared>>) offsets(%dma_start3A_195 : memref<125xi32, #tpu.memory_space<vmem>>) semaphore(%arg21 : memref<!tpu.dma_semaphore, #tpu.memory_space<semaphore_mem>>) {add = true}
      } else {
      }
      %mul3A_122 = arith.constant 4 : i32
      %mul3A_123 = arith.muli %scan3A_82, %mul3A_122 : i32
      %add3A_124 = arith.constant 2 : i32
      %add3A_125 = arith.addi %mul3A_123, %add3A_124 : i32
      %gt3A_126 = arith.constant 0 : i32
      %gt3A_127 = arith.cmpi sgt, %scan3A_82, %gt3A_126 : i32
      %convert_element_type3A_128 = arith.extui %gt3A_127 : i1 to i32
      %cond3A_129 = arith.constant 0 : i32
      %cond3A_130 = arith.cmpi ne, %convert_element_type3A_128, %cond3A_129 : i32
      scf.if %cond3A_130 {
        %sub3A_183 = arith.constant 4 : i32
        %sub3A_184 = arith.subi %add3A_125, %sub3A_183 : i32
        %dma_wait3A_185 = arith.constant 0 : i32
        %dma_wait3A_186 = tpu.memref_slice %arg9[%sub3A_184, %dma_wait3A_185] : memref<80x125xi32, #tpu.memory_space<vmem>> -> memref<1x125xi32, #tpu.memory_space<vmem>>
        %dma_wait3A_187 = tpu.memref_squeeze %dma_wait3A_186 : memref<1x125xi32, #tpu.memory_space<vmem>> -> memref<125xi32, #tpu.memory_space<vmem>>
        %dma_wait3A_188 = arith.constant 0 : i32
        %dma_wait3A_189 = arith.constant 0 : i32
        %dma_wait3A_190 = tpu.memref_slice %arg23[%dma_wait3A_188, %dma_wait3A_189] : memref<10000x128xbf16, #tpu.memory_space<vmem_shared>> -> memref<10000x128xbf16, #tpu.memory_space<vmem_shared>>
        tpu.wait_indirect_dma semaphore(%arg20 : memref<!tpu.dma_semaphore, #tpu.memory_space<semaphore_mem>>) src(%arg12 : memref<125x128xbf16, #tpu.memory_space<vmem>>) dst(%dma_wait3A_190 : memref<10000x128xbf16, #tpu.memory_space<vmem_shared>>)
      } else {
      }
      %dma_start3A_131 = arith.constant 0 : i32
      %dma_start3A_132 = tpu.memref_slice %arg8[%add3A_125, %dma_start3A_131] : memref<80x125xi32, #tpu.memory_space<vmem>> -> memref<1x125xi32, #tpu.memory_space<vmem>>
      %dma_start3A_133 = tpu.memref_squeeze %dma_start3A_132 : memref<1x125xi32, #tpu.memory_space<vmem>> -> memref<125xi32, #tpu.memory_space<vmem>>
      %dma_start3A_134 = arith.constant 0 : i32
      %dma_start3A_135 = arith.constant 0 : i32
      %dma_start3A_136 = tpu.memref_slice %arg2[%dma_start3A_134, %dma_start3A_135] : memref<10000x128xbf16, #tpu.memory_space<hbm>> -> memref<10000x128xbf16, #tpu.memory_space<hbm>>
      tpu.enqueue_indirect_dma source(%dma_start3A_136 : memref<10000x128xbf16, #tpu.memory_space<hbm>>) target(%arg12 : memref<125x128xbf16, #tpu.memory_space<vmem>>) offsets(%dma_start3A_133 : memref<125xi32, #tpu.memory_space<vmem>>) semaphore(%arg16 : memref<!tpu.dma_semaphore, #tpu.memory_space<semaphore_mem>>)
      %sub3A = arith.constant 2 : i32
      %sub3A_137 = arith.subi %add3A_125, %sub3A : i32
      %dma_wait3A_138 = arith.constant 0 : i32
      %dma_wait3A_139 = tpu.memref_slice %arg8[%sub3A_137, %dma_wait3A_138] : memref<80x125xi32, #tpu.memory_space<vmem>> -> memref<1x125xi32, #tpu.memory_space<vmem>>
      %dma_wait3A_140 = tpu.memref_squeeze %dma_wait3A_139 : memref<1x125xi32, #tpu.memory_space<vmem>> -> memref<125xi32, #tpu.memory_space<vmem>>
      %dma_wait3A_141 = arith.constant 0 : i32
      %dma_wait3A_142 = arith.constant 0 : i32
      %dma_wait3A_143 = tpu.memref_slice %arg2[%dma_wait3A_141, %dma_wait3A_142] : memref<10000x128xbf16, #tpu.memory_space<hbm>> -> memref<10000x128xbf16, #tpu.memory_space<hbm>>
      tpu.wait_indirect_dma semaphore(%arg14 : memref<!tpu.dma_semaphore, #tpu.memory_space<semaphore_mem>>) src(%dma_wait3A_143 : memref<10000x128xbf16, #tpu.memory_space<hbm>>) dst(%arg10 : memref<125x128xbf16, #tpu.memory_space<vmem>>)
      %sub3A_144 = arith.constant 2 : i32
      %sub3A_145 = arith.subi %add3A_125, %sub3A_144 : i32
      %dma_start3A_146 = arith.constant 0 : i32
      %dma_start3A_147 = tpu.memref_slice %arg9[%sub3A_145, %dma_start3A_146] : memref<80x125xi32, #tpu.memory_space<vmem>> -> memref<1x125xi32, #tpu.memory_space<vmem>>
      %dma_start3A_148 = tpu.memref_squeeze %dma_start3A_147 : memref<1x125xi32, #tpu.memory_space<vmem>> -> memref<125xi32, #tpu.memory_space<vmem>>
      %dma_start3A_149 = arith.constant 0 : i32
      %dma_start3A_150 = arith.constant 0 : i32
      %dma_start3A_151 = tpu.memref_slice %arg23[%dma_start3A_149, %dma_start3A_150] : memref<10000x128xbf16, #tpu.memory_space<vmem_shared>> -> memref<10000x128xbf16, #tpu.memory_space<vmem_shared>>
      tpu.enqueue_indirect_dma source(%arg10 : memref<125x128xbf16, #tpu.memory_space<vmem>>) target(%dma_start3A_151 : memref<10000x128xbf16, #tpu.memory_space<vmem_shared>>) offsets(%dma_start3A_148 : memref<125xi32, #tpu.memory_space<vmem>>) semaphore(%arg18 : memref<!tpu.dma_semaphore, #tpu.memory_space<semaphore_mem>>) {add = true}
      %mul3A_152 = arith.constant 4 : i32
      %mul3A_153 = arith.muli %scan3A_82, %mul3A_152 : i32
      %add3A_154 = arith.constant 3 : i32
      %add3A_155 = arith.addi %mul3A_153, %add3A_154 : i32
      %gt3A_156 = arith.constant 0 : i32
      %gt3A_157 = arith.cmpi sgt, %scan3A_82, %gt3A_156 : i32
      %convert_element_type3A_158 = arith.extui %gt3A_157 : i1 to i32
      %cond3A_159 = arith.constant 0 : i32
      %cond3A_160 = arith.cmpi ne, %convert_element_type3A_158, %cond3A_159 : i32
      scf.if %cond3A_160 {
        %sub3A_183 = arith.constant 4 : i32
        %sub3A_184 = arith.subi %add3A_155, %sub3A_183 : i32
        %dma_wait3A_185 = arith.constant 0 : i32
        %dma_wait3A_186 = tpu.memref_slice %arg9[%sub3A_184, %dma_wait3A_185] : memref<80x125xi32, #tpu.memory_space<vmem>> -> memref<1x125xi32, #tpu.memory_space<vmem>>
        %dma_wait3A_187 = tpu.memref_squeeze %dma_wait3A_186 : memref<1x125xi32, #tpu.memory_space<vmem>> -> memref<125xi32, #tpu.memory_space<vmem>>
        %dma_wait3A_188 = arith.constant 0 : i32
        %dma_wait3A_189 = arith.constant 0 : i32
        %dma_wait3A_190 = tpu.memref_slice %arg23[%dma_wait3A_188, %dma_wait3A_189] : memref<10000x128xbf16, #tpu.memory_space<vmem_shared>> -> memref<10000x128xbf16, #tpu.memory_space<vmem_shared>>
        tpu.wait_indirect_dma semaphore(%arg21 : memref<!tpu.dma_semaphore, #tpu.memory_space<semaphore_mem>>) src(%arg13 : memref<125x128xbf16, #tpu.memory_space<vmem>>) dst(%dma_wait3A_190 : memref<10000x128xbf16, #tpu.memory_space<vmem_shared>>)
      } else {
      }
      %dma_start3A_161 = arith.constant 0 : i32
      %dma_start3A_162 = tpu.memref_slice %arg8[%add3A_155, %dma_start3A_161] : memref<80x125xi32, #tpu.memory_space<vmem>> -> memref<1x125xi32, #tpu.memory_space<vmem>>
      %dma_start3A_163 = tpu.memref_squeeze %dma_start3A_162 : memref<1x125xi32, #tpu.memory_space<vmem>> -> memref<125xi32, #tpu.memory_space<vmem>>
      %dma_start3A_164 = arith.constant 0 : i32
      %dma_start3A_165 = arith.constant 0 : i32
      %dma_start3A_166 = tpu.memref_slice %arg2[%dma_start3A_164, %dma_start3A_165] : memref<10000x128xbf16, #tpu.memory_space<hbm>> -> memref<10000x128xbf16, #tpu.memory_space<hbm>>
      tpu.enqueue_indirect_dma source(%dma_start3A_166 : memref<10000x128xbf16, #tpu.memory_space<hbm>>) target(%arg13 : memref<125x128xbf16, #tpu.memory_space<vmem>>) offsets(%dma_start3A_163 : memref<125xi32, #tpu.memory_space<vmem>>) semaphore(%arg17 : memref<!tpu.dma_semaphore, #tpu.memory_space<semaphore_mem>>)
      %sub3A_167 = arith.constant 2 : i32
      %sub3A_168 = arith.subi %add3A_155, %sub3A_167 : i32
      %dma_wait3A_169 = arith.constant 0 : i32
      %dma_wait3A_170 = tpu.memref_slice %arg8[%sub3A_168, %dma_wait3A_169] : memref<80x125xi32, #tpu.memory_space<vmem>> -> memref<1x125xi32, #tpu.memory_space<vmem>>
      %dma_wait3A_171 = tpu.memref_squeeze %dma_wait3A_170 : memref<1x125xi32, #tpu.memory_space<vmem>> -> memref<125xi32, #tpu.memory_space<vmem>>
      %dma_wait3A_172 = arith.constant 0 : i32
      %dma_wait3A_173 = arith.constant 0 : i32
      %dma_wait3A_174 = tpu.memref_slice %arg2[%dma_wait3A_172, %dma_wait3A_173] : memref<10000x128xbf16, #tpu.memory_space<hbm>> -> memref<10000x128xbf16, #tpu.memory_space<hbm>>
      tpu.wait_indirect_dma semaphore(%arg15 : memref<!tpu.dma_semaphore, #tpu.memory_space<semaphore_mem>>) src(%dma_wait3A_174 : memref<10000x128xbf16, #tpu.memory_space<hbm>>) dst(%arg11 : memref<125x128xbf16, #tpu.memory_space<vmem>>)
      %sub3A_175 = arith.constant 2 : i32
      %sub3A_176 = arith.subi %add3A_155, %sub3A_175 : i32
      %dma_start3A_177 = arith.constant 0 : i32
      %dma_start3A_178 = tpu.memref_slice %arg9[%sub3A_176, %dma_start3A_177] : memref<80x125xi32, #tpu.memory_space<vmem>> -> memref<1x125xi32, #tpu.memory_space<vmem>>
      %dma_start3A_179 = tpu.memref_squeeze %dma_start3A_178 : memref<1x125xi32, #tpu.memory_space<vmem>> -> memref<125xi32, #tpu.memory_space<vmem>>
      %dma_start3A_180 = arith.constant 0 : i32
      %dma_start3A_181 = arith.constant 0 : i32
      %dma_start3A_182 = tpu.memref_slice %arg23[%dma_start3A_180, %dma_start3A_181] : memref<10000x128xbf16, #tpu.memory_space<vmem_shared>> -> memref<10000x128xbf16, #tpu.memory_space<vmem_shared>>
      tpu.enqueue_indirect_dma source(%arg11 : memref<125x128xbf16, #tpu.memory_space<vmem>>) target(%dma_start3A_182 : memref<10000x128xbf16, #tpu.memory_space<vmem_shared>>) offsets(%dma_start3A_179 : memref<125xi32, #tpu.memory_space<vmem>>) semaphore(%arg19 : memref<!tpu.dma_semaphore, #tpu.memory_space<semaphore_mem>>) {add = true}
    }
    %scan3A_16 = arith.constant 20 : i32
    %dma_wait3A = arith.constant 78 : i32
    %dma_wait3A_17 = arith.constant 0 : i32
    %dma_wait3A_18 = tpu.memref_slice %arg8[%dma_wait3A, %dma_wait3A_17] : memref<80x125xi32, #tpu.memory_space<vmem>> -> memref<1x125xi32, #tpu.memory_space<vmem>>
    %dma_wait3A_19 = tpu.memref_squeeze %dma_wait3A_18 : memref<1x125xi32, #tpu.memory_space<vmem>> -> memref<125xi32, #tpu.memory_space<vmem>>
    %dma_wait3A_20 = arith.constant 0 : i32
    %dma_wait3A_21 = arith.constant 0 : i32
    %dma_wait3A_22 = tpu.memref_slice %arg2[%dma_wait3A_20, %dma_wait3A_21] : memref<10000x128xbf16, #tpu.memory_space<hbm>> -> memref<10000x128xbf16, #tpu.memory_space<hbm>>
    tpu.wait_indirect_dma semaphore(%arg16 : memref<!tpu.dma_semaphore, #tpu.memory_space<semaphore_mem>>) src(%dma_wait3A_22 : memref<10000x128xbf16, #tpu.memory_space<hbm>>) dst(%arg12 : memref<125x128xbf16, #tpu.memory_space<vmem>>)
    %dma_start3A = arith.constant 78 : i32
    %dma_start3A_23 = arith.constant 0 : i32
    %dma_start3A_24 = tpu.memref_slice %arg9[%dma_start3A, %dma_start3A_23] : memref<80x125xi32, #tpu.memory_space<vmem>> -> memref<1x125xi32, #tpu.memory_space<vmem>>
    %dma_start3A_25 = tpu.memref_squeeze %dma_start3A_24 : memref<1x125xi32, #tpu.memory_space<vmem>> -> memref<125xi32, #tpu.memory_space<vmem>>
    %dma_start3A_26 = arith.constant 0 : i32
    %dma_start3A_27 = arith.constant 0 : i32
    %dma_start3A_28 = tpu.memref_slice %arg23[%dma_start3A_26, %dma_start3A_27] : memref<10000x128xbf16, #tpu.memory_space<vmem_shared>> -> memref<10000x128xbf16, #tpu.memory_space<vmem_shared>>
    tpu.enqueue_indirect_dma source(%arg12 : memref<125x128xbf16, #tpu.memory_space<vmem>>) target(%dma_start3A_28 : memref<10000x128xbf16, #tpu.memory_space<vmem_shared>>) offsets(%dma_start3A_25 : memref<125xi32, #tpu.memory_space<vmem>>) semaphore(%arg20 : memref<!tpu.dma_semaphore, #tpu.memory_space<semaphore_mem>>) {add = true}
    %dma_wait3A_29 = arith.constant 79 : i32
    %dma_wait3A_30 = arith.constant 0 : i32
    %dma_wait3A_31 = tpu.memref_slice %arg8[%dma_wait3A_29, %dma_wait3A_30] : memref<80x125xi32, #tpu.memory_space<vmem>> -> memref<1x125xi32, #tpu.memory_space<vmem>>
    %dma_wait3A_32 = tpu.memref_squeeze %dma_wait3A_31 : memref<1x125xi32, #tpu.memory_space<vmem>> -> memref<125xi32, #tpu.memory_space<vmem>>
    %dma_wait3A_33 = arith.constant 0 : i32
    %dma_wait3A_34 = arith.constant 0 : i32
    %dma_wait3A_35 = tpu.memref_slice %arg2[%dma_wait3A_33, %dma_wait3A_34] : memref<10000x128xbf16, #tpu.memory_space<hbm>> -> memref<10000x128xbf16, #tpu.memory_space<hbm>>
    tpu.wait_indirect_dma semaphore(%arg17 : memref<!tpu.dma_semaphore, #tpu.memory_space<semaphore_mem>>) src(%dma_wait3A_35 : memref<10000x128xbf16, #tpu.memory_space<hbm>>) dst(%arg13 : memref<125x128xbf16, #tpu.memory_space<vmem>>)
    %dma_start3A_36 = arith.constant 79 : i32
    %dma_start3A_37 = arith.constant 0 : i32
    %dma_start3A_38 = tpu.memref_slice %arg9[%dma_start3A_36, %dma_start3A_37] : memref<80x125xi32, #tpu.memory_space<vmem>> -> memref<1x125xi32, #tpu.memory_space<vmem>>
    %dma_start3A_39 = tpu.memref_squeeze %dma_start3A_38 : memref<1x125xi32, #tpu.memory_space<vmem>> -> memref<125xi32, #tpu.memory_space<vmem>>
    %dma_start3A_40 = arith.constant 0 : i32
    %dma_start3A_41 = arith.constant 0 : i32
    %dma_start3A_42 = tpu.memref_slice %arg23[%dma_start3A_40, %dma_start3A_41] : memref<10000x128xbf16, #tpu.memory_space<vmem_shared>> -> memref<10000x128xbf16, #tpu.memory_space<vmem_shared>>
    tpu.enqueue_indirect_dma source(%arg13 : memref<125x128xbf16, #tpu.memory_space<vmem>>) target(%dma_start3A_42 : memref<10000x128xbf16, #tpu.memory_space<vmem_shared>>) offsets(%dma_start3A_39 : memref<125xi32, #tpu.memory_space<vmem>>) semaphore(%arg21 : memref<!tpu.dma_semaphore, #tpu.memory_space<semaphore_mem>>) {add = true}
    %dma_wait3A_43 = arith.constant 76 : i32
    %dma_wait3A_44 = arith.constant 0 : i32
    %dma_wait3A_45 = tpu.memref_slice %arg9[%dma_wait3A_43, %dma_wait3A_44] : memref<80x125xi32, #tpu.memory_space<vmem>> -> memref<1x125xi32, #tpu.memory_space<vmem>>
    %dma_wait3A_46 = tpu.memref_squeeze %dma_wait3A_45 : memref<1x125xi32, #tpu.memory_space<vmem>> -> memref<125xi32, #tpu.memory_space<vmem>>
    %dma_wait3A_47 = arith.constant 0 : i32
    %dma_wait3A_48 = arith.constant 0 : i32
    %dma_wait3A_49 = tpu.memref_slice %arg23[%dma_wait3A_47, %dma_wait3A_48] : memref<10000x128xbf16, #tpu.memory_space<vmem_shared>> -> memref<10000x128xbf16, #tpu.memory_space<vmem_shared>>
    tpu.wait_indirect_dma semaphore(%arg18 : memref<!tpu.dma_semaphore, #tpu.memory_space<semaphore_mem>>) src(%arg10 : memref<125x128xbf16, #tpu.memory_space<vmem>>) dst(%dma_wait3A_49 : memref<10000x128xbf16, #tpu.memory_space<vmem_shared>>)
    %dma_wait3A_50 = arith.constant 77 : i32
    %dma_wait3A_51 = arith.constant 0 : i32
    %dma_wait3A_52 = tpu.memref_slice %arg9[%dma_wait3A_50, %dma_wait3A_51] : memref<80x125xi32, #tpu.memory_space<vmem>> -> memref<1x125xi32, #tpu.memory_space<vmem>>
    %dma_wait3A_53 = tpu.memref_squeeze %dma_wait3A_52 : memref<1x125xi32, #tpu.memory_space<vmem>> -> memref<125xi32, #tpu.memory_space<vmem>>
    %dma_wait3A_54 = arith.constant 0 : i32
    %dma_wait3A_55 = arith.constant 0 : i32
    %dma_wait3A_56 = tpu.memref_slice %arg23[%dma_wait3A_54, %dma_wait3A_55] : memref<10000x128xbf16, #tpu.memory_space<vmem_shared>> -> memref<10000x128xbf16, #tpu.memory_space<vmem_shared>>
    tpu.wait_indirect_dma semaphore(%arg19 : memref<!tpu.dma_semaphore, #tpu.memory_space<semaphore_mem>>) src(%arg11 : memref<125x128xbf16, #tpu.memory_space<vmem>>) dst(%dma_wait3A_56 : memref<10000x128xbf16, #tpu.memory_space<vmem_shared>>)
    %dma_wait3A_57 = arith.constant 78 : i32
    %dma_wait3A_58 = arith.constant 0 : i32
    %dma_wait3A_59 = tpu.memref_slice %arg9[%dma_wait3A_57, %dma_wait3A_58] : memref<80x125xi32, #tpu.memory_space<vmem>> -> memref<1x125xi32, #tpu.memory_space<vmem>>
    %dma_wait3A_60 = tpu.memref_squeeze %dma_wait3A_59 : memref<1x125xi32, #tpu.memory_space<vmem>> -> memref<125xi32, #tpu.memory_space<vmem>>
    %dma_wait3A_61 = arith.constant 0 : i32
    %dma_wait3A_62 = arith.constant 0 : i32
    %dma_wait3A_63 = tpu.memref_slice %arg23[%dma_wait3A_61, %dma_wait3A_62] : memref<10000x128xbf16, #tpu.memory_space<vmem_shared>> -> memref<10000x128xbf16, #tpu.memory_space<vmem_shared>>
    tpu.wait_indirect_dma semaphore(%arg20 : memref<!tpu.dma_semaphore, #tpu.memory_space<semaphore_mem>>) src(%arg12 : memref<125x128xbf16, #tpu.memory_space<vmem>>) dst(%dma_wait3A_63 : memref<10000x128xbf16, #tpu.memory_space<vmem_shared>>)
    %dma_wait3A_64 = arith.constant 79 : i32
    %dma_wait3A_65 = arith.constant 0 : i32
    %dma_wait3A_66 = tpu.memref_slice %arg9[%dma_wait3A_64, %dma_wait3A_65] : memref<80x125xi32, #tpu.memory_space<vmem>> -> memref<1x125xi32, #tpu.memory_space<vmem>>
    %dma_wait3A_67 = tpu.memref_squeeze %dma_wait3A_66 : memref<1x125xi32, #tpu.memory_space<vmem>> -> memref<125xi32, #tpu.memory_space<vmem>>
    %dma_wait3A_68 = arith.constant 0 : i32
    %dma_wait3A_69 = arith.constant 0 : i32
    %dma_wait3A_70 = tpu.memref_slice %arg23[%dma_wait3A_68, %dma_wait3A_69] : memref<10000x128xbf16, #tpu.memory_space<vmem_shared>> -> memref<10000x128xbf16, #tpu.memory_space<vmem_shared>>
    tpu.wait_indirect_dma semaphore(%arg21 : memref<!tpu.dma_semaphore, #tpu.memory_space<semaphore_mem>>) src(%arg13 : memref<125x128xbf16, #tpu.memory_space<vmem>>) dst(%dma_wait3A_70 : memref<10000x128xbf16, #tpu.memory_space<vmem_shared>>)
    %barrier3A_71 = arith.constant 0 : index
    tpu.barrier barrier_id(%barrier3A_71)
    %lt3A_72 = arith.constant 15 : i32
    %lt3A_73 = arith.cmpi slt, %arg1, %lt3A_72 : i32
    %convert_element_type3A_74 = arith.extui %lt3A_73 : i1 to i32
    %cond3A_75 = arith.constant 0 : i32
    %cond3A_76 = arith.cmpi ne, %convert_element_type3A_74, %cond3A_75 : i32
    scf.if %cond3A_76 {
      %mul3A_82 = arith.constant 640 : i32
      %mul3A_83 = arith.muli %arg1, %mul3A_82 : i32
      %mul3A_84 = arith.constant 128 : i32
      %mul3A_85 = arith.muli %arg0, %mul3A_84 : i32
      "tpu.region"() ({
        %run_scoped3A_86 = tpu.sem_alloc : memref<!tpu.dma_semaphore, #tpu.memory_space<semaphore_mem>>
        %dma_start3A_87 = tpu.memref_slice %arg7[%mul3A_83, %mul3A_85] : memref<10000x256xbf16, #tpu.memory_space<hbm>> -> memref<640x128xbf16, #tpu.memory_space<hbm>>
        %dma_start3A_88 = arith.constant 0 : i32
        %dma_start3A_89 = tpu.memref_slice %arg23[%mul3A_83, %dma_start3A_88] : memref<10000x128xbf16, #tpu.memory_space<vmem_shared>> -> memref<640x128xbf16, #tpu.memory_space<vmem_shared>>
        tpu.enqueue_dma source(%dma_start3A_89 : memref<640x128xbf16, #tpu.memory_space<vmem_shared>>) target(%dma_start3A_87 : memref<640x128xbf16, #tpu.memory_space<hbm>>) target_semaphore(%run_scoped3A_86 : memref<!tpu.dma_semaphore, #tpu.memory_space<semaphore_mem>>)
        %dma_wait3A_90 = tpu.memref_slice %arg7[%mul3A_83, %mul3A_85] : memref<10000x256xbf16, #tpu.memory_space<hbm>> -> memref<640x128xbf16, #tpu.memory_space<hbm>>
        %dma_wait3A_91 = arith.constant 0 : i32
        %dma_wait3A_92 = tpu.memref_slice %arg23[%mul3A_83, %dma_wait3A_91] : memref<10000x128xbf16, #tpu.memory_space<vmem_shared>> -> memref<640x128xbf16, #tpu.memory_space<vmem_shared>>
        tpu.wait_dma2 semaphore(%run_scoped3A_86 : memref<!tpu.dma_semaphore, #tpu.memory_space<semaphore_mem>>) src(%dma_wait3A_92 : memref<640x128xbf16, #tpu.memory_space<vmem_shared>>) dst(%dma_wait3A_90 : memref<640x128xbf16, #tpu.memory_space<hbm>>)
        tpu.yield
      }) : () -> ()
    } else {
    }
    %eq3A_77 = arith.constant 15 : i32
    %eq3A_78 = arith.cmpi eq, %arg1, %eq3A_77 : i32
    %convert_element_type3A_79 = arith.extui %eq3A_78 : i1 to i32
    %cond3A_80 = arith.constant 0 : i32
    %cond3A_81 = arith.cmpi ne, %convert_element_type3A_79, %cond3A_80 : i32
    scf.if %cond3A_81 {
      %mul3A_82 = arith.constant 128 : i32
      %mul3A_83 = arith.muli %arg0, %mul3A_82 : i32
      "tpu.region"() ({
        %run_scoped3A_84 = tpu.sem_alloc : memref<!tpu.dma_semaphore, #tpu.memory_space<semaphore_mem>>
        %dma_start3A_85 = arith.constant 9600 : i32
        %dma_start3A_86 = tpu.memref_slice %arg7[%dma_start3A_85, %mul3A_83] : memref<10000x256xbf16, #tpu.memory_space<hbm>> -> memref<400x128xbf16, #tpu.memory_space<hbm>>
        %dma_start3A_87 = arith.constant 9600 : i32
        %dma_start3A_88 = arith.constant 0 : i32
        %dma_start3A_89 = tpu.memref_slice %arg23[%dma_start3A_87, %dma_start3A_88] : memref<10000x128xbf16, #tpu.memory_space<vmem_shared>> -> memref<400x128xbf16, #tpu.memory_space<vmem_shared>>
        tpu.enqueue_dma source(%dma_start3A_89 : memref<400x128xbf16, #tpu.memory_space<vmem_shared>>) target(%dma_start3A_86 : memref<400x128xbf16, #tpu.memory_space<hbm>>) target_semaphore(%run_scoped3A_84 : memref<!tpu.dma_semaphore, #tpu.memory_space<semaphore_mem>>)
        %dma_wait3A_90 = arith.constant 9600 : i32
        %dma_wait3A_91 = tpu.memref_slice %arg7[%dma_wait3A_90, %mul3A_83] : memref<10000x256xbf16, #tpu.memory_space<hbm>> -> memref<400x128xbf16, #tpu.memory_space<hbm>>
        %dma_wait3A_92 = arith.constant 9600 : i32
        %dma_wait3A_93 = arith.constant 0 : i32
        %dma_wait3A_94 = tpu.memref_slice %arg23[%dma_wait3A_92, %dma_wait3A_93] : memref<10000x128xbf16, #tpu.memory_space<vmem_shared>> -> memref<400x128xbf16, #tpu.memory_space<vmem_shared>>
        tpu.wait_dma2 semaphore(%run_scoped3A_84 : memref<!tpu.dma_semaphore, #tpu.memory_space<semaphore_mem>>) src(%dma_wait3A_94 : memref<400x128xbf16, #tpu.memory_space<vmem_shared>>) dst(%dma_wait3A_91 : memref<400x128xbf16, #tpu.memory_space<hbm>>)
        tpu.yield
      }) : () -> ()
    } else {
    }
    return
  }
}

module attributes {stable_mosaic.version = 14 : i64} {
  func.func @_pre_body(%arg0: i32, %arg1: memref<1000x128xf32, #tpu.memory_space<vmem>>, %arg2: memref<128x128xf32, #tpu.memory_space<vmem>>, %arg3: memref<1x128xf32, #tpu.memory_space<vmem>>, %arg4: memref<1000x128xbf16, #tpu.memory_space<vmem>>) attributes {dimension_semantics = [#tpu.dimension_semantics<arbitrary>], iteration_bounds = array<i64: 10>, scalar_prefetch = 0 : i64, scratch_operands = 0 : i64, tpu.core_type = #tpu.core_type<tc>, window_params = [{transform_indices = @transform_0, window_bounds = array<i64: 1000, 128>}, {pipeline_mode = #tpu.pipeline_mode<synchronous>, transform_indices = @transform_1, window_bounds = array<i64: 128, 128>}, {pipeline_mode = #tpu.pipeline_mode<synchronous>, transform_indices = @transform_2, window_bounds = array<i64: 1, 128>}, {transform_indices = @transform_3, window_bounds = array<i64: 1000, 128>}]} {
    %get3A = arith.constant 0 : index
    %get3A_0 = arith.constant 0 : index
    %get3A_1 = vector.load %arg1[%get3A, %get3A_0] : memref<1000x128xf32, #tpu.memory_space<vmem>>, vector<1000x128xf32>
    %get3A_2 = arith.constant 0 : index
    %get3A_3 = arith.constant 0 : index
    %get3A_4 = vector.load %arg2[%get3A_2, %get3A_3] : memref<128x128xf32, #tpu.memory_space<vmem>>, vector<128x128xf32>
    %dot_general3A = arith.constant dense<0.000000e+00> : vector<1000x128xf32>
    %dot_general3A_5 = tpu.matmul %get3A_1, %get3A_4, %dot_general3A {dimension_numbers = #tpu.dot_dimension_numbers<[1], [0], [0], [1], [0, 0, 1, 1], [], []>, transpose_lhs_hint = false} : vector<1000x128xf32>, vector<128x128xf32>, vector<1000x128xf32> -> vector<1000x128xf32>
    %get3A_6 = arith.constant 0 : index
    %get3A_7 = arith.constant 0 : index
    %get3A_8 = vector.load %arg3[%get3A_6, %get3A_7] : memref<1x128xf32, #tpu.memory_space<vmem>>, vector<1x128xf32>
    %add3A = vector.broadcast %get3A_8 : vector<1x128xf32> to vector<1000x128xf32>
    %add3A_9 = arith.addf %dot_general3A_5, %add3A : vector<1000x128xf32>
    %convert_element_type3A = arith.truncf %add3A_9 : vector<1000x128xf32> to vector<1000x128xbf16>
    %swap3A = arith.constant 0 : index
    %swap3A_10 = arith.constant 0 : index
    %swap3A_11 = vector.load %arg4[%swap3A, %swap3A_10] : memref<1000x128xbf16, #tpu.memory_space<vmem>>, vector<1000x128xbf16>
    tpu.vector_store %arg4[%swap3A, %swap3A_10], %convert_element_type3A {strides = array<i32>} : memref<1000x128xbf16, #tpu.memory_space<vmem>>, vector<1000x128xbf16>,
    return
  }
  func.func @transform_0(%arg0: i32) -> (i32, i32) {
    %c0_i32 = arith.constant 0 : i32
    %c0_i32_0 = arith.constant 0 : i32
    return %arg0, %c0_i32 : i32, i32
  }
  func.func @transform_1(%arg0: i32) -> (i32, i32) {
    %c0_i32 = arith.constant 0 : i32
    %c0_i32_0 = arith.constant 0 : i32
    %c0_i32_1 = arith.constant 0 : i32
    return %c0_i32, %c0_i32_0 : i32, i32
  }
  func.func @transform_2(%arg0: i32) -> (i32, i32) {
    %c0_i32 = arith.constant 0 : i32
    %c0_i32_0 = arith.constant 0 : i32
    %c0_i32_1 = arith.constant 0 : i32
    return %c0_i32, %c0_i32_0 : i32, i32
  }
  func.func @transform_3(%arg0: i32) -> (i32, i32) {
    %c0_i32 = arith.constant 0 : i32
    %c0_i32_0 = arith.constant 0 : i32
    return %arg0, %c0_i32 : i32, i32
  }
}

module attributes {stable_mosaic.version = 14 : i64} {
  func.func @_fold_body(%arg0: i32, %arg1: memref<1x128x128xf32, #tpu.memory_space<vmem>>, %arg2: memref<1x128x128xf32, #tpu.memory_space<vmem>>, %arg3: memref<1x1x128xf32, #tpu.memory_space<vmem>>, %arg4: memref<1x128x128xf32, #tpu.memory_space<vmem>>, %arg5: memref<1x1x128xf32, #tpu.memory_space<vmem>>, %arg6: memref<1x128x256xf32, #tpu.memory_space<vmem>>, %arg7: memref<1x1x128xf32, #tpu.memory_space<vmem>>) attributes {dimension_semantics = [#tpu.dimension_semantics<arbitrary>], iteration_bounds = array<i64: 3>, scalar_prefetch = 0 : i64, scratch_operands = 0 : i64, tpu.core_type = #tpu.core_type<tc>, window_params = [{transform_indices = @transform_0, window_bounds = array<i64: 1, 128, 128>}, {transform_indices = @transform_1, window_bounds = array<i64: 1, 128, 128>}, {transform_indices = @transform_2, window_bounds = array<i64: 1, 1, 128>}, {transform_indices = @transform_3, window_bounds = array<i64: 1, 128, 128>}, {transform_indices = @transform_4, window_bounds = array<i64: 1, 1, 128>}, {transform_indices = @transform_5, window_bounds = array<i64: 1, 128, 256>}, {transform_indices = @transform_6, window_bounds = array<i64: 1, 1, 128>}]} {
    %get3A = arith.constant 0 : index
    %get3A_0 = arith.constant 0 : index
    %get3A_1 = arith.constant 0 : index
    %get3A_2 = vector.load %arg4[%get3A, %get3A_0, %get3A_1] : memref<1x128x128xf32, #tpu.memory_space<vmem>>, vector<1x128x128xf32>
    %get3A_3 = vector.shape_cast %get3A_2 : vector<1x128x128xf32> to vector<128x128xf32>
    %get3A_4 = arith.constant 0 : index
    %get3A_5 = arith.constant 0 : index
    %get3A_6 = arith.constant 0 : index
    %get3A_7 = vector.load %arg2[%get3A_4, %get3A_5, %get3A_6] : memref<1x128x128xf32, #tpu.memory_space<vmem>>, vector<1x128x128xf32>
    %get3A_8 = vector.shape_cast %get3A_7 : vector<1x128x128xf32> to vector<128x128xf32>
    %dot_general3A = arith.constant dense<0.000000e+00> : vector<128x128xf32>
    %dot_general3A_9 = tpu.matmul %get3A_8, %get3A_3, %dot_general3A {dimension_numbers = #tpu.dot_dimension_numbers<[1], [0], [0], [1], [0, 0, 1, 1], [], []>, transpose_lhs_hint = false} : vector<128x128xf32>, vector<128x128xf32>, vector<128x128xf32> -> vector<128x128xf32>
    %swap3A = arith.constant 0 : index
    %swap3A_10 = arith.constant 0 : index
    %swap3A_11 = arith.constant 0 : index
    %swap3A_12 = vector.load %arg6[%swap3A, %swap3A_10, %swap3A_11] : memref<1x128x256xf32, #tpu.memory_space<vmem>>, vector<1x128x128xf32>
    %swap3A_13 = vector.shape_cast %swap3A_12 : vector<1x128x128xf32> to vector<128x128xf32>
    %swap3A_14 = vector.shape_cast %dot_general3A_9 : vector<128x128xf32> to vector<1x128x128xf32>
    tpu.vector_store %arg6[%swap3A, %swap3A_10, %swap3A_11], %swap3A_14 {strides = array<i32>} : memref<1x128x256xf32, #tpu.memory_space<vmem>>, vector<1x128x128xf32>,
    %get3A_15 = arith.constant 0 : index
    %get3A_16 = arith.constant 0 : index
    %get3A_17 = arith.constant 0 : index
    %get3A_18 = vector.load %arg1[%get3A_15, %get3A_16, %get3A_17] : memref<1x128x128xf32, #tpu.memory_space<vmem>>, vector<1x128x128xf32>
    %get3A_19 = vector.shape_cast %get3A_18 : vector<1x128x128xf32> to vector<128x128xf32>
    %dot_general3A_20 = arith.constant dense<0.000000e+00> : vector<128x128xf32>
    %dot_general3A_21 = tpu.matmul %get3A_19, %get3A_3, %dot_general3A_20 {dimension_numbers = #tpu.dot_dimension_numbers<[1], [0], [0], [1], [0, 0, 1, 1], [], []>, transpose_lhs_hint = false} : vector<128x128xf32>, vector<128x128xf32>, vector<128x128xf32> -> vector<128x128xf32>
    %swap3A_22 = arith.constant 0 : index
    %swap3A_23 = arith.constant 0 : index
    %swap3A_24 = arith.constant 128 : index
    %swap3A_25 = vector.load %arg6[%swap3A_22, %swap3A_23, %swap3A_24] : memref<1x128x256xf32, #tpu.memory_space<vmem>>, vector<1x128x128xf32>
    %swap3A_26 = vector.shape_cast %swap3A_25 : vector<1x128x128xf32> to vector<128x128xf32>
    %swap3A_27 = vector.shape_cast %dot_general3A_21 : vector<128x128xf32> to vector<1x128x128xf32>
    tpu.vector_store %arg6[%swap3A_22, %swap3A_23, %swap3A_24], %swap3A_27 {strides = array<i32>} : memref<1x128x256xf32, #tpu.memory_space<vmem>>, vector<1x128x128xf32>,
    %get3A_28 = arith.constant 0 : index
    %get3A_29 = arith.constant 0 : index
    %get3A_30 = arith.constant 0 : index
    %get3A_31 = vector.load %arg3[%get3A_28, %get3A_29, %get3A_30] : memref<1x1x128xf32, #tpu.memory_space<vmem>>, vector<1x1x128xf32>
    %get3A_32 = vector.shape_cast %get3A_31 : vector<1x1x128xf32> to vector<1x128xf32>
    %dot_general3A_33 = arith.constant dense<0.000000e+00> : vector<1x128xf32>
    %dot_general3A_34 = tpu.matmul %get3A_32, %get3A_3, %dot_general3A_33 {dimension_numbers = #tpu.dot_dimension_numbers<[1], [0], [0], [1], [0, 0, 1, 1], [], []>, transpose_lhs_hint = false} : vector<1x128xf32>, vector<128x128xf32>, vector<1x128xf32> -> vector<1x128xf32>
    %get3A_35 = arith.constant 0 : index
    %get3A_36 = arith.constant 0 : index
    %get3A_37 = arith.constant 0 : index
    %get3A_38 = vector.load %arg5[%get3A_35, %get3A_36, %get3A_37] : memref<1x1x128xf32, #tpu.memory_space<vmem>>, vector<1x1x128xf32>
    %get3A_39 = vector.shape_cast %get3A_38 : vector<1x1x128xf32> to vector<1x128xf32>
    %add3A = arith.addf %dot_general3A_34, %get3A_39 : vector<1x128xf32>
    %swap3A_40 = arith.constant 0 : index
    %swap3A_41 = arith.constant 0 : index
    %swap3A_42 = arith.constant 0 : index
    %swap3A_43 = vector.load %arg7[%swap3A_40, %swap3A_41, %swap3A_42] : memref<1x1x128xf32, #tpu.memory_space<vmem>>, vector<1x1x128xf32>
    %swap3A_44 = vector.shape_cast %swap3A_43 : vector<1x1x128xf32> to vector<1x128xf32>
    %swap3A_45 = vector.shape_cast %add3A : vector<1x128xf32> to vector<1x1x128xf32>
    tpu.vector_store %arg7[%swap3A_40, %swap3A_41, %swap3A_42], %swap3A_45 {strides = array<i32>} : memref<1x1x128xf32, #tpu.memory_space<vmem>>, vector<1x1x128xf32>,
    return
  }
  func.func @transform_0(%arg0: i32) -> (i32, i32, i32) {
    %c0_i32 = arith.constant 0 : i32
    %c0_i32_0 = arith.constant 0 : i32
    %c0_i32_1 = arith.constant 0 : i32
    return %arg0, %c0_i32, %c0_i32_0 : i32, i32, i32
  }
  func.func @transform_1(%arg0: i32) -> (i32, i32, i32) {
    %c0_i32 = arith.constant 0 : i32
    %c0_i32_0 = arith.constant 0 : i32
    %c0_i32_1 = arith.constant 0 : i32
    return %arg0, %c0_i32, %c0_i32_0 : i32, i32, i32
  }
  func.func @transform_2(%arg0: i32) -> (i32, i32, i32) {
    %c0_i32 = arith.constant 0 : i32
    %c0_i32_0 = arith.constant 0 : i32
    %c0_i32_1 = arith.constant 0 : i32
    return %arg0, %c0_i32, %c0_i32_0 : i32, i32, i32
  }
  func.func @transform_3(%arg0: i32) -> (i32, i32, i32) {
    %c0_i32 = arith.constant 0 : i32
    %c0_i32_0 = arith.constant 0 : i32
    %c0_i32_1 = arith.constant 0 : i32
    return %arg0, %c0_i32, %c0_i32_0 : i32, i32, i32
  }
  func.func @transform_4(%arg0: i32) -> (i32, i32, i32) {
    %c0_i32 = arith.constant 0 : i32
    %c0_i32_0 = arith.constant 0 : i32
    %c0_i32_1 = arith.constant 0 : i32
    return %arg0, %c0_i32, %c0_i32_0 : i32, i32, i32
  }
  func.func @transform_5(%arg0: i32) -> (i32, i32, i32) {
    %c0_i32 = arith.constant 0 : i32
    %c0_i32_0 = arith.constant 0 : i32
    %c0_i32_1 = arith.constant 0 : i32
    return %arg0, %c0_i32, %c0_i32_0 : i32, i32, i32
  }
  func.func @transform_6(%arg0: i32) -> (i32, i32, i32) {
    %c0_i32 = arith.constant 0 : i32
    %c0_i32_0 = arith.constant 0 : i32
    %c0_i32_1 = arith.constant 0 : i32
    return %arg0, %c0_i32, %c0_i32_0 : i32, i32, i32
  }
}

module attributes {stable_mosaic.version = 14 : i64} {
  func.func @_midA_body(%arg0: i32, %arg1: memref<1000x128xf32, #tpu.memory_space<vmem>>, %arg2: memref<128x256xf32, #tpu.memory_space<vmem>>, %arg3: memref<1000x256xf32, #tpu.memory_space<vmem>>) attributes {dimension_semantics = [#tpu.dimension_semantics<arbitrary>], iteration_bounds = array<i64: 10>, scalar_prefetch = 0 : i64, scratch_operands = 0 : i64, tpu.core_type = #tpu.core_type<tc>, window_params = [{transform_indices = @transform_0, window_bounds = array<i64: 1000, 128>}, {pipeline_mode = #tpu.pipeline_mode<synchronous>, transform_indices = @transform_1, window_bounds = array<i64: 128, 256>}, {transform_indices = @transform_2, window_bounds = array<i64: 1000, 256>}]} {
    %get3A = arith.constant 0 : index
    %get3A_0 = arith.constant 0 : index
    %get3A_1 = vector.load %arg1[%get3A, %get3A_0] : memref<1000x128xf32, #tpu.memory_space<vmem>>, vector<1000x128xf32>
    %get3A_2 = arith.constant 0 : index
    %get3A_3 = arith.constant 0 : index
    %get3A_4 = vector.load %arg2[%get3A_2, %get3A_3] : memref<128x256xf32, #tpu.memory_space<vmem>>, vector<128x256xf32>
    %dot_general3A = arith.constant dense<0.000000e+00> : vector<1000x256xf32>
    %dot_general3A_5 = tpu.matmul %get3A_1, %get3A_4, %dot_general3A {dimension_numbers = #tpu.dot_dimension_numbers<[1], [0], [0], [1], [0, 0, 1, 1], [], []>, transpose_lhs_hint = false} : vector<1000x128xf32>, vector<128x256xf32>, vector<1000x256xf32> -> vector<1000x256xf32>
    %swap3A = arith.constant 0 : index
    %swap3A_6 = arith.constant 0 : index
    %swap3A_7 = vector.load %arg3[%swap3A, %swap3A_6] : memref<1000x256xf32, #tpu.memory_space<vmem>>, vector<1000x256xf32>
    tpu.vector_store %arg3[%swap3A, %swap3A_6], %dot_general3A_5 {strides = array<i32>} : memref<1000x256xf32, #tpu.memory_space<vmem>>, vector<1000x256xf32>,
    return
  }
  func.func @transform_0(%arg0: i32) -> (i32, i32) {
    %c0_i32 = arith.constant 0 : i32
    %c0_i32_0 = arith.constant 0 : i32
    return %arg0, %c0_i32 : i32, i32
  }
  func.func @transform_1(%arg0: i32) -> (i32, i32) {
    %c0_i32 = arith.constant 0 : i32
    %c0_i32_0 = arith.constant 0 : i32
    %c0_i32_1 = arith.constant 0 : i32
    return %c0_i32, %c0_i32_0 : i32, i32
  }
  func.func @transform_2(%arg0: i32) -> (i32, i32) {
    %c0_i32 = arith.constant 0 : i32
    %c0_i32_0 = arith.constant 0 : i32
    return %arg0, %c0_i32 : i32, i32
  }
}

module attributes {stable_mosaic.version = 14 : i64} {
  func.func @_mid_body(%arg0: i32, %arg1: memref<1000x256xbf16, #tpu.memory_space<vmem>>, %arg2: memref<1000x256xf32, #tpu.memory_space<vmem>>, %arg3: memref<2x1000x8xf32, #tpu.memory_space<vmem>>, %arg4: memref<128x128xf32, #tpu.memory_space<vmem>>, %arg5: memref<1x128xf32, #tpu.memory_space<vmem>>, %arg6: memref<128x128xf32, #tpu.memory_space<vmem>>, %arg7: memref<1x128xf32, #tpu.memory_space<vmem>>, %arg8: memref<1000x128xf32, #tpu.memory_space<vmem>>, %arg9: memref<1000x128xbf16, #tpu.memory_space<vmem>>) attributes {dimension_semantics = [#tpu.dimension_semantics<arbitrary>], iteration_bounds = array<i64: 10>, scalar_prefetch = 0 : i64, scratch_operands = 0 : i64, tpu.core_type = #tpu.core_type<tc>, window_params = [{transform_indices = @transform_0, window_bounds = array<i64: 1000, 256>}, {transform_indices = @transform_1, window_bounds = array<i64: 1000, 256>}, {transform_indices = @transform_2, window_bounds = array<i64: 2, 1000, 8>}, {pipeline_mode = #tpu.pipeline_mode<synchronous>, transform_indices = @transform_3, window_bounds = array<i64: 128, 128>}, {pipeline_mode = #tpu.pipeline_mode<synchronous>, transform_indices = @transform_4, window_bounds = array<i64: 1, 128>}, {pipeline_mode = #tpu.pipeline_mode<synchronous>, transform_indices = @transform_5, window_bounds = array<i64: 128, 128>}, {pipeline_mode = #tpu.pipeline_mode<synchronous>, transform_indices = @transform_6, window_bounds = array<i64: 1, 128>}, {transform_indices = @transform_7, window_bounds = array<i64: 1000, 128>}, {transform_indices = @transform_8, window_bounds = array<i64: 1000, 128>}]} {
    %get3A = arith.constant 0 : index
    %get3A_0 = arith.constant 0 : index
    %get3A_1 = vector.load %arg1[%get3A, %get3A_0] : memref<1000x256xbf16, #tpu.memory_space<vmem>>, vector<1000x128xbf16>
    %convert_element_type3A = arith.extf %get3A_1 : vector<1000x128xbf16> to vector<1000x128xf32>
    %get3A_2 = arith.constant 0 : index
    %get3A_3 = arith.constant 128 : index
    %get3A_4 = vector.load %arg1[%get3A_2, %get3A_3] : memref<1000x256xbf16, #tpu.memory_space<vmem>>, vector<1000x128xbf16>
    %convert_element_type3A_5 = arith.extf %get3A_4 : vector<1000x128xbf16> to vector<1000x128xf32>
    %add3A = arith.addf %convert_element_type3A, %convert_element_type3A_5 : vector<1000x128xf32>
    %get3A_6 = arith.constant 0 : index
    %get3A_7 = arith.constant 0 : index
    %get3A_8 = vector.load %arg2[%get3A_6, %get3A_7] : memref<1000x256xf32, #tpu.memory_space<vmem>>, vector<1000x256xf32>
    %get3A_9 = arith.constant 0 : index
    %get3A_10 = arith.constant 0 : index
    %get3A_11 = arith.constant 0 : index
    %get3A_12 = vector.load %arg3[%get3A_9, %get3A_10, %get3A_11] : memref<2x1000x8xf32, #tpu.memory_space<vmem>>, vector<1x1000x1xf32>
    %get3A_13 = vector.shape_cast %get3A_12 : vector<1x1000x1xf32> to vector<1000x1xf32>
    %get3A_14 = arith.constant 1 : index
    %get3A_15 = arith.constant 0 : index
    %get3A_16 = arith.constant 0 : index
    %get3A_17 = vector.load %arg3[%get3A_14, %get3A_15, %get3A_16] : memref<2x1000x8xf32, #tpu.memory_space<vmem>>, vector<1x1000x1xf32>
    %get3A_18 = vector.shape_cast %get3A_17 : vector<1x1000x1xf32> to vector<1000x1xf32>
    %add3A_19 = arith.addf %get3A_13, %get3A_18 : vector<1000x1xf32>
    %get3A_20 = arith.constant 0 : index
    %get3A_21 = arith.constant 0 : index
    %get3A_22 = vector.load %arg4[%get3A_20, %get3A_21] : memref<128x128xf32, #tpu.memory_space<vmem>>, vector<128x128xf32>
    %dot_general3A = arith.constant dense<0.000000e+00> : vector<1000x128xf32>
    %dot_general3A_23 = tpu.matmul %add3A, %get3A_22, %dot_general3A {dimension_numbers = #tpu.dot_dimension_numbers<[1], [0], [0], [1], [0, 0, 1, 1], [], []>, transpose_lhs_hint = false} : vector<1000x128xf32>, vector<128x128xf32>, vector<1000x128xf32> -> vector<1000x128xf32>
    %slice3A = vector.extract_strided_slice %get3A_8 {offsets = [0, 0], sizes = [1000, 128], strides = [1, 1]} : vector<1000x256xf32> to vector<1000x128xf32>
    %add3A_24 = arith.addf %dot_general3A_23, %slice3A : vector<1000x128xf32>
    %slice3A_25 = vector.extract_strided_slice %get3A_8 {offsets = [0, 128], sizes = [1000, 128], strides = [1, 1]} : vector<1000x256xf32> to vector<1000x128xf32>
    %mul3A = vector.broadcast %add3A_19 : vector<1000x1xf32> to vector<1000x128xf32>
    %mul3A_26 = arith.mulf %mul3A, %slice3A_25 : vector<1000x128xf32>
    %sub3A = arith.subf %add3A_24, %mul3A_26 : vector<1000x128xf32>
    %get3A_27 = arith.constant 0 : index
    %get3A_28 = arith.constant 0 : index
    %get3A_29 = vector.load %arg5[%get3A_27, %get3A_28] : memref<1x128xf32, #tpu.memory_space<vmem>>, vector<1x128xf32>
    %add3A_30 = vector.broadcast %get3A_29 : vector<1x128xf32> to vector<1000x128xf32>
    %add3A_31 = arith.addf %sub3A, %add3A_30 : vector<1000x128xf32>
    %max3A = arith.constant 0.000000e+00 : f32
    %max3A_32 = vector.broadcast %max3A : f32 to vector<1000x128xf32>
    %max3A_33 = arith.maximumf %add3A_31, %max3A_32 : vector<1000x128xf32>
    %swap3A = arith.constant 0 : index
    %swap3A_34 = arith.constant 0 : index
    %swap3A_35 = vector.load %arg8[%swap3A, %swap3A_34] : memref<1000x128xf32, #tpu.memory_space<vmem>>, vector<1000x128xf32>
    tpu.vector_store %arg8[%swap3A, %swap3A_34], %max3A_33 {strides = array<i32>} : memref<1000x128xf32, #tpu.memory_space<vmem>>, vector<1000x128xf32>,
    %get3A_36 = arith.constant 0 : index
    %get3A_37 = arith.constant 0 : index
    %get3A_38 = vector.load %arg6[%get3A_36, %get3A_37] : memref<128x128xf32, #tpu.memory_space<vmem>>, vector<128x128xf32>
    %dot_general3A_39 = arith.constant dense<0.000000e+00> : vector<1000x128xf32>
    %dot_general3A_40 = tpu.matmul %max3A_33, %get3A_38, %dot_general3A_39 {dimension_numbers = #tpu.dot_dimension_numbers<[1], [0], [0], [1], [0, 0, 1, 1], [], []>, transpose_lhs_hint = false} : vector<1000x128xf32>, vector<128x128xf32>, vector<1000x128xf32> -> vector<1000x128xf32>
    %get3A_41 = arith.constant 0 : index
    %get3A_42 = arith.constant 0 : index
    %get3A_43 = vector.load %arg7[%get3A_41, %get3A_42] : memref<1x128xf32, #tpu.memory_space<vmem>>, vector<1x128xf32>
    %add3A_44 = vector.broadcast %get3A_43 : vector<1x128xf32> to vector<1000x128xf32>
    %add3A_45 = arith.addf %dot_general3A_40, %add3A_44 : vector<1000x128xf32>
    %convert_element_type3A_46 = arith.truncf %add3A_45 : vector<1000x128xf32> to vector<1000x128xbf16>
    %swap3A_47 = arith.constant 0 : index
    %swap3A_48 = arith.constant 0 : index
    %swap3A_49 = vector.load %arg9[%swap3A_47, %swap3A_48] : memref<1000x128xbf16, #tpu.memory_space<vmem>>, vector<1000x128xbf16>
    tpu.vector_store %arg9[%swap3A_47, %swap3A_48], %convert_element_type3A_46 {strides = array<i32>} : memref<1000x128xbf16, #tpu.memory_space<vmem>>, vector<1000x128xbf16>,
    return
  }
  func.func @transform_0(%arg0: i32) -> (i32, i32) {
    %c0_i32 = arith.constant 0 : i32
    %c0_i32_0 = arith.constant 0 : i32
    return %arg0, %c0_i32 : i32, i32
  }
  func.func @transform_1(%arg0: i32) -> (i32, i32) {
    %c0_i32 = arith.constant 0 : i32
    %c0_i32_0 = arith.constant 0 : i32
    return %arg0, %c0_i32 : i32, i32
  }
  func.func @transform_2(%arg0: i32) -> (i32, i32, i32) {
    %c0_i32 = arith.constant 0 : i32
    %c0_i32_0 = arith.constant 0 : i32
    %c0_i32_1 = arith.constant 0 : i32
    return %c0_i32, %arg0, %c0_i32_0 : i32, i32, i32
  }
  func.func @transform_3(%arg0: i32) -> (i32, i32) {
    %c0_i32 = arith.constant 0 : i32
    %c0_i32_0 = arith.constant 0 : i32
    %c0_i32_1 = arith.constant 0 : i32
    return %c0_i32, %c0_i32_0 : i32, i32
  }
  func.func @transform_4(%arg0: i32) -> (i32, i32) {
    %c0_i32 = arith.constant 0 : i32
    %c0_i32_0 = arith.constant 0 : i32
    %c0_i32_1 = arith.constant 0 : i32
    return %c0_i32, %c0_i32_0 : i32, i32
  }
  func.func @transform_5(%arg0: i32) -> (i32, i32) {
    %c0_i32 = arith.constant 0 : i32
    %c0_i32_0 = arith.constant 0 : i32
    %c0_i32_1 = arith.constant 0 : i32
    return %c0_i32, %c0_i32_0 : i32, i32
  }
  func.func @transform_6(%arg0: i32) -> (i32, i32) {
    %c0_i32 = arith.constant 0 : i32
    %c0_i32_0 = arith.constant 0 : i32
    %c0_i32_1 = arith.constant 0 : i32
    return %c0_i32, %c0_i32_0 : i32, i32
  }
  func.func @transform_7(%arg0: i32) -> (i32, i32) {
    %c0_i32 = arith.constant 0 : i32
    %c0_i32_0 = arith.constant 0 : i32
    return %arg0, %c0_i32 : i32, i32
  }
  func.func @transform_8(%arg0: i32) -> (i32, i32) {
    %c0_i32 = arith.constant 0 : i32
    %c0_i32_0 = arith.constant 0 : i32
    return %arg0, %c0_i32 : i32, i32
  }
}

module attributes {stable_mosaic.version = 14 : i64} {
  func.func @_post_body(%arg0: i32, %arg1: memref<1000x256xbf16, #tpu.memory_space<vmem>>, %arg2: memref<1000x256xf32, #tpu.memory_space<vmem>>, %arg3: memref<2x1000x8xf32, #tpu.memory_space<vmem>>, %arg4: memref<128x128xf32, #tpu.memory_space<vmem>>, %arg5: memref<1x128xf32, #tpu.memory_space<vmem>>, %arg6: memref<1000x128xf32, #tpu.memory_space<vmem>>) attributes {dimension_semantics = [#tpu.dimension_semantics<arbitrary>], iteration_bounds = array<i64: 10>, scalar_prefetch = 0 : i64, scratch_operands = 0 : i64, tpu.core_type = #tpu.core_type<tc>, window_params = [{transform_indices = @transform_0, window_bounds = array<i64: 1000, 256>}, {transform_indices = @transform_1, window_bounds = array<i64: 1000, 256>}, {transform_indices = @transform_2, window_bounds = array<i64: 2, 1000, 8>}, {pipeline_mode = #tpu.pipeline_mode<synchronous>, transform_indices = @transform_3, window_bounds = array<i64: 128, 128>}, {pipeline_mode = #tpu.pipeline_mode<synchronous>, transform_indices = @transform_4, window_bounds = array<i64: 1, 128>}, {transform_indices = @transform_5, window_bounds = array<i64: 1000, 128>}]} {
    %get3A = arith.constant 0 : index
    %get3A_0 = arith.constant 0 : index
    %get3A_1 = vector.load %arg1[%get3A, %get3A_0] : memref<1000x256xbf16, #tpu.memory_space<vmem>>, vector<1000x128xbf16>
    %convert_element_type3A = arith.extf %get3A_1 : vector<1000x128xbf16> to vector<1000x128xf32>
    %get3A_2 = arith.constant 0 : index
    %get3A_3 = arith.constant 128 : index
    %get3A_4 = vector.load %arg1[%get3A_2, %get3A_3] : memref<1000x256xbf16, #tpu.memory_space<vmem>>, vector<1000x128xbf16>
    %convert_element_type3A_5 = arith.extf %get3A_4 : vector<1000x128xbf16> to vector<1000x128xf32>
    %add3A = arith.addf %convert_element_type3A, %convert_element_type3A_5 : vector<1000x128xf32>
    %get3A_6 = arith.constant 0 : index
    %get3A_7 = arith.constant 0 : index
    %get3A_8 = vector.load %arg2[%get3A_6, %get3A_7] : memref<1000x256xf32, #tpu.memory_space<vmem>>, vector<1000x256xf32>
    %get3A_9 = arith.constant 0 : index
    %get3A_10 = arith.constant 0 : index
    %get3A_11 = arith.constant 0 : index
    %get3A_12 = vector.load %arg3[%get3A_9, %get3A_10, %get3A_11] : memref<2x1000x8xf32, #tpu.memory_space<vmem>>, vector<1x1000x1xf32>
    %get3A_13 = vector.shape_cast %get3A_12 : vector<1x1000x1xf32> to vector<1000x1xf32>
    %get3A_14 = arith.constant 1 : index
    %get3A_15 = arith.constant 0 : index
    %get3A_16 = arith.constant 0 : index
    %get3A_17 = vector.load %arg3[%get3A_14, %get3A_15, %get3A_16] : memref<2x1000x8xf32, #tpu.memory_space<vmem>>, vector<1x1000x1xf32>
    %get3A_18 = vector.shape_cast %get3A_17 : vector<1x1000x1xf32> to vector<1000x1xf32>
    %add3A_19 = arith.addf %get3A_13, %get3A_18 : vector<1000x1xf32>
    %get3A_20 = arith.constant 0 : index
    %get3A_21 = arith.constant 0 : index
    %get3A_22 = vector.load %arg4[%get3A_20, %get3A_21] : memref<128x128xf32, #tpu.memory_space<vmem>>, vector<128x128xf32>
    %dot_general3A = arith.constant dense<0.000000e+00> : vector<1000x128xf32>
    %dot_general3A_23 = tpu.matmul %add3A, %get3A_22, %dot_general3A {dimension_numbers = #tpu.dot_dimension_numbers<[1], [0], [0], [1], [0, 0, 1, 1], [], []>, transpose_lhs_hint = false} : vector<1000x128xf32>, vector<128x128xf32>, vector<1000x128xf32> -> vector<1000x128xf32>
    %slice3A = vector.extract_strided_slice %get3A_8 {offsets = [0, 0], sizes = [1000, 128], strides = [1, 1]} : vector<1000x256xf32> to vector<1000x128xf32>
    %add3A_24 = arith.addf %dot_general3A_23, %slice3A : vector<1000x128xf32>
    %slice3A_25 = vector.extract_strided_slice %get3A_8 {offsets = [0, 128], sizes = [1000, 128], strides = [1, 1]} : vector<1000x256xf32> to vector<1000x128xf32>
    %mul3A = vector.broadcast %add3A_19 : vector<1000x1xf32> to vector<1000x128xf32>
    %mul3A_26 = arith.mulf %mul3A, %slice3A_25 : vector<1000x128xf32>
    %sub3A = arith.subf %add3A_24, %mul3A_26 : vector<1000x128xf32>
    %get3A_27 = arith.constant 0 : index
    %get3A_28 = arith.constant 0 : index
    %get3A_29 = vector.load %arg5[%get3A_27, %get3A_28] : memref<1x128xf32, #tpu.memory_space<vmem>>, vector<1x128xf32>
    %add3A_30 = vector.broadcast %get3A_29 : vector<1x128xf32> to vector<1000x128xf32>
    %add3A_31 = arith.addf %sub3A, %add3A_30 : vector<1000x128xf32>
    %max3A = arith.constant 0.000000e+00 : f32
    %max3A_32 = vector.broadcast %max3A : f32 to vector<1000x128xf32>
    %max3A_33 = arith.maximumf %add3A_31, %max3A_32 : vector<1000x128xf32>
    %swap3A = arith.constant 0 : index
    %swap3A_34 = arith.constant 0 : index
    %swap3A_35 = vector.load %arg6[%swap3A, %swap3A_34] : memref<1000x128xf32, #tpu.memory_space<vmem>>, vector<1000x128xf32>
    tpu.vector_store %arg6[%swap3A, %swap3A_34], %max3A_33 {strides = array<i32>} : memref<1000x128xf32, #tpu.memory_space<vmem>>, vector<1000x128xf32>,
    return
  }
  func.func @transform_0(%arg0: i32) -> (i32, i32) {
    %c0_i32 = arith.constant 0 : i32
    %c0_i32_0 = arith.constant 0 : i32
    return %arg0, %c0_i32 : i32, i32
  }
  func.func @transform_1(%arg0: i32) -> (i32, i32) {
    %c0_i32 = arith.constant 0 : i32
    %c0_i32_0 = arith.constant 0 : i32
    return %arg0, %c0_i32 : i32, i32
  }
  func.func @transform_2(%arg0: i32) -> (i32, i32, i32) {
    %c0_i32 = arith.constant 0 : i32
    %c0_i32_0 = arith.constant 0 : i32
    %c0_i32_1 = arith.constant 0 : i32
    return %c0_i32, %arg0, %c0_i32_0 : i32, i32, i32
  }
  func.func @transform_3(%arg0: i32) -> (i32, i32) {
    %c0_i32 = arith.constant 0 : i32
    %c0_i32_0 = arith.constant 0 : i32
    %c0_i32_1 = arith.constant 0 : i32
    return %c0_i32, %c0_i32_0 : i32, i32
  }
  func.func @transform_4(%arg0: i32) -> (i32, i32) {
    %c0_i32 = arith.constant 0 : i32
    %c0_i32_0 = arith.constant 0 : i32
    %c0_i32_1 = arith.constant 0 : i32
    return %c0_i32, %c0_i32_0 : i32, i32
  }
  func.func @transform_5(%arg0: i32) -> (i32, i32) {
    %c0_i32 = arith.constant 0 : i32
    %c0_i32_0 = arith.constant 0 : i32
    return %arg0, %c0_i32 : i32, i32
  }
}

</mosaic_0001>

<sc_bundles>
// kernel: kernel.13.cloned.1.call-start
scs
__scs_entry_jumppad:
0x0: {  	(pc) =	sbr.rel $0x88, $3  }
0x1: {  	(tag) =	ssettag $0x0;
	lr =	simm.s32 $0x1  }
0x2: {  	[smem:$0x3F8A] =	sst lr;
	_ =	strace $0xD0000000  }
0x3: {  	_ = 	snop  }
0x4: {  	_ = 	snop  }
0x5: {  	_ = 	snop  }
0x6: {  	_ = 	snop  }
0x7: {  	_ = 	snop  }
__scs_overlays_trampoline_lowered:
0x8: {  	[smem:$0x3F99] =	sst s0  }
0x9: {  	[smem:$0x3F9A] =	sst s1  }
0xa: {  	[smem:$0x3F9B] =	sst s2  }
0xb: {  	[smem:$0x3F9C] =	sst s3  }
0xc: {  	[smem:$0x3F9D] =	sst s4  }
0xd: {  	[smem:$0x3F9E] =	sst s5  }
0xe: {  	[smem:$0x3F9F] =	sst s6  }
0xf: {  	[smem:$0x3FA0] =	sst s7  }
0x10: {  	[smem:$0x3FA1] =	sst s8  }
0x11: {  	[smem:$0x3FA2] =	sst s9;
	s0 =	simm.s32 @!p0 $0x0  }
0x12: {  	s1 =	sld [smem:$0x3F88];
	s0 =	simm.s32 @p0 $0x1  }
0x13: {  	[smem:$0x3FA3] =	sst s0;
	s0 =	simm.s32 @!p1 $0x0  }
0x14: {  	s2 =	sld [smem:$0x3F87];
	s0 =	simm.s32 @p1 $0x1  }
0x15: {  	[smem:$0x3FA4] =	sst s0;
	s0 =	simm.s32 @!p2 $0x0  }
0x16: {  	s3 =	sld [smem:$0x3FDB];
	s0 =	simm.s32 @p2 $0x1  }
0x17: {  	s4 =	simm.s32 $0x1BF5;
	[smem:$0x3FA6] =	sst s0  }
0x18: {  	s0 =	sld [smem:$0x3F89];
	_ =	swait.ge [sflag:s4], $0x0  }
0x19: {  	s7 =	sld [smem:$0x3F8A]  }
0x1a: {  	s8 =	sadd.s32 $0xFFFFE003, lr  }
0x1b: {  	s9 =	sadd.s32 $0xFFFFFEF7, lr;
	s5 =	simm.s32 $0xFFFFFFFF;
	p2 =	slt.u32 s8, $0xFFFFF086  }
0x1c: {  	p1 =	slt.u32 s9, $0xF7A;
	s5 =	simm.s32 @!p2 $0x0  }
0x1d: {  	s5 =	simm.s32 @p1 $0x1;
	p0 =	seq.s32 s7, s2  }
0x1e: {  	s7 =	smul.u32 @!p0 $0xF7A, s2;
	p2 =	seq.s32 @!p0 s5, $0x0  }
0x1f: {  	s9 =	smul.u32 $0xF7A, s1;
	s8 =	simm.s32 @!p0 $0x1BF5;
	p2 =	por !p2, p0  }
0x20: {  	[sflag:s8] =	ssyncset.s32 @!p0 $0xFFFFF086;
	s6 =	sadd.s32 @!p0 s3, s7;
	s7 =	simm.s32 @!p0 $0x108  }
0x21: {  	s3 =	sadd.s32 s3, s9;
	s6 =	sadd.s32 @!p0 $0x88, s6;
	s7 =	simm.s32 @p2 $0x1082  }
0x22: {  	[simem:s7], [sflag:s8] =	dma.local @!p0 [hbm:s6], $0xF7A  }
0x23: {  	s9 =	sor.u32 $0xD0000000, s2;
	s6 =	simm.s32 $0x108;
	_ =	swait.ge @!p0 [sflag:s8], $0x0  }
0x24: {  	s3 =	sadd.s32 $0x88, s3;
	s6 =	simm.s32 @!p1 $0x1082;
	[sflag:s4] =	ssyncset.s32 $0xFFFFF086  }
0x25: {  	[simem:s6], [sflag:s4] =	dma.local [hbm:s3], $0xF7A  }
0x26: {  	[smem:$0x3F8A] =	sst s1;
	(tag) =	ssettag s2;
	_ =	strace s9  }
0x27: {  	s1 =	sld [smem:$0x3F9A]  }
0x28: {  	s2 =	sld [smem:$0x3F9B]  }
0x29: {  	s4 =	sld [smem:$0x3F9D]  }
0x2a: {  	p0 =	seq.s32 s5, $0x0;
	s5 =	sld [smem:$0x3F9E]  }
0x2b: {  	s6 =	sld [smem:$0x3F9F]  }
0x2c: {  	s7 =	sld [smem:$0x3FA0]  }
0x2d: {  	s3 =	simm.s32 $0x108;
	s8 =	sld [smem:$0x3FA1]  }
0x2e: {  	s3 =	simm.s32 @!p0 $0x1082;
	s9 =	sld [smem:$0x3FA2]  }
0x2f: {  	lr =	sadd.s32 s0, s3;
	s0 =	sld [smem:$0x3F99]  }
0x30: {  	s3 =	sld [smem:$0x3F9C]  }
0x31: {  	[smem:$0x3FA5] =	sst s10  }
0x32: {  	s10 =	sld [smem:$0x3FA3];
	_ =	sdelay $0x3  }
0x33: {  	p0 =	seq.s32 s10, $0x1;
	s10 =	sld [smem:$0x3FA5];
	_ =	sdelay $0x3  }
0x34: {  	[smem:$0x3FA5] =	sst s10  }
0x35: {  	s10 =	sld [smem:$0x3FA4];
	_ =	sdelay $0x3  }
0x36: {  	p1 =	seq.s32 s10, $0x1;
	s10 =	sld [smem:$0x3FA5];
	_ =	sdelay $0x3  }
0x37: {  	[smem:$0x3FA5] =	sst s10  }
0x38: {  	s10 =	sld [smem:$0x3FA6]  }
0x39: {  	_ = 	snop;
	(pc) =	sbr.ind lr, $3  }
0x3a: {  	_ = 	snop  }
0x3b: {  	_ = 	snop  }
0x3c: {  	p2 =	seq.s32 s10, $0x1;
	s10 =	sld [smem:$0x3FA5]  }
0x3d: {  	_ =	shalt  }
0x3e: {  	_ =	shalt  }
0x3f: {  	_ =	shalt  }
0x40: {  	_ =	shalt  }
0x41: {  	_ =	shalt  }
0x42: {  	_ =	shalt  }
0x43: {  	_ =	shalt  }
0x44: {  	_ =	shalt  }
0x45: {  	_ =	shalt  }
0x46: {  	_ =	shalt  }
0x47: {  	_ =	shalt  }
0x48: {  	_ =	shalt  }
0x49: {  	_ =	shalt  }
0x4a: {  	_ =	shalt  }
0x4b: {  	_ =	shalt  }
0x4c: {  	_ =	shalt  }
0x4d: {  	_ =	shalt  }
0x4e: {  	_ =	shalt  }
0x4f: {  	_ =	shalt  }
0x50: {  	_ =	shalt  }
0x51: {  	_ =	shalt  }
0x52: {  	_ =	shalt  }
0x53: {  	_ =	shalt  }
0x54: {  	_ =	shalt  }
0x55: {  	_ =	shalt  }
0x56: {  	_ =	shalt  }
0x57: {  	_ =	shalt  }
0x58: {  	_ =	shalt  }
0x59: {  	_ =	shalt  }
0x5a: {  	_ =	shalt  }
0x5b: {  	_ =	shalt  }
0x5c: {  	_ =	shalt  }
0x5d: {  	_ =	shalt  }
0x5e: {  	_ =	shalt  }
0x5f: {  	_ =	shalt  }
0x60: {  	_ =	shalt  }
0x61: {  	_ =	shalt  }
0x62: {  	_ =	shalt  }
0x63: {  	_ =	shalt  }
0x64: {  	_ =	shalt  }
0x65: {  	_ =	shalt  }
0x66: {  	_ =	shalt  }
0x67: {  	_ =	shalt  }
0x68: {  	_ =	shalt  }
0x69: {  	_ =	shalt  }
0x6a: {  	_ =	shalt  }
0x6b: {  	_ =	shalt  }
0x6c: {  	_ =	shalt  }
0x6d: {  	_ =	shalt  }
0x6e: {  	_ =	shalt  }
0x6f: {  	_ =	shalt  }
0x70: {  	_ =	shalt  }
0x71: {  	_ =	shalt  }
0x72: {  	_ =	shalt  }
0x73: {  	_ =	shalt  }
0x74: {  	_ =	shalt  }
0x75: {  	_ =	shalt  }
0x76: {  	_ =	shalt  }
0x77: {  	_ =	shalt  }
0x78: {  	_ =	shalt  }
0x79: {  	_ =	shalt  }
0x7a: {  	_ =	shalt  }
0x7b: {  	_ =	shalt  }
0x7c: {  	_ =	shalt  }
0x7d: {  	_ =	shalt  }
0x7e: {  	_ =	shalt  }
0x7f: {  	_ =	shalt  }
0x80: {  	_ =	shalt  }
0x81: {  	_ =	shalt  }
0x82: {  	_ =	shalt  }
0x83: {  	_ =	shalt  }
0x84: {  	_ =	shalt  }
0x85: {  	_ =	shalt  }
0x86: {  	_ =	shalt  }
0x87: {  	_ =	shalt  }
.Lfunc_end0:
.L_simem_size_0:
called_computation_lowered:
.L_overlay_start_0:
0x88: {  	s2 =	sld [smem:$0x3FD9]  }
0x89: {  	s3 =	sld [smem:$0x3FFE];
	_ =	sdelay $0x1  }
0x8a: {  	s1 =	srdreg.scid  }
0x8b: {  	s0 =	sand.u32 $0x1, s1  }
0x8c: {  	s17 =	sshll.u32 s0, $0xA;
	s2 =	sadd.s32 s3, s2  }
0x8d: {  	s2 =	sadd.s32 s2, s17  }
0x8e: {  	[smem:$0x3FB1] =	sst s2  }
0x8f: {  	_ = 	snop  }
0x90: {  	s2 =	sld [smem:$0x3FD0];
	(tm) =	ssettm $0x1  }
0x91: {  	s18 =	sld [smem:$0x3FFB];
	_ =	sdelay $0x3  }
0x92: {  	_ =	strace s18  }
0x93: {  	s3 =	sld [smem:$0x3FFC];
	_ =	sdelay $0x3  }
0x94: {  	_ =	strace s3  }
0x95: {  	s3 =	sld [smem:$0x3FFD];
	_ =	sdelay $0x3  }
0x96: {  	_ =	strace s3  }
0x97: {  	_ =	strace $0x8FFFFFFF  }
0x98: {  	s19 =	sld [smem:$0x3FDB];
	_ =	sdelay $0x1  }
0x99: {  	s4 =	simm.s32 $_scs_section_size  }
0x9a: {  	s5 =	simm.s32 $_size__tile_overlayer_lowered;
	s6 =	simm.s32 $_tile_overlayer_lowered  }
0x9b: {  	s22 =	simm.s32 $0x1BFF;
	s21 =	sshll.u32 s6, $0x1;
	s3 =	sadd.s32 s4, s19  }
0x9c: {  	s7 =	simm.s32 $0x0;
	s20 =	sshll.u32 s5, $0x1;
	s5 =	sadd.s32 s21, s3  }
0x9d: {  	[timem:s7], [sflag:s22] =	dma.local [hbm:s5], s20  }
0x9e: {  	_ =	swait.ge [sflag:s22], s20  }
0x9f: {  	s4 =	ssub.s32 $0x0, s20;
	[sflag:s22] =	ssyncset.done $0x0  }
0xa0: {  	[sflag:s22] =	ssyncadd.s32 s4;
	_ =	sdelay $0x1  }
0xa1: {  	s23 =	simm.s32 $0x1B8B  }
0xa2: {  	_ =	swait.ge [sflag:s23], $0x1  }
0xa3: {  	[sflag:s23] =	ssyncset.done $0x0  }
0xa4: {  	s25 =	simm.s32 $0x1B8E;
	s24 =	sld [smem:$0x3FFE];
	[sflag:s23] =	ssyncadd.s32 $0xFFFFFFFF  }
0xa5: {  	s26 =	simm.s32 $execute0_lowered;
	[smem:$0x3FD2] =	sst s25  }
0xa6: {  	s5 =	sshll.u32 s26, $0x1;
	_ =	strace $0x80000046;
	[dreg:$0x1] =	wrdreg $0xFFFFFFFF  }
0xa7: {  	s28 =	simm.s32 $_size_execute0_lowered;
	s3 =	sadd.s32 s3, s5;
	[dreg:$0x0] =	wrdreg $0x0  }
0xa8: {  	s5 =	sshll.u32 s28, $0x1;
	[dreg:$0x2] =	wrdreg s3  }
0xa9: {  	[dreg:$0x3] =	wrdreg s5  }
0xaa: {  	[dreg:$0x4] =	wrdreg $0xC0  }
0xab: {  	_ =	task [dreg:s7], $0x5FFFF  }
0xac: {  	[dreg:$0x1] =	wrdreg $0xFFFFFFFF  }
0xad: {  	[dreg:$0x0] =	wrdreg $0x60  }
0xae: {  	[dreg:$0x2] =	wrdreg s24  }
0xaf: {  	[dreg:$0x3] =	wrdreg s2  }
0xb0: {  	[dreg:$0x4] =	wrdreg $0xD0E80  }
0xb1: {  	[dreg:$0x5] =	wrdreg $0x16D280  }
0xb2: {  	[dreg:$0x6] =	wrdreg $0x9  }
0xb3: {  	_ =	task.clear_ibuf [dreg:s7], $0x7FFFF;
	_ =	strace $0x90000046  }
0xb4: {  	s29 =	simm.s32 $0x9;
	_ =	strace $0x80000048  }
0xb5: {  	_ =	swait.ge [sflag:s29], $0x1  }
0xb6: {  	[sflag:s29] =	ssyncadd.s32 $0xFFFFFFFF  }
0xb7: {  	_ =	strace $0x90000048  }
0xb8: {  	_ =	sfence  }
0xb9: {  	s30 =	sld [smem:$0x0];
	_ =	sdelay $0x2  }
0xba: {  	s31 =	sshll.u32 s1, $0xD;
	s1 =	sshrl.u32 s1, $0x2  }
0xbb: {  	s3 =	sand.u32 $0x4000, s31;
	s1 =	sadd.s32 s1, s30  }
0xbc: {  	s0 =	sor.u32 s3, s0;
	s1 =	sshll.u32 s1, $0x11  }
0xbd: {  	s0 =	sor.u32 s1, s0  }
0xbe: {  	s0 =	sadd.s32 $0x8F2B, s0  }
0xbf: {  	[sflag:s0] =	ssyncadd.remote.s32 $0x1  }
0xc0: {  	_ =	sfence.sel $0xFFFF  }
0xc1: {  	[dreg:$0x0] =	wrdreg $0xFFFFFFFF;
	(pc) =	sbr.abs _section_cstart, $3  }
0xc2: {  	[dreg:$0x1] =	wrdreg $0xFFFFFFFF  }
0xc3: {  	_ =	task.clear_ibuf [dreg:s7], $0x2FFFF;
	_ =	strace $0x9FFFFFFF  }
0xc4: {  	(tm) =	ssettm $0x7FFFFFFF  }
0xc5: {  	_ =	shalt  }
tec
execute0_lowered:
.L_overlay_start_1:
0x0: {  	(tag) =	ssettag $0x1  }
0x1: {  	s0 =	rddreg [dreg:$0x0]  }
0x2: {  	s1 =	rddreg [dreg:$0x1];
	s3 =	srdreg.scid  }
0x3: {  	s2 =	rddreg [dreg:$0x2];
	s18 =	stileid.u32;
	s4 =	simm.s32 $0x0  }
0x4: {  	s19 =	simm.s32 $0x9;
	s29 =	simm.s32 $0x6F40;
	s31 =	simm.s32 $0x8E80  }
0x5: {  	s28 =	simm.s32 $0xADC0;
	s8 =	sand.u32 $0x1, s3;
	s3 =	rddreg [dreg:$0x3]  }
0x6: {  	s30 =	simm.s32 $0x2;
	[smem:$0x7FF] =	sst s4;
	s13 =	smul.u32 $0x28000, s18  }
0x7: {  	s6 =	sadd.s32 $0x5800, s0;
	s7 =	sadd.s32 $0x2E800, s0;
	s15 =	smul.u32 $0x5000, s18  }
0x8: {  	s14 =	sadd.s32 $0x2E600, s0;
	s16 =	sadd.s32 $0x96000, s2;
	s24 =	smul.u32 $0x1400, s18  }
0x9: {  	p0 =	seq.s32 s18, $0xF;
	s5 =	sshll.u32 s8, $0x4;
	_ =	strace $0x80000047  }
0xa: {  	s11 =	smul.u32 $0x2710, s8;
	s12 =	ssub.s32 $0x2, s8;
	[dreg:$0x5] =	wrdreg s14  }
0xb: {  	s23 =	sshll.u32 s8, $0x7;
	s17 =	sadd.s32 $0x12C00, s3;
	s8 =	sshll.u32 s8, $0x3  }
0xc: {  	s5 =	sor.u32 s18, s5;
	s20 =	sshrl.u32 s12, $0x1;
	s21 =	sshrl.u32 s13, $0x2  }
0xd: {  	s22 =	sshrl.u32 s15, $0x2;
	s13 =	sor.u32 s23, s13;
	s15 =	sshrl.u32 @p0 s16, $0x3  }
0xe: {  	s16 =	sshrl.u32 @p0 s17, $0x3;
	s23 =	simm.s32 $0x7D;
	s9 =	smul.u32 $0x500, s5  }
0xf: {  	s5 =	sadd.s32 $0x6C00, s0;
	s11 =	sadd.s32 s11, s0;
	s12 =	ssub.s32 s12, s20  }
0x10: {  	s14 =	sadd.s32 s21, s2;
	s13 =	sshrl.u32 s13, $0x4;
	s20 =	simm.s32 $0x0  }
0x11: {  	[dreg:$0x6] =	wrdreg s14;
	s14 =	sadd.s32 s22, s3;
	s25 =	sadd.s32 s1, s13  }
0x12: {  	s13 =	sadd.s32 $0x2EC00, s11;
	s11 =	sadd.s32 s24, s3;
	s1 =	sadd.s32 s8, s1  }
0x13: {  	s26 =	smax.u32 s12, $0x1;
	s22 =	simm.s32 $0xCD00;
	[dreg:$0x8] =	wrdreg s25  }
0x14: {  	s8 =	simm.s32 $0x5;
	s10 =	sadd.s32 s9, s0;
	[dreg:$0xb] =	wrdreg s26  }
0x15: {  	s0 =	sadd.s32 $0x24600, s0;
	s1 =	sadd.s32 $0x25800, s1;
	[dreg:$0x9] =	wrdreg s13  }
0x16: {  	s26 =	simm.s32 $0x5000;
	s10 =	sadd.s32 $0x1A600, s10;
	[dreg:$0xa] =	wrdreg s1  }
0x17: {  	s1 =	sshll.u32 @!p0 s18, $0x6;
	s0 =	sadd.s32 s9, s0;
	s9 =	simm.s32 $0x3  }
0x18: {  	[dreg:$0x7] =	wrdreg s10;
	s10 =	sshrl.u32 s24, $0x3;
	s17 =	sor.u32 @!p0 $0x1C09, s1  }
0x19: {  	s1 =	sshrl.u32 @!p0 s14, $0x3;
	[dreg:$0xd] =	wrdreg s0;
	s14 =	simm.s32 $0x8  }
0x1a: {  	[dreg:$0xc] =	wrdreg s1;
	s0 =	sadd.s32 @!p0 s10, s13;
	s10 =	simm.s32 $0x6  }
0x1b: {  	s13 =	simm.s32 $0x7;
	[dreg:$0xe] =	wrdreg s0;
	s0 =	sshrl.u32 @!p0 s11, $0x3  }
0x1c: {  	s11 =	simm.s32 $0x4;
	[dreg:$0xf] =	wrdreg s0;
	s0 =	simm.s32 $0x1  }
.LBB2_1:
0x1d: {  	s1 =	simm.s32 @p0 $0x1FC9;
	s24 =	simm.s32 @p0 $0x9  }
0x1e: {  	[spmem:s15], [sflag:s1] =	dma.local @p0 [hbm:s6], $0xC80  }
0x1f: {  	_ =	swait.ge @p0 [sflag:s24], $0xC80  }
0x20: {  	[sflag:s24] =	ssyncset.done @p0 $0x0  }
0x21: {  	[sflag:s24] =	ssyncadd.s32 @p0 $0xFFFFF380  }
0x22: {  	[spmem:s16], [sflag:s1] =	dma.local @p0 [hbm:s7], $0x190  }
0x23: {  	_ =	swait.ge @p0 [sflag:s24], $0x190  }
0x24: {  	[sflag:s24] =	ssyncset.done @p0 $0x0;
	s1 =	rddreg [dreg:$0x6]  }
0x25: {  	[sflag:s24] =	ssyncadd.s32 @p0 $0xFFFFFE70;
	s24 =	sshrl.u32 @!p0 s1, $0x3;
	s1 =	simm.s32 @!p0 $0x9  }
0x26: {  	[spmem:s24], [sflag:s17] =	dma.local @!p0 [hbm:s6], $0x1400  }
0x27: {  	_ =	swait.ge @!p0 [sflag:s1], $0x1400  }
0x28: {  	[sflag:s1] =	ssyncset.done @!p0 $0x0  }
0x29: {  	s12 =	rddreg [dreg:$0xc];
	[sflag:s1] =	ssyncadd.s32 @!p0 $0xFFFFEC00  }
0x2a: {  	[spmem:s12], [sflag:s17] =	dma.local @!p0 [hbm:s7], $0x280  }
0x2b: {  	_ =	swait.ge @!p0 [sflag:s1], $0x280  }
0x2c: {  	[sflag:s1] =	ssyncset.done @!p0 $0x0  }
0x2d: {  	s12 =	rddreg [dreg:$0x7];
	[sflag:s1] =	ssyncadd.s32 @!p0 $0xFFFFFD80  }
0x2e: {  	[tilespmem:s4], [sflag:$0x9] =	stream.linear.gather [hbm4b:s12+s4], $0x2800, $0x38;
	[tilespmem:$0x180B0] =	vst v63  }
0x2f: {  	_ =	swait.ge [sflag:s19], $0x2800  }
0x30: {  	[sflag:s19] =	ssyncset.done $0x0  }
0x31: {  	s12 =	simm.s32 $0x2800;
	s18 =	rddreg [dreg:$0xd];
	[sflag:s19] =	ssyncadd.s32 $0xFFFFD800  }
0x32: {  	[tilespmem:s12], [sflag:$0x9] =	stream.linear.gather [hbm4b:s18+s4], $0x2800, $0x38;
	[tilespmem:$0x180B0] =	vst v63  }
0x33: {  	_ =	swait.ge [sflag:s19], $0x2800  }
0x34: {  	[sflag:s19] =	ssyncset.done $0x0  }
0x35: {  	s21 =	rddreg [dreg:$0x5];
	[sflag:s19] =	ssyncadd.s32 $0xFFFFD800  }
0x36: {  	[tilespmem:s22], [sflag:$0x9] =	stream.linear.gather [hbm4b:s21+s4], $0x3E8, $0x38;
	[tilespmem:$0x180B0] =	vst v63  }
0x37: {  	_ =	swait.ge [sflag:s19], $0x3E8  }
0x38: {  	[sflag:s19] =	ssyncset.done $0x0  }
0x39: {  	[sflag:s19] =	ssyncadd.s32 $0xFFFFFC18  }
0x3a: {  	[bflag:$0x0] =	sbarrier.arrive $0xFFFF  }
0x3b: {  	[tilespmem:s26], [sflag:$0x1] =	stream.indirect.gather [hbm4b:s5+s23], $0x40, s4, s23, $0xb8;
	[tilespmem:$0x180B0] =	vst v63  }
0x3c: {  	s25 =	simm.s32 $0x80  }
0x3d: {  	[tilespmem:s29], [sflag:$0x2] =	stream.indirect.gather [hbm4b:s5+s23], $0x40, s25, s23, $0xb8;
	[tilespmem:$0x180B0] =	vst v63  }
0x3e: {  	s18 =	simm.s32 $0x100  }
0x3f: {  	[tilespmem:s31], [sflag:$0x3] =	stream.indirect.gather [hbm4b:s5+s23], $0x40, s18, s23, $0xb8;
	[tilespmem:$0x180B0] =	vst v63  }
0x40: {  	_ =	swait.ge [sflag:s0], $0x1F40  }
0x41: {  	[sflag:s0] =	ssyncset.done $0x0  }
0x42: {  	[sflag:s0] =	ssyncadd.s32 $0xFFFFE0C0  }
0x43: {  	[spmem:s2] =	stream.indirect.scatter.add.bf16 [tilespmem:s26], [sflag:$0x5], $0x40, s12, s23, $0xb8;
	[tilespmem:$0x180B0] =	vst v63  }
0x44: {  	_ = 	snop  }
0x45: {  	[spmem:s3] =	stream.indirect.scatter.add.f32 [tilespmem:s22], [sflag:$0x9], $0x8, s12, s23, $0xb8;
	[tilespmem:$0x180B0] =	vst v63  }
0x46: {  	_ =	swait.ge [sflag:s19], $0x3E8  }
0x47: {  	[sflag:s19] =	ssyncset.done $0x0  }
0x48: {  	s21 =	simm.s32 $0x180;
	[sflag:s19] =	ssyncadd.s32 $0xFFFFFC18  }
0x49: {  	[tilespmem:s28], [sflag:$0x4] =	stream.indirect.gather [hbm4b:s5+s23], $0x40, s21, s23, $0xb8;
	[tilespmem:$0x180B0] =	vst v63  }
0x4a: {  	_ =	swait.ge [sflag:s30], $0x1F40  }
0x4b: {  	[sflag:s30] =	ssyncset.done $0x0  }
0x4c: {  	s25 =	simm.s32 $0x2880;
	[sflag:s30] =	ssyncadd.s32 $0xFFFFE0C0  }
0x4d: {  	[spmem:s2] =	stream.indirect.scatter.add.bf16 [tilespmem:s29], [sflag:$0x6], $0x40, s25, s23, $0xb8;
	[tilespmem:$0x180B0] =	vst v63  }
0x4e: {  	_ = 	snop  }
0x4f: {  	[spmem:s3] =	stream.indirect.scatter.add.f32 [tilespmem:s22], [sflag:$0x9], $0x8, s25, s23, $0xb8;
	[tilespmem:$0x180B0] =	vst v63  }
0x50: {  	_ =	swait.ge [sflag:s19], $0x3E8  }
0x51: {  	[sflag:s19] =	ssyncset.done $0x0  }
0x52: {  	[sflag:s19] =	ssyncadd.s32 $0xFFFFFC18  }
0x53: {  	_ =	swait.ge [sflag:s8], $0x1F40  }
0x54: {  	[sflag:s8] =	ssyncset.done $0x0  }
0x55: {  	s12 =	simm.s32 $0x200;
	[sflag:s8] =	ssyncadd.s32 $0xFFFFE0C0  }
0x56: {  	[tilespmem:s26], [sflag:$0x1] =	stream.indirect.gather [hbm4b:s5+s23], $0x40, s12, s23, $0xb8;
	[tilespmem:$0x180B0] =	vst v63  }
0x57: {  	_ =	swait.ge [sflag:s9], $0x1F40  }
0x58: {  	[sflag:s9] =	ssyncset.done $0x0  }
0x59: {  	s18 =	simm.s32 $0x2900;
	[sflag:s9] =	ssyncadd.s32 $0xFFFFE0C0  }
0x5a: {  	[spmem:s2] =	stream.indirect.scatter.add.bf16 [tilespmem:s31], [sflag:$0x7], $0x40, s18, s23, $0xb8;
	[tilespmem:$0x180B0] =	vst v63  }
0x5b: {  	_ = 	snop  }
0x5c: {  	[spmem:s3] =	stream.indirect.scatter.add.f32 [tilespmem:s22], [sflag:$0x9], $0x8, s18, s23, $0xb8;
	[tilespmem:$0x180B0] =	vst v63  }
0x5d: {  	_ =	swait.ge [sflag:s19], $0x3E8  }
0x5e: {  	[sflag:s19] =	ssyncset.done $0x0  }
0x5f: {  	[sflag:s19] =	ssyncadd.s32 $0xFFFFFC18  }
0x60: {  	_ =	swait.ge [sflag:s10], $0x1F40  }
0x61: {  	[sflag:s10] =	ssyncset.done $0x0  }
0x62: {  	s21 =	simm.s32 $0x280;
	[sflag:s10] =	ssyncadd.s32 $0xFFFFE0C0  }
0x63: {  	[tilespmem:s29], [sflag:$0x2] =	stream.indirect.gather [hbm4b:s5+s23], $0x40, s21, s23, $0xb8;
	[tilespmem:$0x180B0] =	vst v63  }
0x64: {  	_ =	swait.ge [sflag:s11], $0x1F40  }
0x65: {  	[sflag:s11] =	ssyncset.done $0x0  }
0x66: {  	s25 =	simm.s32 $0x2980;
	[sflag:s11] =	ssyncadd.s32 $0xFFFFE0C0  }
0x67: {  	[spmem:s2] =	stream.indirect.scatter.add.bf16 [tilespmem:s28], [sflag:$0x8], $0x40, s25, s23, $0xb8;
	[tilespmem:$0x180B0] =	vst v63  }
0x68: {  	_ = 	snop  }
0x69: {  	[spmem:s3] =	stream.indirect.scatter.add.f32 [tilespmem:s22], [sflag:$0x9], $0x8, s25, s23, $0xb8;
	[tilespmem:$0x180B0] =	vst v63  }
0x6a: {  	_ =	swait.ge [sflag:s19], $0x3E8  }
0x6b: {  	[sflag:s19] =	ssyncset.done $0x0  }
0x6c: {  	[sflag:s19] =	ssyncadd.s32 $0xFFFFFC18  }
0x6d: {  	_ =	swait.ge [sflag:s13], $0x1F40  }
0x6e: {  	[sflag:s13] =	ssyncset.done $0x0  }
0x6f: {  	s12 =	simm.s32 $0x300;
	[sflag:s13] =	ssyncadd.s32 $0xFFFFE0C0  }
0x70: {  	[tilespmem:s31], [sflag:$0x3] =	stream.indirect.gather [hbm4b:s5+s23], $0x40, s12, s23, $0xb8;
	[tilespmem:$0x180B0] =	vst v63  }
0x71: {  	_ =	swait.ge [sflag:s0], $0x1F40  }
0x72: {  	[sflag:s0] =	ssyncset.done $0x0  }
0x73: {  	s18 =	simm.s32 $0x2A00;
	[sflag:s0] =	ssyncadd.s32 $0xFFFFE0C0  }
0x74: {  	[spmem:s2] =	stream.indirect.scatter.add.bf16 [tilespmem:s26], [sflag:$0x5], $0x40, s18, s23, $0xb8;
	[tilespmem:$0x180B0] =	vst v63  }
0x75: {  	_ = 	snop  }
0x76: {  	[spmem:s3] =	stream.indirect.scatter.add.f32 [tilespmem:s22], [sflag:$0x9], $0x8, s18, s23, $0xb8;
	[tilespmem:$0x180B0] =	vst v63  }
0x77: {  	_ =	swait.ge [sflag:s19], $0x3E8  }
0x78: {  	[sflag:s19] =	ssyncset.done $0x0  }
0x79: {  	[sflag:s19] =	ssyncadd.s32 $0xFFFFFC18  }
0x7a: {  	_ =	swait.ge [sflag:s14], $0x1F40  }
0x7b: {  	[sflag:s14] =	ssyncset.done $0x0  }
0x7c: {  	s21 =	simm.s32 $0x380;
	[sflag:s14] =	ssyncadd.s32 $0xFFFFE0C0  }
0x7d: {  	[tilespmem:s28], [sflag:$0x4] =	stream.indirect.gather [hbm4b:s5+s23], $0x40, s21, s23, $0xb8;
	[tilespmem:$0x180B0] =	vst v63  }
0x7e: {  	_ =	swait.ge [sflag:s30], $0x1F40  }
0x7f: {  	[sflag:s30] =	ssyncset.done $0x0  }
0x80: {  	s25 =	simm.s32 $0x2A80;
	[sflag:s30] =	ssyncadd.s32 $0xFFFFE0C0  }
0x81: {  	[spmem:s2] =	stream.indirect.scatter.add.bf16 [tilespmem:s29], [sflag:$0x6], $0x40, s25, s23, $0xb8;
	[tilespmem:$0x180B0] =	vst v63  }
0x82: {  	_ = 	snop  }
0x83: {  	[spmem:s3] =	stream.indirect.scatter.add.f32 [tilespmem:s22], [sflag:$0x9], $0x8, s25, s23, $0xb8;
	[tilespmem:$0x180B0] =	vst v63  }
0x84: {  	_ =	swait.ge [sflag:s19], $0x3E8  }
0x85: {  	s25 =	simm.s32 $0x800;
	[sflag:s19] =	ssyncset.done $0x0  }
.LBB2_2:
0x86: {  	p1 =	sne.s32 s25, $0x9000  }
0x87: {  	[sflag:s19] =	ssyncadd.s32 $0xFFFFFC18;
	s1 =	smov.u32 s25;
	s25 =	sadd.s32 $0x800, s25  }
0x88: {  	_ = 	snop  }
0x89: {  	_ =	swait.ge [sflag:s8], $0x1F40  }
0x8a: {  	s1 =	sshra.s32 s1, $0x2;
	[sflag:s8] =	ssyncset.done $0x0  }
0x8b: {  	s12 =	sadd.s32 $0x200, s1;
	[sflag:s8] =	ssyncadd.s32 $0xFFFFE0C0  }
0x8c: {  	[tilespmem:s26], [sflag:$0x1] =	stream.indirect.gather [hbm4b:s5+s23], $0x40, s12, s23, $0xb8;
	[tilespmem:$0x180B0] =	vst v63  }
0x8d: {  	_ =	swait.ge [sflag:s9], $0x1F40  }
0x8e: {  	[sflag:s9] =	ssyncset.done $0x0  }
0x8f: {  	s12 =	sadd.s32 $0x2900, s1;
	[sflag:s9] =	ssyncadd.s32 $0xFFFFE0C0  }
0x90: {  	[spmem:s2] =	stream.indirect.scatter.add.bf16 [tilespmem:s31], [sflag:$0x7], $0x40, s12, s23, $0xb8;
	[tilespmem:$0x180B0] =	vst v63  }
0x91: {  	_ = 	snop  }
0x92: {  	[spmem:s3] =	stream.indirect.scatter.add.f32 [tilespmem:s22], [sflag:$0x9], $0x8, s12, s23, $0xb8;
	[tilespmem:$0x180B0] =	vst v63  }
0x93: {  	_ =	swait.ge [sflag:s19], $0x3E8  }
0x94: {  	[sflag:s19] =	ssyncset.done $0x0  }
0x95: {  	[sflag:s19] =	ssyncadd.s32 $0xFFFFFC18  }
0x96: {  	_ =	swait.ge [sflag:s10], $0x1F40  }
0x97: {  	[sflag:s10] =	ssyncset.done $0x0  }
0x98: {  	s12 =	sadd.s32 $0x280, s1;
	[sflag:s10] =	ssyncadd.s32 $0xFFFFE0C0  }
0x99: {  	[tilespmem:s29], [sflag:$0x2] =	stream.indirect.gather [hbm4b:s5+s23], $0x40, s12, s23, $0xb8;
	[tilespmem:$0x180B0] =	vst v63  }
0x9a: {  	_ =	swait.ge [sflag:s11], $0x1F40  }
0x9b: {  	[sflag:s11] =	ssyncset.done $0x0  }
0x9c: {  	s12 =	sadd.s32 $0x2980, s1;
	[sflag:s11] =	ssyncadd.s32 $0xFFFFE0C0  }
0x9d: {  	[spmem:s2] =	stream.indirect.scatter.add.bf16 [tilespmem:s28], [sflag:$0x8], $0x40, s12, s23, $0xb8;
	[tilespmem:$0x180B0] =	vst v63  }
0x9e: {  	_ = 	snop  }
0x9f: {  	[spmem:s3] =	stream.indirect.scatter.add.f32 [tilespmem:s22], [sflag:$0x9], $0x8, s12, s23, $0xb8;
	[tilespmem:$0x180B0] =	vst v63  }
0xa0: {  	_ =	swait.ge [sflag:s19], $0x3E8  }
0xa1: {  	[sflag:s19] =	ssyncset.done $0x0  }
0xa2: {  	[sflag:s19] =	ssyncadd.s32 $0xFFFFFC18  }
0xa3: {  	_ =	swait.ge [sflag:s13], $0x1F40  }
0xa4: {  	[sflag:s13] =	ssyncset.done $0x0  }
0xa5: {  	s12 =	sadd.s32 $0x300, s1;
	[sflag:s13] =	ssyncadd.s32 $0xFFFFE0C0  }
0xa6: {  	[tilespmem:s31], [sflag:$0x3] =	stream.indirect.gather [hbm4b:s5+s23], $0x40, s12, s23, $0xb8;
	[tilespmem:$0x180B0] =	vst v63  }
0xa7: {  	_ =	swait.ge [sflag:s0], $0x1F40  }
0xa8: {  	[sflag:s0] =	ssyncset.done $0x0  }
0xa9: {  	s12 =	sadd.s32 $0x2A00, s1;
	[sflag:s0] =	ssyncadd.s32 $0xFFFFE0C0  }
0xaa: {  	[spmem:s2] =	stream.indirect.scatter.add.bf16 [tilespmem:s26], [sflag:$0x5], $0x40, s12, s23, $0xb8;
	[tilespmem:$0x180B0] =	vst v63  }
0xab: {  	_ = 	snop  }
0xac: {  	[spmem:s3] =	stream.indirect.scatter.add.f32 [tilespmem:s22], [sflag:$0x9], $0x8, s12, s23, $0xb8;
	[tilespmem:$0x180B0] =	vst v63  }
0xad: {  	_ =	swait.ge [sflag:s19], $0x3E8  }
0xae: {  	[sflag:s19] =	ssyncset.done $0x0  }
0xaf: {  	[sflag:s19] =	ssyncadd.s32 $0xFFFFFC18  }
0xb0: {  	_ =	swait.ge [sflag:s14], $0x1F40  }
0xb1: {  	[sflag:s14] =	ssyncset.done $0x0  }
0xb2: {  	s12 =	sadd.s32 $0x380, s1;
	[sflag:s14] =	ssyncadd.s32 $0xFFFFE0C0  }
0xb3: {  	[tilespmem:s28], [sflag:$0x4] =	stream.indirect.gather [hbm4b:s5+s23], $0x40, s12, s23, $0xb8;
	[tilespmem:$0x180B0] =	vst v63  }
0xb4: {  	_ =	swait.ge [sflag:s30], $0x1F40  }
0xb5: {  	[sflag:s30] =	ssyncset.done $0x0  }
0xb6: {  	s1 =	sadd.s32 $0x2A80, s1;
	[sflag:s30] =	ssyncadd.s32 $0xFFFFE0C0  }
0xb7: {  	[spmem:s2] =	stream.indirect.scatter.add.bf16 [tilespmem:s29], [sflag:$0x6], $0x40, s1, s23, $0xb8;
	[tilespmem:$0x180B0] =	vst v63  }
.Ltmp0:
0xb8: {  	_ = 	snop;
	(pc) =	sbr.rel @p1 .LBB2_2-.Ltmp0, $4  }
0xb9: {  	_ = 	snop  }
0xba: {  	[spmem:s3] =	stream.indirect.scatter.add.f32 [tilespmem:s22], [sflag:$0x9], $0x8, s1, s23, $0xb8;
	[tilespmem:$0x180B0] =	vst v63  }
0xbb: {  	_ =	swait.ge [sflag:s19], $0x3E8  }
0xbc: {  	[sflag:s19] =	ssyncset.done $0x0  }
0xbd: {  	[sflag:s19] =	ssyncadd.s32 $0xFFFFFC18  }
0xbe: {  	_ =	swait.ge [sflag:s9], $0x1F40  }
0xbf: {  	[sflag:s9] =	ssyncset.done $0x0  }
0xc0: {  	s1 =	simm.s32 $0x4F00;
	[sflag:s9] =	ssyncadd.s32 $0xFFFFE0C0  }
0xc1: {  	[spmem:s2] =	stream.indirect.scatter.add.bf16 [tilespmem:s31], [sflag:$0x7], $0x40, s1, s23, $0xb8;
	[tilespmem:$0x180B0] =	vst v63  }
0xc2: {  	_ = 	snop  }
0xc3: {  	[spmem:s3] =	stream.indirect.scatter.add.f32 [tilespmem:s22], [sflag:$0x9], $0x8, s1, s23, $0xb8;
	[tilespmem:$0x180B0] =	vst v63  }
0xc4: {  	_ =	swait.ge [sflag:s19], $0x3E8  }
0xc5: {  	[sflag:s19] =	ssyncset.done $0x0  }
0xc6: {  	[sflag:s19] =	ssyncadd.s32 $0xFFFFFC18  }
0xc7: {  	_ =	swait.ge [sflag:s11], $0x1F40  }
0xc8: {  	[sflag:s11] =	ssyncset.done $0x0  }
0xc9: {  	s21 =	simm.s32 $0x4F80;
	[sflag:s11] =	ssyncadd.s32 $0xFFFFE0C0  }
0xca: {  	[spmem:s2] =	stream.indirect.scatter.add.bf16 [tilespmem:s28], [sflag:$0x8], $0x40, s21, s23, $0xb8;
	[tilespmem:$0x180B0] =	vst v63  }
0xcb: {  	_ = 	snop  }
0xcc: {  	[spmem:s3] =	stream.indirect.scatter.add.f32 [tilespmem:s22], [sflag:$0x9], $0x8, s21, s23, $0xb8;
	[tilespmem:$0x180B0] =	vst v63  }
0xcd: {  	_ =	swait.ge [sflag:s19], $0x3E8  }
0xce: {  	[sflag:s19] =	ssyncset.done $0x0  }
0xcf: {  	[sflag:s19] =	ssyncadd.s32 $0xFFFFFC18  }
0xd0: {  	_ =	swait.ge [sflag:s8], $0x1F40  }
0xd1: {  	[sflag:s8] =	ssyncset.done $0x0  }
0xd2: {  	[sflag:s8] =	ssyncadd.s32 $0xFFFFE0C0  }
0xd3: {  	_ =	swait.ge [sflag:s10], $0x1F40  }
0xd4: {  	[sflag:s10] =	ssyncset.done $0x0  }
0xd5: {  	[sflag:s10] =	ssyncadd.s32 $0xFFFFE0C0  }
0xd6: {  	_ =	swait.ge [sflag:s13], $0x1F40  }
0xd7: {  	[sflag:s13] =	ssyncset.done $0x0  }
0xd8: {  	[sflag:s13] =	ssyncadd.s32 $0xFFFFE0C0  }
0xd9: {  	_ =	swait.ge [sflag:s14], $0x1F40  }
0xda: {  	[sflag:s14] =	ssyncset.done $0x0  }
0xdb: {  	[sflag:s14] =	ssyncadd.s32 $0xFFFFE0C0  }
0xdc: {  	s12 =	simm.s32 @p0 $0x10;
	s25 =	simm.s32 @p0 $0x8;
	[bflag:$0x0] =	sbarrier.arrive $0xFFFF  }
0xdd: {  	s18 =	simm.s32 @p0 $0x1FC9;
	s1 =	simm.s32 @p0 $0x1;
	s21 =	rddreg [dreg:$0xa]  }
0xde: {  	[hbm:s21@s12], [sflag:s18] =	dma.strided @p0 [spmem:s15@s25], $0xC80, s1, $0x8   }
0xdf: {  	s1 =	simm.s32 @p0 $0x9  }
0xe0: {  	_ =	swait.ge @p0 [sflag:s1], $0xC80  }
0xe1: {  	[sflag:s1] =	ssyncset.done @p0 $0x0;
	s12 =	rddreg [dreg:$0x9]  }
0xe2: {  	[sflag:s1] =	ssyncadd.s32 @p0 $0xFFFFF380;
	s12 =	sadd.s32 @p0 $0x2580, s12  }
0xe3: {  	[hbm:s12], [sflag:s18] =	dma.local @p0 [spmem:s16], $0x190  }
0xe4: {  	_ =	swait.ge @p0 [sflag:s1], $0x190  }
0xe5: {  	s12 =	simm.s32 @!p0 $0x10;
	s18 =	simm.s32 @!p0 $0x8;
	[sflag:s1] =	ssyncset.done @p0 $0x0  }
0xe6: {  	s25 =	rddreg [dreg:$0x8];
	[sflag:s1] =	ssyncadd.s32 @p0 $0xFFFFFE70;
	s1 =	simm.s32 @!p0 $0x1  }
0xe7: {  	[hbm:s25@s12], [sflag:s17] =	dma.strided @!p0 [spmem:s24@s18], $0x1400, s1, $0x8   }
0xe8: {  	s1 =	simm.s32 @!p0 $0x9  }
0xe9: {  	_ =	swait.ge @!p0 [sflag:s1], $0x1400  }
0xea: {  	[sflag:s1] =	ssyncset.done @!p0 $0x0;
	s12 =	rddreg [dreg:$0xe]  }
0xeb: {  	s18 =	rddreg [dreg:$0xf];
	[sflag:s1] =	ssyncadd.s32 @!p0 $0xFFFFEC00  }
0xec: {  	[hbm:s12], [sflag:s17] =	dma.local @!p0 [spmem:s18], $0x280  }
0xed: {  	_ =	swait.ge @!p0 [sflag:s1], $0x280  }
0xee: {  	s20 =	sadd.s32 $0x1, s20;
	s25 =	rddreg [dreg:$0xb]  }
0xef: {  	p1 =	sne.s32 s20, s25  }
.Ltmp1:
0xf0: {  	_ = 	snop;
	(pc) =	sbr.rel @p1 .LBB2_1-.Ltmp1, $3  }
0xf1: {  	_ =	sdelay $0x1  }
0xf2: {  	[sflag:s1] =	ssyncset.done @!p0 $0x0  }
0xf3: {  	[sflag:s1] =	ssyncadd.s32 @!p0 $0xFFFFFD80  }
0xf4: {  	_ =	sfence.sel $0x180000  }
0xf5: {  	[bflag:$0x0] =	sbarrier.arrive $0xFFFF  }
0xf6: {  	_ =	strace $0x90000047  }
0xf7: {  	s0 =	stileid.u32;
	[bflag:$0x2] =	sbarrier.arrive $0xFFFF  }
0xf8: {  	p0 =	sne.s32 s0, $0x0;
	s0 =	rddreg [dreg:$0x4]  }
0xf9: {  	s0 =	sadd.s32 @!p0 $0x100000, s0  }
0xfa: {  	[sflag:s0] =	ssyncadd.tile.s32 @!p0 $0x1;
	_ =	shalt  }
.Lfunc_end2:
_tile_overlayer_lowered:
.L_overlay_start_2:
0xfb: {  	(tag) =	ssettag $0x2  }
0xfc: {  	s0 =	rddreg [dreg:$0x0];
	s2 =	stileid.u32  }
0xfd: {  	s1 =	rddreg [dreg:$0x1];
	p0 =	sne.s32 s2, $0x0  }
0xfe: {  	s3 =	rddreg [dreg:$0x2];
	[bflag:$0x3] =	sbarrier.arrive $0xFFFF;
	s2 =	simm.s32 @!p0 $0x1C09  }
0xff: {  	[timem:s3], [sflag:s2] =	dma.local @!p0 [hbm:s0], s1  }
0x100: {  	s0 =	simm.s32 @!p0 $0x9  }
0x101: {  	_ =	swait.ge @!p0 [sflag:s0], s1  }
0x102: {  	s1 =	ssub.s32 @!p0 $0x0, s1;
	[sflag:s0] =	ssyncset.done @!p0 $0x0  }
0x103: {  	[sflag:s0] =	ssyncadd.s32 @!p0 s1  }
0x104: {  	[bflag:$0x3] =	sbarrier.arrive $0xFFFF  }
0x105: {  	_ =	shalt  }

// kernel: kernel.16.cloned.1.call-start
scs
__scs_entry_jumppad:
0x0: {  	(pc) =	sbr.rel $0x88, $3  }
0x1: {  	(tag) =	ssettag $0x0;
	lr =	simm.s32 $0x1  }
0x2: {  	[smem:$0x3F8A] =	sst lr;
	_ =	strace $0xD0000000  }
0x3: {  	_ = 	snop  }
0x4: {  	_ = 	snop  }
0x5: {  	_ = 	snop  }
0x6: {  	_ = 	snop  }
0x7: {  	_ = 	snop  }
__scs_overlays_trampoline_lowered:
0x8: {  	[smem:$0x3F99] =	sst s0  }
0x9: {  	[smem:$0x3F9A] =	sst s1  }
0xa: {  	[smem:$0x3F9B] =	sst s2  }
0xb: {  	[smem:$0x3F9C] =	sst s3  }
0xc: {  	[smem:$0x3F9D] =	sst s4  }
0xd: {  	[smem:$0x3F9E] =	sst s5  }
0xe: {  	[smem:$0x3F9F] =	sst s6  }
0xf: {  	[smem:$0x3FA0] =	sst s7  }
0x10: {  	[smem:$0x3FA1] =	sst s8  }
0x11: {  	[smem:$0x3FA2] =	sst s9;
	s0 =	simm.s32 @!p0 $0x0  }
0x12: {  	s1 =	sld [smem:$0x3F88];
	s0 =	simm.s32 @p0 $0x1  }
0x13: {  	[smem:$0x3FA3] =	sst s0;
	s0 =	simm.s32 @!p1 $0x0  }
0x14: {  	s2 =	sld [smem:$0x3F87];
	s0 =	simm.s32 @p1 $0x1  }
0x15: {  	[smem:$0x3FA4] =	sst s0;
	s0 =	simm.s32 @!p2 $0x0  }
0x16: {  	s3 =	sld [smem:$0x3FDB];
	s0 =	simm.s32 @p2 $0x1  }
0x17: {  	s4 =	simm.s32 $0x1BF5;
	[smem:$0x3FA6] =	sst s0  }
0x18: {  	s0 =	sld [smem:$0x3F89];
	_ =	swait.ge [sflag:s4], $0x0  }
0x19: {  	s7 =	sld [smem:$0x3F8A]  }
0x1a: {  	s8 =	sadd.s32 $0xFFFFE003, lr  }
0x1b: {  	s9 =	sadd.s32 $0xFFFFFEF7, lr;
	s5 =	simm.s32 $0xFFFFFFFF;
	p2 =	slt.u32 s8, $0xFFFFF086  }
0x1c: {  	p1 =	slt.u32 s9, $0xF7A;
	s5 =	simm.s32 @!p2 $0x0  }
0x1d: {  	s5 =	simm.s32 @p1 $0x1;
	p0 =	seq.s32 s7, s2  }
0x1e: {  	s7 =	smul.u32 @!p0 $0xF7A, s2;
	p2 =	seq.s32 @!p0 s5, $0x0  }
0x1f: {  	s9 =	smul.u32 $0xF7A, s1;
	s8 =	simm.s32 @!p0 $0x1BF5;
	p2 =	por !p2, p0  }
0x20: {  	[sflag:s8] =	ssyncset.s32 @!p0 $0xFFFFF086;
	s6 =	sadd.s32 @!p0 s3, s7;
	s7 =	simm.s32 @!p0 $0x108  }
0x21: {  	s3 =	sadd.s32 s3, s9;
	s6 =	sadd.s32 @!p0 $0x88, s6;
	s7 =	simm.s32 @p2 $0x1082  }
0x22: {  	[simem:s7], [sflag:s8] =	dma.local @!p0 [hbm:s6], $0xF7A  }
0x23: {  	s9 =	sor.u32 $0xD0000000, s2;
	s6 =	simm.s32 $0x108;
	_ =	swait.ge @!p0 [sflag:s8], $0x0  }
0x24: {  	s3 =	sadd.s32 $0x88, s3;
	s6 =	simm.s32 @!p1 $0x1082;
	[sflag:s4] =	ssyncset.s32 $0xFFFFF086  }
0x25: {  	[simem:s6], [sflag:s4] =	dma.local [hbm:s3], $0xF7A  }
0x26: {  	[smem:$0x3F8A] =	sst s1;
	(tag) =	ssettag s2;
	_ =	strace s9  }
0x27: {  	s1 =	sld [smem:$0x3F9A]  }
0x28: {  	s2 =	sld [smem:$0x3F9B]  }
0x29: {  	s4 =	sld [smem:$0x3F9D]  }
0x2a: {  	p0 =	seq.s32 s5, $0x0;
	s5 =	sld [smem:$0x3F9E]  }
0x2b: {  	s6 =	sld [smem:$0x3F9F]  }
0x2c: {  	s7 =	sld [smem:$0x3FA0]  }
0x2d: {  	s3 =	simm.s32 $0x108;
	s8 =	sld [smem:$0x3FA1]  }
0x2e: {  	s3 =	simm.s32 @!p0 $0x1082;
	s9 =	sld [smem:$0x3FA2]  }
0x2f: {  	lr =	sadd.s32 s0, s3;
	s0 =	sld [smem:$0x3F99]  }
0x30: {  	s3 =	sld [smem:$0x3F9C]  }
0x31: {  	[smem:$0x3FA5] =	sst s10  }
0x32: {  	s10 =	sld [smem:$0x3FA3];
	_ =	sdelay $0x3  }
0x33: {  	p0 =	seq.s32 s10, $0x1;
	s10 =	sld [smem:$0x3FA5];
	_ =	sdelay $0x3  }
0x34: {  	[smem:$0x3FA5] =	sst s10  }
0x35: {  	s10 =	sld [smem:$0x3FA4];
	_ =	sdelay $0x3  }
0x36: {  	p1 =	seq.s32 s10, $0x1;
	s10 =	sld [smem:$0x3FA5];
	_ =	sdelay $0x3  }
0x37: {  	[smem:$0x3FA5] =	sst s10  }
0x38: {  	s10 =	sld [smem:$0x3FA6]  }
0x39: {  	_ = 	snop;
	(pc) =	sbr.ind lr, $3  }
0x3a: {  	_ = 	snop  }
0x3b: {  	_ = 	snop  }
0x3c: {  	p2 =	seq.s32 s10, $0x1;
	s10 =	sld [smem:$0x3FA5]  }
0x3d: {  	_ =	shalt  }
0x3e: {  	_ =	shalt  }
0x3f: {  	_ =	shalt  }
0x40: {  	_ =	shalt  }
0x41: {  	_ =	shalt  }
0x42: {  	_ =	shalt  }
0x43: {  	_ =	shalt  }
0x44: {  	_ =	shalt  }
0x45: {  	_ =	shalt  }
0x46: {  	_ =	shalt  }
0x47: {  	_ =	shalt  }
0x48: {  	_ =	shalt  }
0x49: {  	_ =	shalt  }
0x4a: {  	_ =	shalt  }
0x4b: {  	_ =	shalt  }
0x4c: {  	_ =	shalt  }
0x4d: {  	_ =	shalt  }
0x4e: {  	_ =	shalt  }
0x4f: {  	_ =	shalt  }
0x50: {  	_ =	shalt  }
0x51: {  	_ =	shalt  }
0x52: {  	_ =	shalt  }
0x53: {  	_ =	shalt  }
0x54: {  	_ =	shalt  }
0x55: {  	_ =	shalt  }
0x56: {  	_ =	shalt  }
0x57: {  	_ =	shalt  }
0x58: {  	_ =	shalt  }
0x59: {  	_ =	shalt  }
0x5a: {  	_ =	shalt  }
0x5b: {  	_ =	shalt  }
0x5c: {  	_ =	shalt  }
0x5d: {  	_ =	shalt  }
0x5e: {  	_ =	shalt  }
0x5f: {  	_ =	shalt  }
0x60: {  	_ =	shalt  }
0x61: {  	_ =	shalt  }
0x62: {  	_ =	shalt  }
0x63: {  	_ =	shalt  }
0x64: {  	_ =	shalt  }
0x65: {  	_ =	shalt  }
0x66: {  	_ =	shalt  }
0x67: {  	_ =	shalt  }
0x68: {  	_ =	shalt  }
0x69: {  	_ =	shalt  }
0x6a: {  	_ =	shalt  }
0x6b: {  	_ =	shalt  }
0x6c: {  	_ =	shalt  }
0x6d: {  	_ =	shalt  }
0x6e: {  	_ =	shalt  }
0x6f: {  	_ =	shalt  }
0x70: {  	_ =	shalt  }
0x71: {  	_ =	shalt  }
0x72: {  	_ =	shalt  }
0x73: {  	_ =	shalt  }
0x74: {  	_ =	shalt  }
0x75: {  	_ =	shalt  }
0x76: {  	_ =	shalt  }
0x77: {  	_ =	shalt  }
0x78: {  	_ =	shalt  }
0x79: {  	_ =	shalt  }
0x7a: {  	_ =	shalt  }
0x7b: {  	_ =	shalt  }
0x7c: {  	_ =	shalt  }
0x7d: {  	_ =	shalt  }
0x7e: {  	_ =	shalt  }
0x7f: {  	_ =	shalt  }
0x80: {  	_ =	shalt  }
0x81: {  	_ =	shalt  }
0x82: {  	_ =	shalt  }
0x83: {  	_ =	shalt  }
0x84: {  	_ =	shalt  }
0x85: {  	_ =	shalt  }
0x86: {  	_ =	shalt  }
0x87: {  	_ =	shalt  }
.Lfunc_end0:
.L_simem_size_0:
called_computation.1_lowered:
.L_overlay_start_0:
0x88: {  	s2 =	sld [smem:$0x3FD9]  }
0x89: {  	s3 =	sld [smem:$0x3FFE];
	_ =	sdelay $0x1  }
0x8a: {  	s1 =	srdreg.scid  }
0x8b: {  	s0 =	sand.u32 $0x1, s1  }
0x8c: {  	s17 =	sshll.u32 s0, $0xA;
	s2 =	sadd.s32 s3, s2  }
0x8d: {  	s2 =	sadd.s32 s2, s17  }
0x8e: {  	[smem:$0x3FB1] =	sst s2  }
0x8f: {  	_ = 	snop  }
0x90: {  	s2 =	sld [smem:$0x3FD0];
	(tm) =	ssettm $0x1  }
0x91: {  	s18 =	sld [smem:$0x3FFB];
	_ =	sdelay $0x3  }
0x92: {  	_ =	strace s18  }
0x93: {  	s3 =	sld [smem:$0x3FFC];
	_ =	sdelay $0x3  }
0x94: {  	_ =	strace s3  }
0x95: {  	s3 =	sld [smem:$0x3FFD];
	_ =	sdelay $0x3  }
0x96: {  	_ =	strace s3  }
0x97: {  	_ =	strace $0x8FFFFFFF  }
0x98: {  	s19 =	sld [smem:$0x3FDB];
	_ =	sdelay $0x1  }
0x99: {  	s4 =	simm.s32 $_scs_section_size  }
0x9a: {  	s5 =	simm.s32 $_size__tile_overlayer_lowered;
	s6 =	simm.s32 $_tile_overlayer_lowered  }
0x9b: {  	s22 =	simm.s32 $0x1BFF;
	s21 =	sshll.u32 s6, $0x1;
	s3 =	sadd.s32 s4, s19  }
0x9c: {  	s7 =	simm.s32 $0x0;
	s20 =	sshll.u32 s5, $0x1;
	s5 =	sadd.s32 s21, s3  }
0x9d: {  	[timem:s7], [sflag:s22] =	dma.local [hbm:s5], s20  }
0x9e: {  	_ =	swait.ge [sflag:s22], s20  }
0x9f: {  	s4 =	ssub.s32 $0x0, s20;
	[sflag:s22] =	ssyncset.done $0x0  }
0xa0: {  	[sflag:s22] =	ssyncadd.s32 s4;
	_ =	sdelay $0x1  }
0xa1: {  	s23 =	simm.s32 $0x1B8B  }
0xa2: {  	_ =	swait.ge [sflag:s23], $0x1  }
0xa3: {  	[sflag:s23] =	ssyncset.done $0x0  }
0xa4: {  	s25 =	simm.s32 $0x1B8E;
	s24 =	sld [smem:$0x3FFE];
	[sflag:s23] =	ssyncadd.s32 $0xFFFFFFFF  }
0xa5: {  	s26 =	simm.s32 $execute0_lowered;
	[smem:$0x3FD2] =	sst s25  }
0xa6: {  	s5 =	sshll.u32 s26, $0x1;
	_ =	strace $0x80000049;
	[dreg:$0x1] =	wrdreg $0xFFFFFFFF  }
0xa7: {  	s28 =	simm.s32 $_size_execute0_lowered;
	s3 =	sadd.s32 s3, s5;
	[dreg:$0x0] =	wrdreg $0x0  }
0xa8: {  	s5 =	sshll.u32 s28, $0x1;
	[dreg:$0x2] =	wrdreg s3  }
0xa9: {  	[dreg:$0x3] =	wrdreg s5  }
0xaa: {  	[dreg:$0x4] =	wrdreg $0xC0  }
0xab: {  	_ =	task [dreg:s7], $0x5FFFF  }
0xac: {  	[dreg:$0x1] =	wrdreg $0xFFFFFFFF  }
0xad: {  	[dreg:$0x0] =	wrdreg $0x60  }
0xae: {  	[dreg:$0x2] =	wrdreg s24  }
0xaf: {  	[dreg:$0x3] =	wrdreg s2  }
0xb0: {  	[dreg:$0x4] =	wrdreg $0xCD000  }
0xb1: {  	[dreg:$0x5] =	wrdreg $0x9  }
0xb2: {  	_ =	task.clear_ibuf [dreg:s7], $0x6FFFF;
	_ =	strace $0x90000049  }
0xb3: {  	s29 =	simm.s32 $0x9;
	_ =	strace $0x8000004B  }
0xb4: {  	_ =	swait.ge [sflag:s29], $0x1  }
0xb5: {  	[sflag:s29] =	ssyncadd.s32 $0xFFFFFFFF  }
0xb6: {  	_ =	strace $0x9000004B  }
0xb7: {  	_ =	sfence  }
0xb8: {  	s30 =	sld [smem:$0x0];
	_ =	sdelay $0x2  }
0xb9: {  	s31 =	sshll.u32 s1, $0xD;
	s1 =	sshrl.u32 s1, $0x2  }
0xba: {  	s3 =	sand.u32 $0x4000, s31;
	s1 =	sadd.s32 s1, s30  }
0xbb: {  	s0 =	sor.u32 s3, s0;
	s1 =	sshll.u32 s1, $0x11  }
0xbc: {  	s0 =	sor.u32 s1, s0  }
0xbd: {  	s0 =	sadd.s32 $0x8F2B, s0  }
0xbe: {  	[sflag:s0] =	ssyncadd.remote.s32 $0x1  }
0xbf: {  	_ =	sfence.sel $0xFFFF  }
0xc0: {  	[dreg:$0x0] =	wrdreg $0xFFFFFFFF;
	(pc) =	sbr.abs _section_cstart, $3  }
0xc1: {  	[dreg:$0x1] =	wrdreg $0xFFFFFFFF  }
0xc2: {  	_ =	task.clear_ibuf [dreg:s7], $0x2FFFF;
	_ =	strace $0x9FFFFFFF  }
0xc3: {  	(tm) =	ssettm $0x7FFFFFFF  }
tec
execute0_lowered:
.L_overlay_start_1:
0x0: {  	(tag) =	ssettag $0x1  }
0x1: {  	s0 =	srdreg.scid;
	s1 =	rddreg [dreg:$0x0]  }
0x2: {  	s7 =	rddreg [dreg:$0x1];
	s13 =	stileid.u32  }
0x3: {  	s2 =	rddreg [dreg:$0x2];
	s15 =	simm.s32 $0x2800;
	s16 =	simm.s32 $0x7D  }
0x4: {  	s17 =	simm.s32 $0x5000;
	s19 =	simm.s32 $0x6F40;
	s21 =	simm.s32 $0x8E80  }
0x5: {  	s22 =	simm.s32 $0x1;
	s24 =	simm.s32 $0xADC0;
	s28 =	simm.s32 $0x5  }
0x6: {  	s29 =	simm.s32 $0x3;
	s30 =	simm.s32 $0x6;
	s31 =	simm.s32 $0x4  }
0x7: {  	s23 =	simm.s32 $0x0;
	s0 =	sand.u32 $0x1, s0;
	s8 =	smul.u32 $0x28000, s13  }
0x8: {  	s5 =	sadd.s32 $0x5800, s1;
	p0 =	seq.s32 s13, $0xF;
	s3 =	sshll.u32 s0, $0x4  }
0x9: {  	s6 =	ssub.s32 $0x2, s0;
	s26 =	sshll.u32 s0, $0x7;
	s0 =	sshll.u32 s0, $0x3  }
0xa: {  	s4 =	sor.u32 s13, s3;
	s3 =	simm.s32 $0x0;
	s10 =	sshrl.u32 s6, $0x1  }
0xb: {  	s11 =	sshrl.u32 s8, $0x2;
	s8 =	sor.u32 s26, s8;
	s0 =	sadd.s32 s0, s7  }
0xc: {  	s14 =	smul.u32 $0x500, s4;
	[smem:$0x7FF] =	sst s3;
	s4 =	sadd.s32 $0x6C00, s1  }
0xd: {  	s10 =	ssub.s32 s6, s10;
	s12 =	sadd.s32 s11, s2;
	s8 =	sshrl.u32 s8, $0x4  }
0xe: {  	s11 =	sadd.s32 $0x96000, s2;
	_ =	strace $0x8000004A;
	s7 =	sadd.s32 s7, s8  }
0xf: {  	s8 =	sadd.s32 $0x25800, s0;
	s0 =	sshll.u32 @!p0 s13, $0x6;
	s12 =	sshrl.u32 @!p0 s12, $0x3  }
0x10: {  	s13 =	simm.s32 $0x9;
	s9 =	sadd.s32 s14, s1;
	s1 =	sadd.s32 $0x24600, s1  }
0x11: {  	s25 =	sadd.s32 $0x1A600, s9;
	s9 =	smax.u32 s10, $0x1;
	s10 =	sshrl.u32 @p0 s11, $0x3  }
0x12: {  	s11 =	sor.u32 @!p0 $0x1C09, s0;
	s14 =	sadd.s32 s14, s1;
	s1 =	simm.s32 $0x7  }
0x13: {  	s0 =	simm.s32 $0x8;
	[dreg:$0x4] =	wrdreg s25;
	s25 =	simm.s32 $0x2  }
.LBB2_1:
0x14: {  	s18 =	simm.s32 @p0 $0x1FC9  }
0x15: {  	[spmem:s10], [sflag:s18] =	dma.local @p0 [hbm:s5], $0xC80  }
0x16: {  	s18 =	simm.s32 @p0 $0x9  }
0x17: {  	_ =	swait.ge @p0 [sflag:s18], $0xC80  }
0x18: {  	[sflag:s18] =	ssyncset.done @p0 $0x0  }
0x19: {  	[sflag:s18] =	ssyncadd.s32 @p0 $0xFFFFF380;
	s18 =	simm.s32 @!p0 $0x9  }
0x1a: {  	[spmem:s12], [sflag:s11] =	dma.local @!p0 [hbm:s5], $0x1400  }
0x1b: {  	_ =	swait.ge @!p0 [sflag:s18], $0x1400  }
0x1c: {  	[sflag:s18] =	ssyncset.done @!p0 $0x0  }
0x1d: {  	s6 =	rddreg [dreg:$0x4];
	[sflag:s18] =	ssyncadd.s32 @!p0 $0xFFFFEC00  }
0x1e: {  	[tilespmem:s3], [sflag:$0x9] =	stream.linear.gather [hbm4b:s6+s3], $0x2800, $0x38;
	[tilespmem:$0x16940] =	vst v63  }
0x1f: {  	_ =	swait.ge [sflag:s13], $0x2800  }
0x20: {  	[sflag:s13] =	ssyncset.done $0x0  }
0x21: {  	[sflag:s13] =	ssyncadd.s32 $0xFFFFD800  }
0x22: {  	[tilespmem:s15], [sflag:$0x9] =	stream.linear.gather [hbm4b:s14+s3], $0x2800, $0x38;
	[tilespmem:$0x16940] =	vst v63  }
0x23: {  	_ =	swait.ge [sflag:s13], $0x2800  }
0x24: {  	[sflag:s13] =	ssyncset.done $0x0  }
0x25: {  	[sflag:s13] =	ssyncadd.s32 $0xFFFFD800  }
0x26: {  	[bflag:$0x0] =	sbarrier.arrive $0xFFFF  }
0x27: {  	[tilespmem:s17], [sflag:$0x1] =	stream.indirect.gather [hbm4b:s4+s16], $0x40, s3, s16, $0xb8;
	[tilespmem:$0x16940] =	vst v63  }
0x28: {  	s20 =	simm.s32 $0x80  }
0x29: {  	[tilespmem:s19], [sflag:$0x2] =	stream.indirect.gather [hbm4b:s4+s16], $0x40, s20, s16, $0xb8;
	[tilespmem:$0x16940] =	vst v63  }
0x2a: {  	s26 =	simm.s32 $0x100  }
0x2b: {  	[tilespmem:s21], [sflag:$0x3] =	stream.indirect.gather [hbm4b:s4+s16], $0x40, s26, s16, $0xb8;
	[tilespmem:$0x16940] =	vst v63  }
0x2c: {  	_ =	swait.ge [sflag:s22], $0x1F40  }
0x2d: {  	[sflag:s22] =	ssyncset.done $0x0  }
0x2e: {  	[sflag:s22] =	ssyncadd.s32 $0xFFFFE0C0  }
0x2f: {  	[spmem:s2] =	stream.indirect.scatter.add.bf16 [tilespmem:s17], [sflag:$0x5], $0x40, s15, s16, $0xb8;
	[tilespmem:$0x16940] =	vst v63  }
0x30: {  	s18 =	simm.s32 $0x180  }
0x31: {  	[tilespmem:s24], [sflag:$0x4] =	stream.indirect.gather [hbm4b:s4+s16], $0x40, s18, s16, $0xb8;
	[tilespmem:$0x16940] =	vst v63  }
0x32: {  	_ =	swait.ge [sflag:s25], $0x1F40  }
0x33: {  	[sflag:s25] =	ssyncset.done $0x0  }
0x34: {  	s20 =	simm.s32 $0x2880;
	[sflag:s25] =	ssyncadd.s32 $0xFFFFE0C0  }
0x35: {  	[spmem:s2] =	stream.indirect.scatter.add.bf16 [tilespmem:s19], [sflag:$0x6], $0x40, s20, s16, $0xb8;
	[tilespmem:$0x16940] =	vst v63  }
0x36: {  	_ =	swait.ge [sflag:s28], $0x1F40  }
0x37: {  	[sflag:s28] =	ssyncset.done $0x0  }
0x38: {  	s26 =	simm.s32 $0x200;
	[sflag:s28] =	ssyncadd.s32 $0xFFFFE0C0  }
0x39: {  	[tilespmem:s17], [sflag:$0x1] =	stream.indirect.gather [hbm4b:s4+s16], $0x40, s26, s16, $0xb8;
	[tilespmem:$0x16940] =	vst v63  }
0x3a: {  	_ =	swait.ge [sflag:s29], $0x1F40  }
0x3b: {  	[sflag:s29] =	ssyncset.done $0x0  }
0x3c: {  	s6 =	simm.s32 $0x2900;
	[sflag:s29] =	ssyncadd.s32 $0xFFFFE0C0  }
0x3d: {  	[spmem:s2] =	stream.indirect.scatter.add.bf16 [tilespmem:s21], [sflag:$0x7], $0x40, s6, s16, $0xb8;
	[tilespmem:$0x16940] =	vst v63  }
0x3e: {  	_ =	swait.ge [sflag:s30], $0x1F40  }
0x3f: {  	[sflag:s30] =	ssyncset.done $0x0  }
0x40: {  	s20 =	simm.s32 $0x280;
	[sflag:s30] =	ssyncadd.s32 $0xFFFFE0C0  }
0x41: {  	[tilespmem:s19], [sflag:$0x2] =	stream.indirect.gather [hbm4b:s4+s16], $0x40, s20, s16, $0xb8;
	[tilespmem:$0x16940] =	vst v63  }
0x42: {  	_ =	swait.ge [sflag:s31], $0x1F40  }
0x43: {  	[sflag:s31] =	ssyncset.done $0x0  }
0x44: {  	s26 =	simm.s32 $0x2980;
	[sflag:s31] =	ssyncadd.s32 $0xFFFFE0C0  }
0x45: {  	[spmem:s2] =	stream.indirect.scatter.add.bf16 [tilespmem:s24], [sflag:$0x8], $0x40, s26, s16, $0xb8;
	[tilespmem:$0x16940] =	vst v63  }
0x46: {  	_ =	swait.ge [sflag:s1], $0x1F40  }
0x47: {  	[sflag:s1] =	ssyncset.done $0x0  }
0x48: {  	s6 =	simm.s32 $0x300;
	[sflag:s1] =	ssyncadd.s32 $0xFFFFE0C0  }
0x49: {  	[tilespmem:s21], [sflag:$0x3] =	stream.indirect.gather [hbm4b:s4+s16], $0x40, s6, s16, $0xb8;
	[tilespmem:$0x16940] =	vst v63  }
0x4a: {  	_ =	swait.ge [sflag:s22], $0x1F40  }
0x4b: {  	[sflag:s22] =	ssyncset.done $0x0  }
0x4c: {  	s20 =	simm.s32 $0x2A00;
	[sflag:s22] =	ssyncadd.s32 $0xFFFFE0C0  }
0x4d: {  	[spmem:s2] =	stream.indirect.scatter.add.bf16 [tilespmem:s17], [sflag:$0x5], $0x40, s20, s16, $0xb8;
	[tilespmem:$0x16940] =	vst v63  }
0x4e: {  	_ =	swait.ge [sflag:s0], $0x1F40  }
0x4f: {  	[sflag:s0] =	ssyncset.done $0x0  }
0x50: {  	s26 =	simm.s32 $0x380;
	[sflag:s0] =	ssyncadd.s32 $0xFFFFE0C0  }
0x51: {  	[tilespmem:s24], [sflag:$0x4] =	stream.indirect.gather [hbm4b:s4+s16], $0x40, s26, s16, $0xb8;
	[tilespmem:$0x16940] =	vst v63  }
0x52: {  	_ =	swait.ge [sflag:s25], $0x1F40  }
0x53: {  	[sflag:s25] =	ssyncset.done $0x0  }
0x54: {  	s18 =	simm.s32 $0x2A80;
	s26 =	simm.s32 $0x800;
	[sflag:s25] =	ssyncadd.s32 $0xFFFFE0C0  }
.LBB2_2:
0x55: {  	[spmem:s2] =	stream.indirect.scatter.add.bf16 [tilespmem:s19], [sflag:$0x6], $0x40, s18, s16, $0xb8;
	[tilespmem:$0x16940] =	vst v63  }
0x56: {  	s18 =	smov.u32 s26  }
0x57: {  	p1 =	sne.s32 s26, $0x9000;
	s26 =	sadd.s32 $0x800, s26;
	_ =	swait.ge [sflag:s28], $0x1F40  }
0x58: {  	s18 =	sshra.s32 s18, $0x2;
	[sflag:s28] =	ssyncset.done $0x0  }
0x59: {  	s20 =	sadd.s32 $0x200, s18;
	[sflag:s28] =	ssyncadd.s32 $0xFFFFE0C0  }
0x5a: {  	[tilespmem:s17], [sflag:$0x1] =	stream.indirect.gather [hbm4b:s4+s16], $0x40, s20, s16, $0xb8;
	[tilespmem:$0x16940] =	vst v63  }
0x5b: {  	_ =	swait.ge [sflag:s29], $0x1F40  }
0x5c: {  	[sflag:s29] =	ssyncset.done $0x0  }
0x5d: {  	s20 =	sadd.s32 $0x2900, s18;
	[sflag:s29] =	ssyncadd.s32 $0xFFFFE0C0  }
0x5e: {  	[spmem:s2] =	stream.indirect.scatter.add.bf16 [tilespmem:s21], [sflag:$0x7], $0x40, s20, s16, $0xb8;
	[tilespmem:$0x16940] =	vst v63  }
0x5f: {  	_ =	swait.ge [sflag:s30], $0x1F40  }
0x60: {  	[sflag:s30] =	ssyncset.done $0x0  }
0x61: {  	s20 =	sadd.s32 $0x280, s18;
	[sflag:s30] =	ssyncadd.s32 $0xFFFFE0C0  }
0x62: {  	[tilespmem:s19], [sflag:$0x2] =	stream.indirect.gather [hbm4b:s4+s16], $0x40, s20, s16, $0xb8;
	[tilespmem:$0x16940] =	vst v63  }
0x63: {  	_ =	swait.ge [sflag:s31], $0x1F40  }
0x64: {  	[sflag:s31] =	ssyncset.done $0x0  }
0x65: {  	s20 =	sadd.s32 $0x2980, s18;
	[sflag:s31] =	ssyncadd.s32 $0xFFFFE0C0  }
0x66: {  	[spmem:s2] =	stream.indirect.scatter.add.bf16 [tilespmem:s24], [sflag:$0x8], $0x40, s20, s16, $0xb8;
	[tilespmem:$0x16940] =	vst v63  }
0x67: {  	_ =	swait.ge [sflag:s1], $0x1F40  }
0x68: {  	[sflag:s1] =	ssyncset.done $0x0  }
0x69: {  	s20 =	sadd.s32 $0x300, s18;
	[sflag:s1] =	ssyncadd.s32 $0xFFFFE0C0  }
0x6a: {  	[tilespmem:s21], [sflag:$0x3] =	stream.indirect.gather [hbm4b:s4+s16], $0x40, s20, s16, $0xb8;
	[tilespmem:$0x16940] =	vst v63  }
0x6b: {  	_ =	swait.ge [sflag:s22], $0x1F40  }
0x6c: {  	[sflag:s22] =	ssyncset.done $0x0  }
0x6d: {  	s20 =	sadd.s32 $0x2A00, s18;
	[sflag:s22] =	ssyncadd.s32 $0xFFFFE0C0  }
0x6e: {  	[spmem:s2] =	stream.indirect.scatter.add.bf16 [tilespmem:s17], [sflag:$0x5], $0x40, s20, s16, $0xb8;
	[tilespmem:$0x16940] =	vst v63  }
0x6f: {  	_ =	swait.ge [sflag:s0], $0x1F40  }
0x70: {  	[sflag:s0] =	ssyncset.done $0x0  }
.Ltmp0:
0x71: {  	s20 =	sadd.s32 $0x380, s18;
	[sflag:s0] =	ssyncadd.s32 $0xFFFFE0C0;
	(pc) =	sbr.rel @p1 .LBB2_2-.Ltmp0, $4  }
0x72: {  	[tilespmem:s24], [sflag:$0x4] =	stream.indirect.gather [hbm4b:s4+s16], $0x40, s20, s16, $0xb8;
	[tilespmem:$0x16940] =	vst v63  }
0x73: {  	_ =	swait.ge [sflag:s25], $0x1F40  }
0x74: {  	[sflag:s25] =	ssyncset.done $0x0  }
0x75: {  	s18 =	sadd.s32 $0x2A80, s18;
	[sflag:s25] =	ssyncadd.s32 $0xFFFFE0C0  }
0x76: {  	[spmem:s2] =	stream.indirect.scatter.add.bf16 [tilespmem:s19], [sflag:$0x6], $0x40, s18, s16, $0xb8;
	[tilespmem:$0x16940] =	vst v63  }
0x77: {  	_ =	swait.ge [sflag:s29], $0x1F40  }
0x78: {  	[sflag:s29] =	ssyncset.done $0x0  }
0x79: {  	s6 =	simm.s32 $0x4F00;
	[sflag:s29] =	ssyncadd.s32 $0xFFFFE0C0  }
0x7a: {  	[spmem:s2] =	stream.indirect.scatter.add.bf16 [tilespmem:s21], [sflag:$0x7], $0x40, s6, s16, $0xb8;
	[tilespmem:$0x16940] =	vst v63  }
0x7b: {  	_ =	swait.ge [sflag:s31], $0x1F40  }
0x7c: {  	[sflag:s31] =	ssyncset.done $0x0  }
0x7d: {  	s26 =	simm.s32 $0x4F80;
	[sflag:s31] =	ssyncadd.s32 $0xFFFFE0C0  }
0x7e: {  	[spmem:s2] =	stream.indirect.scatter.add.bf16 [tilespmem:s24], [sflag:$0x8], $0x40, s26, s16, $0xb8;
	[tilespmem:$0x16940] =	vst v63  }
0x7f: {  	_ =	swait.ge [sflag:s28], $0x1F40  }
0x80: {  	[sflag:s28] =	ssyncset.done $0x0  }
0x81: {  	[sflag:s28] =	ssyncadd.s32 $0xFFFFE0C0  }
0x82: {  	_ =	swait.ge [sflag:s30], $0x1F40  }
0x83: {  	[sflag:s30] =	ssyncset.done $0x0  }
0x84: {  	[sflag:s30] =	ssyncadd.s32 $0xFFFFE0C0  }
0x85: {  	_ =	swait.ge [sflag:s1], $0x1F40  }
0x86: {  	[sflag:s1] =	ssyncset.done $0x0  }
0x87: {  	[sflag:s1] =	ssyncadd.s32 $0xFFFFE0C0  }
0x88: {  	_ =	swait.ge [sflag:s0], $0x1F40  }
0x89: {  	[sflag:s0] =	ssyncset.done $0x0  }
0x8a: {  	s18 =	simm.s32 @p0 $0x1;
	s20 =	simm.s32 @p0 $0x10;
	[sflag:s0] =	ssyncadd.s32 $0xFFFFE0C0  }
0x8b: {  	s6 =	simm.s32 @p0 $0x1FC9;
	s26 =	simm.s32 @p0 $0x8;
	[bflag:$0x0] =	sbarrier.arrive $0xFFFF  }
0x8c: {  	[hbm:s8@s20], [sflag:s6] =	dma.strided @p0 [spmem:s10@s26], $0xC80, s18, $0x8   }
0x8d: {  	s6 =	simm.s32 @p0 $0x9  }
0x8e: {  	s23 =	sadd.s32 $0x1, s23;
	_ =	swait.ge @p0 [sflag:s6], $0xC80  }
0x8f: {  	p1 =	sne.s32 s23, s9;
	s18 =	simm.s32 @!p0 $0x10;
	[sflag:s6] =	ssyncset.done @p0 $0x0  }
0x90: {  	s20 =	simm.s32 @!p0 $0x8;
	[sflag:s6] =	ssyncadd.s32 @p0 $0xFFFFF380;
	s6 =	simm.s32 @!p0 $0x1  }
0x91: {  	[hbm:s7@s18], [sflag:s11] =	dma.strided @!p0 [spmem:s12@s20], $0x1400, s6, $0x8   }
.Ltmp1:
0x92: {  	_ = 	snop;
	(pc) =	sbr.rel @p1 .LBB2_1-.Ltmp1, $4  }
0x93: {  	s6 =	simm.s32 @!p0 $0x9  }
0x94: {  	_ =	swait.ge @!p0 [sflag:s6], $0x1400  }
0x95: {  	[sflag:s6] =	ssyncset.done @!p0 $0x0  }
0x96: {  	[sflag:s6] =	ssyncadd.s32 @!p0 $0xFFFFEC00  }
0x97: {  	_ =	sfence.sel $0x180000  }
0x98: {  	[bflag:$0x0] =	sbarrier.arrive $0xFFFF  }
0x99: {  	_ =	strace $0x9000004A  }
0x9a: {  	s0 =	stileid.u32;
	[bflag:$0x2] =	sbarrier.arrive $0xFFFF  }
0x9b: {  	p0 =	sne.s32 s0, $0x0;
	s0 =	rddreg [dreg:$0x3]  }
0x9c: {  	s0 =	sadd.s32 @!p0 $0x100000, s0  }
0x9d: {  	[sflag:s0] =	ssyncadd.tile.s32 @!p0 $0x1;
	_ =	shalt  }
.Lfunc_end2:
_tile_overlayer_lowered:
.L_overlay_start_2:
0x9e: {  	(tag) =	ssettag $0x2  }
0x9f: {  	s0 =	rddreg [dreg:$0x0];
	s2 =	stileid.u32  }
0xa0: {  	s1 =	rddreg [dreg:$0x1];
	p0 =	sne.s32 s2, $0x0  }
0xa1: {  	s3 =	rddreg [dreg:$0x2];
	[bflag:$0x3] =	sbarrier.arrive $0xFFFF;
	s2 =	simm.s32 @!p0 $0x1C09  }
0xa2: {  	[timem:s3], [sflag:s2] =	dma.local @!p0 [hbm:s0], s1  }
0xa3: {  	s0 =	simm.s32 @!p0 $0x9  }
0xa4: {  	_ =	swait.ge @!p0 [sflag:s0], s1  }
0xa5: {  	s1 =	ssub.s32 @!p0 $0x0, s1;
	[sflag:s0] =	ssyncset.done @!p0 $0x0  }
0xa6: {  	[sflag:s0] =	ssyncadd.s32 @!p0 s1  }
0xa7: {  	[bflag:$0x3] =	sbarrier.arrive $0xFFFF  }
0xa8: {  	_ =	shalt  }

// kernel: kernel.19.cloned.1.call-start
scs
__scs_entry_jumppad:
0x0: {  	(pc) =	sbr.rel $0x88, $3  }
0x1: {  	(tag) =	ssettag $0x0;
	lr =	simm.s32 $0x1  }
0x2: {  	[smem:$0x3F8A] =	sst lr;
	_ =	strace $0xD0000000  }
0x3: {  	_ = 	snop  }
0x4: {  	_ = 	snop  }
0x5: {  	_ = 	snop  }
0x6: {  	_ = 	snop  }
0x7: {  	_ = 	snop  }
__scs_overlays_trampoline_lowered:
0x8: {  	[smem:$0x3F99] =	sst s0  }
0x9: {  	[smem:$0x3F9A] =	sst s1  }
0xa: {  	[smem:$0x3F9B] =	sst s2  }
0xb: {  	[smem:$0x3F9C] =	sst s3  }
0xc: {  	[smem:$0x3F9D] =	sst s4  }
0xd: {  	[smem:$0x3F9E] =	sst s5  }
0xe: {  	[smem:$0x3F9F] =	sst s6  }
0xf: {  	[smem:$0x3FA0] =	sst s7  }
0x10: {  	[smem:$0x3FA1] =	sst s8  }
0x11: {  	[smem:$0x3FA2] =	sst s9;
	s0 =	simm.s32 @!p0 $0x0  }
0x12: {  	s1 =	sld [smem:$0x3F88];
	s0 =	simm.s32 @p0 $0x1  }
0x13: {  	[smem:$0x3FA3] =	sst s0;
	s0 =	simm.s32 @!p1 $0x0  }
0x14: {  	s2 =	sld [smem:$0x3F87];
	s0 =	simm.s32 @p1 $0x1  }
0x15: {  	[smem:$0x3FA4] =	sst s0;
	s0 =	simm.s32 @!p2 $0x0  }
0x16: {  	s3 =	sld [smem:$0x3FDB];
	s0 =	simm.s32 @p2 $0x1  }
0x17: {  	s4 =	simm.s32 $0x1BF5;
	[smem:$0x3FA6] =	sst s0  }
0x18: {  	s0 =	sld [smem:$0x3F89];
	_ =	swait.ge [sflag:s4], $0x0  }
0x19: {  	s7 =	sld [smem:$0x3F8A]  }
0x1a: {  	s8 =	sadd.s32 $0xFFFFE003, lr  }
0x1b: {  	s9 =	sadd.s32 $0xFFFFFEF7, lr;
	s5 =	simm.s32 $0xFFFFFFFF;
	p2 =	slt.u32 s8, $0xFFFFF086  }
0x1c: {  	p1 =	slt.u32 s9, $0xF7A;
	s5 =	simm.s32 @!p2 $0x0  }
0x1d: {  	s5 =	simm.s32 @p1 $0x1;
	p0 =	seq.s32 s7, s2  }
0x1e: {  	s7 =	smul.u32 @!p0 $0xF7A, s2;
	p2 =	seq.s32 @!p0 s5, $0x0  }
0x1f: {  	s9 =	smul.u32 $0xF7A, s1;
	s8 =	simm.s32 @!p0 $0x1BF5;
	p2 =	por !p2, p0  }
0x20: {  	[sflag:s8] =	ssyncset.s32 @!p0 $0xFFFFF086;
	s6 =	sadd.s32 @!p0 s3, s7;
	s7 =	simm.s32 @!p0 $0x108  }
0x21: {  	s3 =	sadd.s32 s3, s9;
	s6 =	sadd.s32 @!p0 $0x88, s6;
	s7 =	simm.s32 @p2 $0x1082  }
0x22: {  	[simem:s7], [sflag:s8] =	dma.local @!p0 [hbm:s6], $0xF7A  }
0x23: {  	s9 =	sor.u32 $0xD0000000, s2;
	s6 =	simm.s32 $0x108;
	_ =	swait.ge @!p0 [sflag:s8], $0x0  }
0x24: {  	s3 =	sadd.s32 $0x88, s3;
	s6 =	simm.s32 @!p1 $0x1082;
	[sflag:s4] =	ssyncset.s32 $0xFFFFF086  }
0x25: {  	[simem:s6], [sflag:s4] =	dma.local [hbm:s3], $0xF7A  }
0x26: {  	[smem:$0x3F8A] =	sst s1;
	(tag) =	ssettag s2;
	_ =	strace s9  }
0x27: {  	s1 =	sld [smem:$0x3F9A]  }
0x28: {  	s2 =	sld [smem:$0x3F9B]  }
0x29: {  	s4 =	sld [smem:$0x3F9D]  }
0x2a: {  	p0 =	seq.s32 s5, $0x0;
	s5 =	sld [smem:$0x3F9E]  }
0x2b: {  	s6 =	sld [smem:$0x3F9F]  }
0x2c: {  	s7 =	sld [smem:$0x3FA0]  }
0x2d: {  	s3 =	simm.s32 $0x108;
	s8 =	sld [smem:$0x3FA1]  }
0x2e: {  	s3 =	simm.s32 @!p0 $0x1082;
	s9 =	sld [smem:$0x3FA2]  }
0x2f: {  	lr =	sadd.s32 s0, s3;
	s0 =	sld [smem:$0x3F99]  }
0x30: {  	s3 =	sld [smem:$0x3F9C]  }
0x31: {  	[smem:$0x3FA5] =	sst s10  }
0x32: {  	s10 =	sld [smem:$0x3FA3];
	_ =	sdelay $0x3  }
0x33: {  	p0 =	seq.s32 s10, $0x1;
	s10 =	sld [smem:$0x3FA5];
	_ =	sdelay $0x3  }
0x34: {  	[smem:$0x3FA5] =	sst s10  }
0x35: {  	s10 =	sld [smem:$0x3FA4];
	_ =	sdelay $0x3  }
0x36: {  	p1 =	seq.s32 s10, $0x1;
	s10 =	sld [smem:$0x3FA5];
	_ =	sdelay $0x3  }
0x37: {  	[smem:$0x3FA5] =	sst s10  }
0x38: {  	s10 =	sld [smem:$0x3FA6]  }
0x39: {  	_ = 	snop;
	(pc) =	sbr.ind lr, $3  }
0x3a: {  	_ = 	snop  }
0x3b: {  	_ = 	snop  }
0x3c: {  	p2 =	seq.s32 s10, $0x1;
	s10 =	sld [smem:$0x3FA5]  }
0x3d: {  	_ =	shalt  }
0x3e: {  	_ =	shalt  }
0x3f: {  	_ =	shalt  }
0x40: {  	_ =	shalt  }
0x41: {  	_ =	shalt  }
0x42: {  	_ =	shalt  }
0x43: {  	_ =	shalt  }
0x44: {  	_ =	shalt  }
0x45: {  	_ =	shalt  }
0x46: {  	_ =	shalt  }
0x47: {  	_ =	shalt  }
0x48: {  	_ =	shalt  }
0x49: {  	_ =	shalt  }
0x4a: {  	_ =	shalt  }
0x4b: {  	_ =	shalt  }
0x4c: {  	_ =	shalt  }
0x4d: {  	_ =	shalt  }
0x4e: {  	_ =	shalt  }
0x4f: {  	_ =	shalt  }
0x50: {  	_ =	shalt  }
0x51: {  	_ =	shalt  }
0x52: {  	_ =	shalt  }
0x53: {  	_ =	shalt  }
0x54: {  	_ =	shalt  }
0x55: {  	_ =	shalt  }
0x56: {  	_ =	shalt  }
0x57: {  	_ =	shalt  }
0x58: {  	_ =	shalt  }
0x59: {  	_ =	shalt  }
0x5a: {  	_ =	shalt  }
0x5b: {  	_ =	shalt  }
0x5c: {  	_ =	shalt  }
0x5d: {  	_ =	shalt  }
0x5e: {  	_ =	shalt  }
0x5f: {  	_ =	shalt  }
0x60: {  	_ =	shalt  }
0x61: {  	_ =	shalt  }
0x62: {  	_ =	shalt  }
0x63: {  	_ =	shalt  }
0x64: {  	_ =	shalt  }
0x65: {  	_ =	shalt  }
0x66: {  	_ =	shalt  }
0x67: {  	_ =	shalt  }
0x68: {  	_ =	shalt  }
0x69: {  	_ =	shalt  }
0x6a: {  	_ =	shalt  }
0x6b: {  	_ =	shalt  }
0x6c: {  	_ =	shalt  }
0x6d: {  	_ =	shalt  }
0x6e: {  	_ =	shalt  }
0x6f: {  	_ =	shalt  }
0x70: {  	_ =	shalt  }
0x71: {  	_ =	shalt  }
0x72: {  	_ =	shalt  }
0x73: {  	_ =	shalt  }
0x74: {  	_ =	shalt  }
0x75: {  	_ =	shalt  }
0x76: {  	_ =	shalt  }
0x77: {  	_ =	shalt  }
0x78: {  	_ =	shalt  }
0x79: {  	_ =	shalt  }
0x7a: {  	_ =	shalt  }
0x7b: {  	_ =	shalt  }
0x7c: {  	_ =	shalt  }
0x7d: {  	_ =	shalt  }
0x7e: {  	_ =	shalt  }
0x7f: {  	_ =	shalt  }
0x80: {  	_ =	shalt  }
0x81: {  	_ =	shalt  }
0x82: {  	_ =	shalt  }
0x83: {  	_ =	shalt  }
0x84: {  	_ =	shalt  }
0x85: {  	_ =	shalt  }
0x86: {  	_ =	shalt  }
0x87: {  	_ =	shalt  }
.Lfunc_end0:
.L_simem_size_0:
called_computation.2_lowered:
.L_overlay_start_0:
0x88: {  	s2 =	sld [smem:$0x3FD9]  }
0x89: {  	s3 =	sld [smem:$0x3FFE];
	_ =	sdelay $0x1  }
0x8a: {  	s1 =	srdreg.scid  }
0x8b: {  	s0 =	sand.u32 $0x1, s1  }
0x8c: {  	s17 =	sshll.u32 s0, $0xA;
	s2 =	sadd.s32 s3, s2  }
0x8d: {  	s2 =	sadd.s32 s2, s17  }
0x8e: {  	[smem:$0x3FB1] =	sst s2  }
0x8f: {  	_ = 	snop  }
0x90: {  	s2 =	sld [smem:$0x3FD0];
	(tm) =	ssettm $0x1  }
0x91: {  	s18 =	sld [smem:$0x3FFB];
	_ =	sdelay $0x3  }
0x92: {  	_ =	strace s18  }
0x93: {  	s3 =	sld [smem:$0x3FFC];
	_ =	sdelay $0x3  }
0x94: {  	_ =	strace s3  }
0x95: {  	s3 =	sld [smem:$0x3FFD];
	_ =	sdelay $0x3  }
0x96: {  	_ =	strace s3  }
0x97: {  	_ =	strace $0x8FFFFFFF  }
0x98: {  	s19 =	sld [smem:$0x3FDB];
	_ =	sdelay $0x1  }
0x99: {  	s4 =	simm.s32 $_scs_section_size  }
0x9a: {  	s5 =	simm.s32 $_size__tile_overlayer_lowered;
	s6 =	simm.s32 $_tile_overlayer_lowered  }
0x9b: {  	s22 =	simm.s32 $0x1BFF;
	s21 =	sshll.u32 s6, $0x1;
	s3 =	sadd.s32 s4, s19  }
0x9c: {  	s7 =	simm.s32 $0x0;
	s20 =	sshll.u32 s5, $0x1;
	s5 =	sadd.s32 s21, s3  }
0x9d: {  	[timem:s7], [sflag:s22] =	dma.local [hbm:s5], s20  }
0x9e: {  	_ =	swait.ge [sflag:s22], s20  }
0x9f: {  	s4 =	ssub.s32 $0x0, s20;
	[sflag:s22] =	ssyncset.done $0x0  }
0xa0: {  	[sflag:s22] =	ssyncadd.s32 s4;
	_ =	sdelay $0x1  }
0xa1: {  	s23 =	simm.s32 $0x1B8B  }
0xa2: {  	_ =	swait.ge [sflag:s23], $0x1  }
0xa3: {  	[sflag:s23] =	ssyncset.done $0x0  }
0xa4: {  	s25 =	simm.s32 $0x1B8E;
	s24 =	sld [smem:$0x3FFE];
	[sflag:s23] =	ssyncadd.s32 $0xFFFFFFFF  }
0xa5: {  	s26 =	simm.s32 $execute0_lowered;
	[smem:$0x3FD2] =	sst s25  }
0xa6: {  	s5 =	sshll.u32 s26, $0x1;
	_ =	strace $0x8000004C;
	[dreg:$0x1] =	wrdreg $0xFFFFFFFF  }
0xa7: {  	s28 =	simm.s32 $_size_execute0_lowered;
	s3 =	sadd.s32 s3, s5;
	[dreg:$0x0] =	wrdreg $0x0  }
0xa8: {  	s5 =	sshll.u32 s28, $0x1;
	[dreg:$0x2] =	wrdreg s3  }
0xa9: {  	[dreg:$0x3] =	wrdreg s5  }
0xaa: {  	[dreg:$0x4] =	wrdreg $0xC0  }
0xab: {  	_ =	task [dreg:s7], $0x5FFFF  }
0xac: {  	[dreg:$0x1] =	wrdreg $0xFFFFFFFF  }
0xad: {  	[dreg:$0x0] =	wrdreg $0x60  }
0xae: {  	[dreg:$0x2] =	wrdreg s24  }
0xaf: {  	[dreg:$0x3] =	wrdreg s2  }
0xb0: {  	[dreg:$0x4] =	wrdreg $0xCD000  }
0xb1: {  	[dreg:$0x5] =	wrdreg $0x9  }
0xb2: {  	_ =	task.clear_ibuf [dreg:s7], $0x6FFFF;
	_ =	strace $0x9000004C  }
0xb3: {  	s29 =	simm.s32 $0x9;
	_ =	strace $0x8000004E  }
0xb4: {  	_ =	swait.ge [sflag:s29], $0x1  }
0xb5: {  	[sflag:s29] =	ssyncadd.s32 $0xFFFFFFFF  }
0xb6: {  	_ =	strace $0x9000004E  }
0xb7: {  	_ =	sfence  }
0xb8: {  	s30 =	sld [smem:$0x0];
	_ =	sdelay $0x2  }
0xb9: {  	s31 =	sshll.u32 s1, $0xD;
	s1 =	sshrl.u32 s1, $0x2  }
0xba: {  	s3 =	sand.u32 $0x4000, s31;
	s1 =	sadd.s32 s1, s30  }
0xbb: {  	s0 =	sor.u32 s3, s0;
	s1 =	sshll.u32 s1, $0x11  }
0xbc: {  	s0 =	sor.u32 s1, s0  }
0xbd: {  	s0 =	sadd.s32 $0x8F2B, s0  }
0xbe: {  	[sflag:s0] =	ssyncadd.remote.s32 $0x1  }
0xbf: {  	_ =	sfence.sel $0xFFFF  }
0xc0: {  	[dreg:$0x0] =	wrdreg $0xFFFFFFFF;
	(pc) =	sbr.abs _section_cstart, $3  }
0xc1: {  	[dreg:$0x1] =	wrdreg $0xFFFFFFFF  }
0xc2: {  	_ =	task.clear_ibuf [dreg:s7], $0x2FFFF;
	_ =	strace $0x9FFFFFFF  }
0xc3: {  	(tm) =	ssettm $0x7FFFFFFF  }
tec
execute0_lowered:
.L_overlay_start_1:
0x0: {  	(tag) =	ssettag $0x1  }
0x1: {  	s0 =	srdreg.scid;
	s1 =	rddreg [dreg:$0x0]  }
0x2: {  	s7 =	rddreg [dreg:$0x1];
	s13 =	stileid.u32  }
0x3: {  	s2 =	rddreg [dreg:$0x2];
	s15 =	simm.s32 $0x2800;
	s16 =	simm.s32 $0x7D  }
0x4: {  	s17 =	simm.s32 $0x5000;
	s19 =	simm.s32 $0x6F40;
	s21 =	simm.s32 $0x8E80  }
0x5: {  	s22 =	simm.s32 $0x1;
	s24 =	simm.s32 $0xADC0;
	s28 =	simm.s32 $0x5  }
0x6: {  	s29 =	simm.s32 $0x3;
	s30 =	simm.s32 $0x6;
	s31 =	simm.s32 $0x4  }
0x7: {  	s23 =	simm.s32 $0x0;
	s0 =	sand.u32 $0x1, s0;
	s8 =	smul.u32 $0x28000, s13  }
0x8: {  	s5 =	sadd.s32 $0x5800, s1;
	p0 =	seq.s32 s13, $0xF;
	s3 =	sshll.u32 s0, $0x4  }
0x9: {  	s6 =	ssub.s32 $0x2, s0;
	s26 =	sshll.u32 s0, $0x7;
	s0 =	sshll.u32 s0, $0x3  }
0xa: {  	s4 =	sor.u32 s13, s3;
	s3 =	simm.s32 $0x0;
	s10 =	sshrl.u32 s6, $0x1  }
0xb: {  	s11 =	sshrl.u32 s8, $0x2;
	s8 =	sor.u32 s26, s8;
	s0 =	sadd.s32 s0, s7  }
0xc: {  	s14 =	smul.u32 $0x500, s4;
	[smem:$0x7FF] =	sst s3;
	s4 =	sadd.s32 $0x6C00, s1  }
0xd: {  	s10 =	ssub.s32 s6, s10;
	s12 =	sadd.s32 s11, s2;
	s8 =	sshrl.u32 s8, $0x4  }
0xe: {  	s11 =	sadd.s32 $0x96000, s2;
	_ =	strace $0x8000004D;
	s7 =	sadd.s32 s7, s8  }
0xf: {  	s8 =	sadd.s32 $0x25800, s0;
	s0 =	sshll.u32 @!p0 s13, $0x6;
	s12 =	sshrl.u32 @!p0 s12, $0x3  }
0x10: {  	s13 =	simm.s32 $0x9;
	s9 =	sadd.s32 s14, s1;
	s1 =	sadd.s32 $0x24600, s1  }
0x11: {  	s25 =	sadd.s32 $0x1A600, s9;
	s9 =	smax.u32 s10, $0x1;
	s10 =	sshrl.u32 @p0 s11, $0x3  }
0x12: {  	s11 =	sor.u32 @!p0 $0x1C09, s0;
	s14 =	sadd.s32 s14, s1;
	s1 =	simm.s32 $0x7  }
0x13: {  	s0 =	simm.s32 $0x8;
	[dreg:$0x4] =	wrdreg s25;
	s25 =	simm.s32 $0x2  }
.LBB2_1:
0x14: {  	s18 =	simm.s32 @p0 $0x1FC9  }
0x15: {  	[spmem:s10], [sflag:s18] =	dma.local @p0 [hbm:s5], $0xC80  }
0x16: {  	s18 =	simm.s32 @p0 $0x9  }
0x17: {  	_ =	swait.ge @p0 [sflag:s18], $0xC80  }
0x18: {  	[sflag:s18] =	ssyncset.done @p0 $0x0  }
0x19: {  	[sflag:s18] =	ssyncadd.s32 @p0 $0xFFFFF380;
	s18 =	simm.s32 @!p0 $0x9  }
0x1a: {  	[spmem:s12], [sflag:s11] =	dma.local @!p0 [hbm:s5], $0x1400  }
0x1b: {  	_ =	swait.ge @!p0 [sflag:s18], $0x1400  }
0x1c: {  	[sflag:s18] =	ssyncset.done @!p0 $0x0  }
0x1d: {  	s6 =	rddreg [dreg:$0x4];
	[sflag:s18] =	ssyncadd.s32 @!p0 $0xFFFFEC00  }
0x1e: {  	[tilespmem:s3], [sflag:$0x9] =	stream.linear.gather [hbm4b:s6+s3], $0x2800, $0x38;
	[tilespmem:$0x16940] =	vst v63  }
0x1f: {  	_ =	swait.ge [sflag:s13], $0x2800  }
0x20: {  	[sflag:s13] =	ssyncset.done $0x0  }
0x21: {  	[sflag:s13] =	ssyncadd.s32 $0xFFFFD800  }
0x22: {  	[tilespmem:s15], [sflag:$0x9] =	stream.linear.gather [hbm4b:s14+s3], $0x2800, $0x38;
	[tilespmem:$0x16940] =	vst v63  }
0x23: {  	_ =	swait.ge [sflag:s13], $0x2800  }
0x24: {  	[sflag:s13] =	ssyncset.done $0x0  }
0x25: {  	[sflag:s13] =	ssyncadd.s32 $0xFFFFD800  }
0x26: {  	[bflag:$0x0] =	sbarrier.arrive $0xFFFF  }
0x27: {  	[tilespmem:s17], [sflag:$0x1] =	stream.indirect.gather [hbm4b:s4+s16], $0x40, s3, s16, $0xb8;
	[tilespmem:$0x16940] =	vst v63  }
0x28: {  	s20 =	simm.s32 $0x80  }
0x29: {  	[tilespmem:s19], [sflag:$0x2] =	stream.indirect.gather [hbm4b:s4+s16], $0x40, s20, s16, $0xb8;
	[tilespmem:$0x16940] =	vst v63  }
0x2a: {  	s26 =	simm.s32 $0x100  }
0x2b: {  	[tilespmem:s21], [sflag:$0x3] =	stream.indirect.gather [hbm4b:s4+s16], $0x40, s26, s16, $0xb8;
	[tilespmem:$0x16940] =	vst v63  }
0x2c: {  	_ =	swait.ge [sflag:s22], $0x1F40  }
0x2d: {  	[sflag:s22] =	ssyncset.done $0x0  }
0x2e: {  	[sflag:s22] =	ssyncadd.s32 $0xFFFFE0C0  }
0x2f: {  	[spmem:s2] =	stream.indirect.scatter.add.bf16 [tilespmem:s17], [sflag:$0x5], $0x40, s15, s16, $0xb8;
	[tilespmem:$0x16940] =	vst v63  }
0x30: {  	s18 =	simm.s32 $0x180  }
0x31: {  	[tilespmem:s24], [sflag:$0x4] =	stream.indirect.gather [hbm4b:s4+s16], $0x40, s18, s16, $0xb8;
	[tilespmem:$0x16940] =	vst v63  }
0x32: {  	_ =	swait.ge [sflag:s25], $0x1F40  }
0x33: {  	[sflag:s25] =	ssyncset.done $0x0  }
0x34: {  	s20 =	simm.s32 $0x2880;
	[sflag:s25] =	ssyncadd.s32 $0xFFFFE0C0  }
0x35: {  	[spmem:s2] =	stream.indirect.scatter.add.bf16 [tilespmem:s19], [sflag:$0x6], $0x40, s20, s16, $0xb8;
	[tilespmem:$0x16940] =	vst v63  }
0x36: {  	_ =	swait.ge [sflag:s28], $0x1F40  }
0x37: {  	[sflag:s28] =	ssyncset.done $0x0  }
0x38: {  	s26 =	simm.s32 $0x200;
	[sflag:s28] =	ssyncadd.s32 $0xFFFFE0C0  }
0x39: {  	[tilespmem:s17], [sflag:$0x1] =	stream.indirect.gather [hbm4b:s4+s16], $0x40, s26, s16, $0xb8;
	[tilespmem:$0x16940] =	vst v63  }
0x3a: {  	_ =	swait.ge [sflag:s29], $0x1F40  }
0x3b: {  	[sflag:s29] =	ssyncset.done $0x0  }
0x3c: {  	s6 =	simm.s32 $0x2900;
	[sflag:s29] =	ssyncadd.s32 $0xFFFFE0C0  }
0x3d: {  	[spmem:s2] =	stream.indirect.scatter.add.bf16 [tilespmem:s21], [sflag:$0x7], $0x40, s6, s16, $0xb8;
	[tilespmem:$0x16940] =	vst v63  }
0x3e: {  	_ =	swait.ge [sflag:s30], $0x1F40  }
0x3f: {  	[sflag:s30] =	ssyncset.done $0x0  }
0x40: {  	s20 =	simm.s32 $0x280;
	[sflag:s30] =	ssyncadd.s32 $0xFFFFE0C0  }
0x41: {  	[tilespmem:s19], [sflag:$0x2] =	stream.indirect.gather [hbm4b:s4+s16], $0x40, s20, s16, $0xb8;
	[tilespmem:$0x16940] =	vst v63  }
0x42: {  	_ =	swait.ge [sflag:s31], $0x1F40  }
0x43: {  	[sflag:s31] =	ssyncset.done $0x0  }
0x44: {  	s26 =	simm.s32 $0x2980;
	[sflag:s31] =	ssyncadd.s32 $0xFFFFE0C0  }
0x45: {  	[spmem:s2] =	stream.indirect.scatter.add.bf16 [tilespmem:s24], [sflag:$0x8], $0x40, s26, s16, $0xb8;
	[tilespmem:$0x16940] =	vst v63  }
0x46: {  	_ =	swait.ge [sflag:s1], $0x1F40  }
0x47: {  	[sflag:s1] =	ssyncset.done $0x0  }
0x48: {  	s6 =	simm.s32 $0x300;
	[sflag:s1] =	ssyncadd.s32 $0xFFFFE0C0  }
0x49: {  	[tilespmem:s21], [sflag:$0x3] =	stream.indirect.gather [hbm4b:s4+s16], $0x40, s6, s16, $0xb8;
	[tilespmem:$0x16940] =	vst v63  }
0x4a: {  	_ =	swait.ge [sflag:s22], $0x1F40  }
0x4b: {  	[sflag:s22] =	ssyncset.done $0x0  }
0x4c: {  	s20 =	simm.s32 $0x2A00;
	[sflag:s22] =	ssyncadd.s32 $0xFFFFE0C0  }
0x4d: {  	[spmem:s2] =	stream.indirect.scatter.add.bf16 [tilespmem:s17], [sflag:$0x5], $0x40, s20, s16, $0xb8;
	[tilespmem:$0x16940] =	vst v63  }
0x4e: {  	_ =	swait.ge [sflag:s0], $0x1F40  }
0x4f: {  	[sflag:s0] =	ssyncset.done $0x0  }
0x50: {  	s26 =	simm.s32 $0x380;
	[sflag:s0] =	ssyncadd.s32 $0xFFFFE0C0  }
0x51: {  	[tilespmem:s24], [sflag:$0x4] =	stream.indirect.gather [hbm4b:s4+s16], $0x40, s26, s16, $0xb8;
	[tilespmem:$0x16940] =	vst v63  }
0x52: {  	_ =	swait.ge [sflag:s25], $0x1F40  }
0x53: {  	[sflag:s25] =	ssyncset.done $0x0  }
0x54: {  	s18 =	simm.s32 $0x2A80;
	s26 =	simm.s32 $0x800;
	[sflag:s25] =	ssyncadd.s32 $0xFFFFE0C0  }
.LBB2_2:
0x55: {  	[spmem:s2] =	stream.indirect.scatter.add.bf16 [tilespmem:s19], [sflag:$0x6], $0x40, s18, s16, $0xb8;
	[tilespmem:$0x16940] =	vst v63  }
0x56: {  	s18 =	smov.u32 s26  }
0x57: {  	p1 =	sne.s32 s26, $0x9000;
	s26 =	sadd.s32 $0x800, s26;
	_ =	swait.ge [sflag:s28], $0x1F40  }
0x58: {  	s18 =	sshra.s32 s18, $0x2;
	[sflag:s28] =	ssyncset.done $0x0  }
0x59: {  	s20 =	sadd.s32 $0x200, s18;
	[sflag:s28] =	ssyncadd.s32 $0xFFFFE0C0  }
0x5a: {  	[tilespmem:s17], [sflag:$0x1] =	stream.indirect.gather [hbm4b:s4+s16], $0x40, s20, s16, $0xb8;
	[tilespmem:$0x16940] =	vst v63  }
0x5b: {  	_ =	swait.ge [sflag:s29], $0x1F40  }
0x5c: {  	[sflag:s29] =	ssyncset.done $0x0  }
0x5d: {  	s20 =	sadd.s32 $0x2900, s18;
	[sflag:s29] =	ssyncadd.s32 $0xFFFFE0C0  }
0x5e: {  	[spmem:s2] =	stream.indirect.scatter.add.bf16 [tilespmem:s21], [sflag:$0x7], $0x40, s20, s16, $0xb8;
	[tilespmem:$0x16940] =	vst v63  }
0x5f: {  	_ =	swait.ge [sflag:s30], $0x1F40  }
0x60: {  	[sflag:s30] =	ssyncset.done $0x0  }
0x61: {  	s20 =	sadd.s32 $0x280, s18;
	[sflag:s30] =	ssyncadd.s32 $0xFFFFE0C0  }
0x62: {  	[tilespmem:s19], [sflag:$0x2] =	stream.indirect.gather [hbm4b:s4+s16], $0x40, s20, s16, $0xb8;
	[tilespmem:$0x16940] =	vst v63  }
0x63: {  	_ =	swait.ge [sflag:s31], $0x1F40  }
0x64: {  	[sflag:s31] =	ssyncset.done $0x0  }
0x65: {  	s20 =	sadd.s32 $0x2980, s18;
	[sflag:s31] =	ssyncadd.s32 $0xFFFFE0C0  }
0x66: {  	[spmem:s2] =	stream.indirect.scatter.add.bf16 [tilespmem:s24], [sflag:$0x8], $0x40, s20, s16, $0xb8;
	[tilespmem:$0x16940] =	vst v63  }
0x67: {  	_ =	swait.ge [sflag:s1], $0x1F40  }
0x68: {  	[sflag:s1] =	ssyncset.done $0x0  }
0x69: {  	s20 =	sadd.s32 $0x300, s18;
	[sflag:s1] =	ssyncadd.s32 $0xFFFFE0C0  }
0x6a: {  	[tilespmem:s21], [sflag:$0x3] =	stream.indirect.gather [hbm4b:s4+s16], $0x40, s20, s16, $0xb8;
	[tilespmem:$0x16940] =	vst v63  }
0x6b: {  	_ =	swait.ge [sflag:s22], $0x1F40  }
0x6c: {  	[sflag:s22] =	ssyncset.done $0x0  }
0x6d: {  	s20 =	sadd.s32 $0x2A00, s18;
	[sflag:s22] =	ssyncadd.s32 $0xFFFFE0C0  }
0x6e: {  	[spmem:s2] =	stream.indirect.scatter.add.bf16 [tilespmem:s17], [sflag:$0x5], $0x40, s20, s16, $0xb8;
	[tilespmem:$0x16940] =	vst v63  }
0x6f: {  	_ =	swait.ge [sflag:s0], $0x1F40  }
0x70: {  	[sflag:s0] =	ssyncset.done $0x0  }
.Ltmp0:
0x71: {  	s20 =	sadd.s32 $0x380, s18;
	[sflag:s0] =	ssyncadd.s32 $0xFFFFE0C0;
	(pc) =	sbr.rel @p1 .LBB2_2-.Ltmp0, $4  }
0x72: {  	[tilespmem:s24], [sflag:$0x4] =	stream.indirect.gather [hbm4b:s4+s16], $0x40, s20, s16, $0xb8;
	[tilespmem:$0x16940] =	vst v63  }
0x73: {  	_ =	swait.ge [sflag:s25], $0x1F40  }
0x74: {  	[sflag:s25] =	ssyncset.done $0x0  }
0x75: {  	s18 =	sadd.s32 $0x2A80, s18;
	[sflag:s25] =	ssyncadd.s32 $0xFFFFE0C0  }
0x76: {  	[spmem:s2] =	stream.indirect.scatter.add.bf16 [tilespmem:s19], [sflag:$0x6], $0x40, s18, s16, $0xb8;
	[tilespmem:$0x16940] =	vst v63  }
0x77: {  	_ =	swait.ge [sflag:s29], $0x1F40  }
0x78: {  	[sflag:s29] =	ssyncset.done $0x0  }
0x79: {  	s6 =	simm.s32 $0x4F00;
	[sflag:s29] =	ssyncadd.s32 $0xFFFFE0C0  }
0x7a: {  	[spmem:s2] =	stream.indirect.scatter.add.bf16 [tilespmem:s21], [sflag:$0x7], $0x40, s6, s16, $0xb8;
	[tilespmem:$0x16940] =	vst v63  }
0x7b: {  	_ =	swait.ge [sflag:s31], $0x1F40  }
0x7c: {  	[sflag:s31] =	ssyncset.done $0x0  }
0x7d: {  	s26 =	simm.s32 $0x4F80;
	[sflag:s31] =	ssyncadd.s32 $0xFFFFE0C0  }
0x7e: {  	[spmem:s2] =	stream.indirect.scatter.add.bf16 [tilespmem:s24], [sflag:$0x8], $0x40, s26, s16, $0xb8;
	[tilespmem:$0x16940] =	vst v63  }
0x7f: {  	_ =	swait.ge [sflag:s28], $0x1F40  }
0x80: {  	[sflag:s28] =	ssyncset.done $0x0  }
0x81: {  	[sflag:s28] =	ssyncadd.s32 $0xFFFFE0C0  }
0x82: {  	_ =	swait.ge [sflag:s30], $0x1F40  }
0x83: {  	[sflag:s30] =	ssyncset.done $0x0  }
0x84: {  	[sflag:s30] =	ssyncadd.s32 $0xFFFFE0C0  }
0x85: {  	_ =	swait.ge [sflag:s1], $0x1F40  }
0x86: {  	[sflag:s1] =	ssyncset.done $0x0  }
0x87: {  	[sflag:s1] =	ssyncadd.s32 $0xFFFFE0C0  }
0x88: {  	_ =	swait.ge [sflag:s0], $0x1F40  }
0x89: {  	[sflag:s0] =	ssyncset.done $0x0  }
0x8a: {  	s18 =	simm.s32 @p0 $0x1;
	s20 =	simm.s32 @p0 $0x10;
	[sflag:s0] =	ssyncadd.s32 $0xFFFFE0C0  }
0x8b: {  	s6 =	simm.s32 @p0 $0x1FC9;
	s26 =	simm.s32 @p0 $0x8;
	[bflag:$0x0] =	sbarrier.arrive $0xFFFF  }
0x8c: {  	[hbm:s8@s20], [sflag:s6] =	dma.strided @p0 [spmem:s10@s26], $0xC80, s18, $0x8   }
0x8d: {  	s6 =	simm.s32 @p0 $0x9  }
0x8e: {  	s23 =	sadd.s32 $0x1, s23;
	_ =	swait.ge @p0 [sflag:s6], $0xC80  }
0x8f: {  	p1 =	sne.s32 s23, s9;
	s18 =	simm.s32 @!p0 $0x10;
	[sflag:s6] =	ssyncset.done @p0 $0x0  }
0x90: {  	s20 =	simm.s32 @!p0 $0x8;
	[sflag:s6] =	ssyncadd.s32 @p0 $0xFFFFF380;
	s6 =	simm.s32 @!p0 $0x1  }
0x91: {  	[hbm:s7@s18], [sflag:s11] =	dma.strided @!p0 [spmem:s12@s20], $0x1400, s6, $0x8   }
.Ltmp1:
0x92: {  	_ = 	snop;
	(pc) =	sbr.rel @p1 .LBB2_1-.Ltmp1, $4  }
0x93: {  	s6 =	simm.s32 @!p0 $0x9  }
0x94: {  	_ =	swait.ge @!p0 [sflag:s6], $0x1400  }
0x95: {  	[sflag:s6] =	ssyncset.done @!p0 $0x0  }
0x96: {  	[sflag:s6] =	ssyncadd.s32 @!p0 $0xFFFFEC00  }
0x97: {  	_ =	sfence.sel $0x180000  }
0x98: {  	[bflag:$0x0] =	sbarrier.arrive $0xFFFF  }
0x99: {  	_ =	strace $0x9000004D  }
0x9a: {  	s0 =	stileid.u32;
	[bflag:$0x2] =	sbarrier.arrive $0xFFFF  }
0x9b: {  	p0 =	sne.s32 s0, $0x0;
	s0 =	rddreg [dreg:$0x3]  }
0x9c: {  	s0 =	sadd.s32 @!p0 $0x100000, s0  }
0x9d: {  	[sflag:s0] =	ssyncadd.tile.s32 @!p0 $0x1;
	_ =	shalt  }
.Lfunc_end2:
_tile_overlayer_lowered:
.L_overlay_start_2:
0x9e: {  	(tag) =	ssettag $0x2  }
0x9f: {  	s0 =	rddreg [dreg:$0x0];
	s2 =	stileid.u32  }
0xa0: {  	s1 =	rddreg [dreg:$0x1];
	p0 =	sne.s32 s2, $0x0  }
0xa1: {  	s3 =	rddreg [dreg:$0x2];
	[bflag:$0x3] =	sbarrier.arrive $0xFFFF;
	s2 =	simm.s32 @!p0 $0x1C09  }
0xa2: {  	[timem:s3], [sflag:s2] =	dma.local @!p0 [hbm:s0], s1  }
0xa3: {  	s0 =	simm.s32 @!p0 $0x9  }
0xa4: {  	_ =	swait.ge @!p0 [sflag:s0], s1  }
0xa5: {  	s1 =	ssub.s32 @!p0 $0x0, s1;
	[sflag:s0] =	ssyncset.done @!p0 $0x0  }
0xa6: {  	[sflag:s0] =	ssyncadd.s32 @!p0 s1  }
0xa7: {  	[bflag:$0x3] =	sbarrier.arrive $0xFFFF  }
0xa8: {  	_ =	shalt  }

</sc_bundles>
